<compile_context>
chip_gen: v7x
topology: tpu7x:2x2x1
jax: 0.10.2.dev20260603
libtpu: 0.0.44.dev20260713+nightly
codegen_flags: <defaults>
</compile_context>

<pallas_src>
import functools

import jax
import jax.numpy as jnp
from jax import lax
from jax.experimental import pallas as pl
from jax.experimental.pallas import tpu as pltpu
from jax.experimental.pallas import tpu_sc as plsc

N, E, D, DE, H = 10000, 320000, 128, 16, 32

NC, NS = 2, 16
NW = NC * NS
CB = 128
JPW = 80
E_PAD = NW * JPW * CB
EC = E // CB
N_ACC = 10112
RPT = N_ACC // NS
AW = H + 16
L = 16


ARS = H + 1


def _nodeproj_body(x_ref, wa_ref, wb_ref, b1_ref, ps_ref, pd_ref):
    x = x_ref[...]
    ps_ref[...] = jnp.dot(x, wa_ref[...], preferred_element_type=jnp.float32)
    pd_ref[...] = jnp.dot(x, wb_ref[...], preferred_element_type=jnp.float32) + b1_ref[...]


def _node_projections(x_pad, w1aT, w1bT, b1):
    blk = N_ACC // 4
    return pl.pallas_call(
        _nodeproj_body,
        grid=(4,),
        in_specs=[
            pl.BlockSpec((blk, D), lambda i: (i, 0)),
            pl.BlockSpec((D, H), lambda i: (0, 0)),
            pl.BlockSpec((D, H), lambda i: (0, 0)),
            pl.BlockSpec((H,), lambda i: (0,)),
        ],
        out_specs=[
            pl.BlockSpec((blk, H), lambda i: (i, 0)),
            pl.BlockSpec((blk, H), lambda i: (i, 0)),
        ],
        out_shape=[
            jax.ShapeDtypeStruct((N_ACC, H), jnp.float32),
            jax.ShapeDtypeStruct((N_ACC, H), jnp.float32),
        ],
    )(x_pad, w1aT, w1bT, b1)


def _attrproj_body(at_ref, w_ref, out_ref):
    out_ref[...] = jnp.dot(w_ref[...], at_ref[...],
                           preferred_element_type=jnp.float32)


def _attr_projection(attr_t, w1c):
    blk = 32000
    return pl.pallas_call(
        _attrproj_body,
        grid=(E // blk,),
        in_specs=[
            pl.BlockSpec((DE, blk), lambda i: (0, i)),
            pl.BlockSpec((H, DE), lambda i: (0, 0)),
        ],
        out_specs=pl.BlockSpec((H, blk), lambda i: (0, i)),
        out_shape=jax.ShapeDtypeStruct((H, E), jnp.float32),
    )(attr_t, w1c)


def _edge_body(ps_hbm, pd_hbm, attr_hbm, src_hbm, dst_hbm, zacc_hbm,
               hinit_hbm,
               acc_out,
               idx_s, idx_d, a_rm, rows_s0, rows_d0, at_v0, h_v0, rows_s1,
               rows_d1, at_v1, h_v1, acc_sh,
               gs0, gd0, ga0, ss0, gs1, gd1, ga1, ss1):
    cid = lax.axis_index("c")
    sid = lax.axis_index("s")
    wid = sid * NC + cid
    base = sid * RPT

    pltpu.sync_copy(zacc_hbm, acc_sh.at[pl.ds(base, RPT)])
    pltpu.sync_copy(hinit_hbm, h_v0)
    pltpu.sync_copy(hinit_hbm, h_v1)
    pltpu.sync_copy(src_hbm.at[wid], idx_s)
    pltpu.sync_copy(dst_hbm.at[wid], idx_d)
    plsc.subcore_barrier()

    bufs = ((rows_s0, rows_d0, at_v0, h_v0, gs0, gd0, ga0, ss0),
            (rows_s1, rows_d1, at_v1, h_v1, gs1, gd1, ga1, ss1))

    def start_gathers(jj, b):
        rs, rd, av = bufs[b][0], bufs[b][1], bufs[b][2]
        pltpu.async_copy(ps_hbm.at[idx_s.at[jj]], rs, bufs[b][4])
        pltpu.async_copy(pd_hbm.at[idx_d.at[jj]], rd, bufs[b][5])

        @pl.when(wid * JPW + jj < EC)
        def _():
            pltpu.async_copy(attr_hbm.at[:, wid * JPW + jj], av, bufs[b][6])

    start_gathers(0, 0)
    start_gathers(1, 1)

    def pair_body(i, carry):
        for b in range(2):
            jj = 2 * i + b
            rs, rd, av, hv, gs, gd, ga, ss = bufs[b]
            pltpu.make_async_copy(ps_hbm.at[idx_s.at[jj]], rs, gs).wait()
            pltpu.make_async_copy(pd_hbm.at[idx_d.at[jj]], rd, gd).wait()

            @pl.when(wid * JPW + jj < EC)
            def _():
                pltpu.make_async_copy(
                    attr_hbm.at[:, wid * JPW + jj], av, ga).wait()

            @pl.when(i > 0)
            def _():
                pltpu.make_async_copy(hv, acc_sh.at[idx_d.at[jj]], ss).wait()

            iota16 = jax.lax.iota(jnp.int32, L)

            def tr_body(g, carry2):
                ridx = (iota16 + g * L) * ARS
                for c in range(H):
                    v = av[c, pl.ds(g * L, L)]
                    plsc.store_scatter(a_rm, [ridx + c], v)
                return carry2

            lax.fori_loop(0, CB // L, tr_body, 0, unroll=2)

            def row_body(r, carry2):
                a0 = a_rm[pl.ds(r * ARS, L)]
                a1 = a_rm[pl.ds(r * ARS + L, L)]
                h0 = jnp.maximum(rs[r, pl.ds(0, L)] + rd[r, pl.ds(0, L)] + a0, 0.0)
                h1 = jnp.maximum(rs[r, pl.ds(L, L)] + rd[r, pl.ds(L, L)] + a1, 0.0)
                hv[r, pl.ds(0, H)] = plsc.pack(h0, h1,
                                               format=plsc.PackFormat.INTERLEAVED)
                return carry2

            lax.fori_loop(0, CB, row_body, 0, unroll=4)

            pltpu.async_copy(hv, acc_sh.at[idx_d.at[jj]], ss, add=True)

            @pl.when(i < JPW // 2 - 1)
            def _():
                start_gathers(jj + 2, b)
        return carry

    lax.fori_loop(0, JPW // 2, pair_body, 0)

    pltpu.make_async_copy(h_v0, acc_sh.at[idx_d.at[JPW - 2]], ss0).wait()
    pltpu.make_async_copy(h_v1, acc_sh.at[idx_d.at[JPW - 1]], ss1).wait()
    plsc.subcore_barrier()
    pltpu.sync_copy(acc_sh.at[pl.ds(base, RPT)], acc_out.at[cid, pl.ds(base, RPT)])


_edge_kernel = pl.kernel(
    _edge_body,
    out_type=jax.ShapeDtypeStruct((NC, N_ACC, AW), jnp.bfloat16),
    mesh=plsc.VectorSubcoreMesh(core_axis_name="c", subcore_axis_name="s"),
    scratch_types=[
        pltpu.VMEM((JPW, CB), jnp.int32),
        pltpu.VMEM((JPW, CB), jnp.int32),
        pltpu.VMEM((CB * ARS,), jnp.float32),
        pltpu.VMEM((CB, H), jnp.float32),
        pltpu.VMEM((CB, H), jnp.float32),
        pltpu.VMEM((H, CB), jnp.float32),
        pltpu.VMEM((CB, AW), jnp.bfloat16),
        pltpu.VMEM((CB, H), jnp.float32),
        pltpu.VMEM((CB, H), jnp.float32),
        pltpu.VMEM((H, CB), jnp.float32),
        pltpu.VMEM((CB, AW), jnp.bfloat16),
        pltpu.VMEM_SHARED((N_ACC, AW), jnp.bfloat16),
        pltpu.SemaphoreType.DMA,
        pltpu.SemaphoreType.DMA,
        pltpu.SemaphoreType.DMA,
        pltpu.SemaphoreType.DMA,
        pltpu.SemaphoreType.DMA,
        pltpu.SemaphoreType.DMA,
        pltpu.SemaphoreType.DMA,
        pltpu.SemaphoreType.DMA,
    ],
    compiler_params=pltpu.CompilerParams(use_tc_tiling_on_sc=False,
                                         needs_layout_passes=False),
)


def _post_body(x_ref, a0_ref, a1_ref, w2T_ref, b2_ref,
               w3aT_ref, w3bT_ref, b3_ref, out_ref):
    x = x_ref[...]
    acc = (a0_ref[0].astype(jnp.float32) + a1_ref[0].astype(jnp.float32))
    hs = acc[:, :H]
    cnt = acc[:, H:H + 1]
    agg = (jnp.dot(hs, w2T_ref[...], preferred_element_type=jnp.float32)
           + cnt * b2_ref[...]) / (cnt + 1e-6)
    xn = (jnp.dot(x, w3aT_ref[...], preferred_element_type=jnp.float32)
          + jnp.dot(agg, w3bT_ref[...], preferred_element_type=jnp.float32)
          + b3_ref[...])
    out_ref[...] = x + jnp.maximum(xn, 0.0)


def _post_update(x, accs, w2T, b2, w3aT, w3bT, b3):
    blk = 1000
    return pl.pallas_call(
        _post_body,
        grid=(N // blk,),
        in_specs=[
            pl.BlockSpec((blk, D), lambda i: (i, 0)),
            pl.BlockSpec((1, blk, AW), lambda i: (0, i, 0)),
            pl.BlockSpec((1, blk, AW), lambda i: (1, i, 0)),
            pl.BlockSpec((H, H), lambda i: (0, 0)),
            pl.BlockSpec((H,), lambda i: (0,)),
            pl.BlockSpec((D, D), lambda i: (0, 0)),
            pl.BlockSpec((H, D), lambda i: (0, 0)),
            pl.BlockSpec((D,), lambda i: (0,)),
        ],
        out_specs=pl.BlockSpec((blk, D), lambda i: (i, 0)),
        out_shape=jax.ShapeDtypeStruct((N, D), jnp.float32),
    )(x, accs, accs, w2T, b2, w3aT, w3bT, b3)


def kernel(x, edge_index, edge_attr, W1, b1, W2, b2, W3, b3):
    w1aT = W1[:, :D].T
    w1bT = W1[:, D:2 * D].T
    w1cT = W1[:, 2 * D:].T
    w2T = W2.T
    w3aT = W3[:, :D].T
    w3bT = W3[:, D:].T

    x_pad = jnp.pad(x, ((0, N_ACC - N), (0, 0)))
    src = jnp.pad(edge_index[0], (0, E_PAD - E)).reshape(NW, JPW, CB)
    dst = jnp.pad(edge_index[1], (0, E_PAD - E), constant_values=N).reshape(NW, JPW, CB)

    ps, pd = _node_projections(x_pad, w1aT, w1bT, b1)

    zacc = jnp.zeros((RPT, AW), jnp.bfloat16)
    hinit = jnp.zeros((CB, AW), jnp.bfloat16).at[:, H].set(1.0)

    perm = jnp.array([(c % 2) * L + c // 2 for c in range(H)], jnp.int32)
    w2T = w2T[perm, :]

    at3 = _attr_projection(edge_attr.T, W1[:, 2 * D:]).reshape(H, EC, CB)
    accs = _edge_kernel(ps, pd, at3, src, dst, zacc, hinit)

    return _post_update(x, accs, w2T, b2, w3aT, w3bT, b3)

# --- scband reference (transcript-rebuilt; emitter-appended) ---
"""Pipeline reference for scband-edge-conv-16174846837133 (READ-ONLY COPY).

The authoritative reference and input builder live on the scoring server;
editing this copy changes nothing except your own understanding.
"""

import jax, jax.numpy as jnp
import numpy as np

N, E, D, DE, H = 10000, 320000, 128, 16, 32


def setup_inputs(seed: int = 0) -> dict:
    key = jax.random.key(seed)
    ks = jax.random.split(key, 10)
    x = jax.random.normal(ks[0], (N, D), dtype=jnp.float32)
    edge_index = jax.random.randint(ks[1], (2, E), 0, N, dtype=jnp.int32)
    edge_attr = jax.random.normal(ks[2], (E, DE), dtype=jnp.float32)
    W1 = jax.random.normal(ks[3], (H, 2 * D + DE), dtype=jnp.float32) * 0.05
    b1 = jnp.zeros((H,), dtype=jnp.float32)
    W2 = jax.random.normal(ks[4], (H, H), dtype=jnp.float32) * 0.05
    b2 = jnp.zeros((H,), dtype=jnp.float32)
    W3 = jax.random.normal(ks[5], (D, D + H), dtype=jnp.float32) * 0.05
    b3 = jnp.zeros((D,), dtype=jnp.float32)
    return {"x": x, "edge_index": edge_index, "edge_attr": edge_attr,
            "W1": W1, "b1": b1, "W2": W2, "b2": b2, "W3": W3, "b3": b3}


def reference(x, edge_index, edge_attr, W1, b1, W2, b2, W3, b3):
    src = edge_index[0]
    dst = edge_index[1]
    n_nodes = x.shape[0]
    n_edges = edge_index.shape[1]
    x_src = jnp.take(x, src, axis=0)
    x_dst = jnp.take(x, dst, axis=0)
    edge_input = jnp.concatenate([x_src, x_dst, edge_attr], axis=1)
    h = jnp.maximum(edge_input @ W1.T + b1, 0.0)  # dropout=0.0 -> identity
    messages = h @ W2.T + b2
    aggregated = jnp.zeros((n_nodes, messages.shape[1]), dtype=x.dtype).at[dst].add(messages)
    counts = jnp.zeros((n_nodes, 1), dtype=x.dtype).at[dst].add(jnp.ones((n_edges, 1), dtype=x.dtype))
    aggregated = aggregated / (counts + 1e-06)
    update_input = jnp.concatenate([x, aggregated], axis=1)
    x_new = jnp.maximum(update_input @ W3.T + b3, 0.0)
    return x + x_new

if __name__ == "__main__":
    import jax
    _d = setup_inputs()
    print(jax.jit(kernel)(*tuple(_d.values())))

</pallas_src>

<mosaic_0001>
#map = affine_map<(d0, d1) -> (0, 0)>
#map1 = affine_map<(d0, d1) -> (0, 0, 0)>
module attributes {stable_mosaic.version = 14 : i64} {
  func.func @_edge_body(%arg0: i32, %arg1: i32, %arg2: memref<10112x32xf32, #tpu.memory_space<hbm>>, %arg3: memref<10112x32xf32, #tpu.memory_space<hbm>>, %arg4: memref<32x2500x128xf32, #tpu.memory_space<hbm>>, %arg5: memref<32x80x128xi32, #tpu.memory_space<hbm>>, %arg6: memref<32x80x128xi32, #tpu.memory_space<hbm>>, %arg7: memref<632x48xbf16, #tpu.memory_space<hbm>>, %arg8: memref<128x48xbf16, #tpu.memory_space<hbm>>, %arg9: memref<2x10112x48xbf16, #tpu.memory_space<hbm>>, %arg10: memref<80x128xi32, #tpu.memory_space<vmem>>, %arg11: memref<80x128xi32, #tpu.memory_space<vmem>>, %arg12: memref<4224xf32, #tpu.memory_space<vmem>>, %arg13: memref<128x32xf32, #tpu.memory_space<vmem>>, %arg14: memref<128x32xf32, #tpu.memory_space<vmem>>, %arg15: memref<32x128xf32, #tpu.memory_space<vmem>>, %arg16: memref<128x48xbf16, #tpu.memory_space<vmem>>, %arg17: memref<128x32xf32, #tpu.memory_space<vmem>>, %arg18: memref<128x32xf32, #tpu.memory_space<vmem>>, %arg19: memref<32x128xf32, #tpu.memory_space<vmem>>, %arg20: memref<128x48xbf16, #tpu.memory_space<vmem>>, %arg21: memref<10112x48xbf16, #tpu.memory_space<vmem_shared>>, %arg22: memref<!tpu.dma_semaphore, #tpu.memory_space<semaphore_mem>>, %arg23: memref<!tpu.dma_semaphore, #tpu.memory_space<semaphore_mem>>, %arg24: memref<!tpu.dma_semaphore, #tpu.memory_space<semaphore_mem>>, %arg25: memref<!tpu.dma_semaphore, #tpu.memory_space<semaphore_mem>>, %arg26: memref<!tpu.dma_semaphore, #tpu.memory_space<semaphore_mem>>, %arg27: memref<!tpu.dma_semaphore, #tpu.memory_space<semaphore_mem>>, %arg28: memref<!tpu.dma_semaphore, #tpu.memory_space<semaphore_mem>>, %arg29: memref<!tpu.dma_semaphore, #tpu.memory_space<semaphore_mem>>) attributes {dimension_semantics = [#tpu.dimension_semantics<core_parallel>, #tpu.dimension_semantics<subcore_parallel>], iteration_bounds = array<i64: 2, 16>, scalar_prefetch = 0 : i64, scratch_operands = 20 : i64, tpu.core_type = #tpu.core_type<sc_vector_subcore>, window_params = [{transform_indices = #map}, {transform_indices = #map}, {transform_indices = #map1}, {transform_indices = #map1}, {transform_indices = #map1}, {transform_indices = #map}, {transform_indices = #map}, {transform_indices = #map1}]} {
    %mul3A = arith.constant 2 : i32
    %mul3A_0 = arith.muli %arg1, %mul3A : i32
    %add3A = arith.addi %mul3A_0, %arg0 : i32
    %mul3A_1 = arith.constant 632 : i32
    %mul3A_2 = arith.muli %arg1, %mul3A_1 : i32
    "tpu.region"() ({
      %run_scoped3A = tpu.sem_alloc : memref<!tpu.dma_semaphore, #tpu.memory_space<semaphore_mem>>
      %dma_start3A_64 = arith.constant 0 : i32
      %dma_start3A_65 = tpu.memref_slice %arg21[%mul3A_2, %dma_start3A_64] : memref<10112x48xbf16, #tpu.memory_space<vmem_shared>> -> memref<632x48xbf16, #tpu.memory_space<vmem_shared>>
      tpu.enqueue_dma source(%arg7 : memref<632x48xbf16, #tpu.memory_space<hbm>>) target(%dma_start3A_65 : memref<632x48xbf16, #tpu.memory_space<vmem_shared>>) target_semaphore(%run_scoped3A : memref<!tpu.dma_semaphore, #tpu.memory_space<semaphore_mem>>)
      %dma_wait3A_66 = arith.constant 0 : i32
      %dma_wait3A_67 = tpu.memref_slice %arg21[%mul3A_2, %dma_wait3A_66] : memref<10112x48xbf16, #tpu.memory_space<vmem_shared>> -> memref<632x48xbf16, #tpu.memory_space<vmem_shared>>
      tpu.wait_dma2 semaphore(%run_scoped3A : memref<!tpu.dma_semaphore, #tpu.memory_space<semaphore_mem>>) src(%arg7 : memref<632x48xbf16, #tpu.memory_space<hbm>>) dst(%dma_wait3A_67 : memref<632x48xbf16, #tpu.memory_space<vmem_shared>>)
      tpu.yield
    }) : () -> ()
    "tpu.region"() ({
      %run_scoped3A = tpu.sem_alloc : memref<!tpu.dma_semaphore, #tpu.memory_space<semaphore_mem>>
      tpu.enqueue_dma source(%arg8 : memref<128x48xbf16, #tpu.memory_space<hbm>>) target(%arg16 : memref<128x48xbf16, #tpu.memory_space<vmem>>) target_semaphore(%run_scoped3A : memref<!tpu.dma_semaphore, #tpu.memory_space<semaphore_mem>>)
      tpu.wait_dma2 semaphore(%run_scoped3A : memref<!tpu.dma_semaphore, #tpu.memory_space<semaphore_mem>>) src(%arg8 : memref<128x48xbf16, #tpu.memory_space<hbm>>) dst(%arg16 : memref<128x48xbf16, #tpu.memory_space<vmem>>)
      tpu.yield
    }) : () -> ()
    "tpu.region"() ({
      %run_scoped3A = tpu.sem_alloc : memref<!tpu.dma_semaphore, #tpu.memory_space<semaphore_mem>>
      tpu.enqueue_dma source(%arg8 : memref<128x48xbf16, #tpu.memory_space<hbm>>) target(%arg20 : memref<128x48xbf16, #tpu.memory_space<vmem>>) target_semaphore(%run_scoped3A : memref<!tpu.dma_semaphore, #tpu.memory_space<semaphore_mem>>)
      tpu.wait_dma2 semaphore(%run_scoped3A : memref<!tpu.dma_semaphore, #tpu.memory_space<semaphore_mem>>) src(%arg8 : memref<128x48xbf16, #tpu.memory_space<hbm>>) dst(%arg20 : memref<128x48xbf16, #tpu.memory_space<vmem>>)
      tpu.yield
    }) : () -> ()
    "tpu.region"() ({
      %run_scoped3A = tpu.sem_alloc : memref<!tpu.dma_semaphore, #tpu.memory_space<semaphore_mem>>
      %dma_start3A_64 = arith.constant 0 : i32
      %dma_start3A_65 = arith.constant 0 : i32
      %dma_start3A_66 = tpu.memref_slice %arg5[%add3A, %dma_start3A_64, %dma_start3A_65] : memref<32x80x128xi32, #tpu.memory_space<hbm>> -> memref<1x80x128xi32, #tpu.memory_space<hbm>>
      %dma_start3A_67 = tpu.memref_squeeze %dma_start3A_66 : memref<1x80x128xi32, #tpu.memory_space<hbm>> -> memref<80x128xi32, #tpu.memory_space<hbm>>
      %dma_start3A_68 = arith.constant 0 : i32
      %dma_start3A_69 = arith.constant 0 : i32
      %dma_start3A_70 = tpu.memref_slice %arg5[%add3A, %dma_start3A_68, %dma_start3A_69] : memref<32x80x128xi32, #tpu.memory_space<hbm>> -> memref<1x80x128xi32, #tpu.memory_space<hbm>>
      %dma_start3A_71 = tpu.memref_squeeze %dma_start3A_70 : memref<1x80x128xi32, #tpu.memory_space<hbm>> -> memref<80x128xi32, #tpu.memory_space<hbm>>
      tpu.enqueue_dma source(%dma_start3A_71 : memref<80x128xi32, #tpu.memory_space<hbm>>) target(%arg10 : memref<80x128xi32, #tpu.memory_space<vmem>>) target_semaphore(%run_scoped3A : memref<!tpu.dma_semaphore, #tpu.memory_space<semaphore_mem>>)
      %dma_wait3A_72 = arith.constant 0 : i32
      %dma_wait3A_73 = arith.constant 0 : i32
      %dma_wait3A_74 = tpu.memref_slice %arg5[%add3A, %dma_wait3A_72, %dma_wait3A_73] : memref<32x80x128xi32, #tpu.memory_space<hbm>> -> memref<1x80x128xi32, #tpu.memory_space<hbm>>
      %dma_wait3A_75 = tpu.memref_squeeze %dma_wait3A_74 : memref<1x80x128xi32, #tpu.memory_space<hbm>> -> memref<80x128xi32, #tpu.memory_space<hbm>>
      %dma_wait3A_76 = arith.constant 0 : i32
      %dma_wait3A_77 = arith.constant 0 : i32
      %dma_wait3A_78 = tpu.memref_slice %arg5[%add3A, %dma_wait3A_76, %dma_wait3A_77] : memref<32x80x128xi32, #tpu.memory_space<hbm>> -> memref<1x80x128xi32, #tpu.memory_space<hbm>>
      %dma_wait3A_79 = tpu.memref_squeeze %dma_wait3A_78 : memref<1x80x128xi32, #tpu.memory_space<hbm>> -> memref<80x128xi32, #tpu.memory_space<hbm>>
      tpu.wait_dma2 semaphore(%run_scoped3A : memref<!tpu.dma_semaphore, #tpu.memory_space<semaphore_mem>>) src(%dma_wait3A_79 : memref<80x128xi32, #tpu.memory_space<hbm>>) dst(%arg10 : memref<80x128xi32, #tpu.memory_space<vmem>>)
      tpu.yield
    }) : () -> ()
    "tpu.region"() ({
      %run_scoped3A = tpu.sem_alloc : memref<!tpu.dma_semaphore, #tpu.memory_space<semaphore_mem>>
      %dma_start3A_64 = arith.constant 0 : i32
      %dma_start3A_65 = arith.constant 0 : i32
      %dma_start3A_66 = tpu.memref_slice %arg6[%add3A, %dma_start3A_64, %dma_start3A_65] : memref<32x80x128xi32, #tpu.memory_space<hbm>> -> memref<1x80x128xi32, #tpu.memory_space<hbm>>
      %dma_start3A_67 = tpu.memref_squeeze %dma_start3A_66 : memref<1x80x128xi32, #tpu.memory_space<hbm>> -> memref<80x128xi32, #tpu.memory_space<hbm>>
      %dma_start3A_68 = arith.constant 0 : i32
      %dma_start3A_69 = arith.constant 0 : i32
      %dma_start3A_70 = tpu.memref_slice %arg6[%add3A, %dma_start3A_68, %dma_start3A_69] : memref<32x80x128xi32, #tpu.memory_space<hbm>> -> memref<1x80x128xi32, #tpu.memory_space<hbm>>
      %dma_start3A_71 = tpu.memref_squeeze %dma_start3A_70 : memref<1x80x128xi32, #tpu.memory_space<hbm>> -> memref<80x128xi32, #tpu.memory_space<hbm>>
      tpu.enqueue_dma source(%dma_start3A_71 : memref<80x128xi32, #tpu.memory_space<hbm>>) target(%arg11 : memref<80x128xi32, #tpu.memory_space<vmem>>) target_semaphore(%run_scoped3A : memref<!tpu.dma_semaphore, #tpu.memory_space<semaphore_mem>>)
      %dma_wait3A_72 = arith.constant 0 : i32
      %dma_wait3A_73 = arith.constant 0 : i32
      %dma_wait3A_74 = tpu.memref_slice %arg6[%add3A, %dma_wait3A_72, %dma_wait3A_73] : memref<32x80x128xi32, #tpu.memory_space<hbm>> -> memref<1x80x128xi32, #tpu.memory_space<hbm>>
      %dma_wait3A_75 = tpu.memref_squeeze %dma_wait3A_74 : memref<1x80x128xi32, #tpu.memory_space<hbm>> -> memref<80x128xi32, #tpu.memory_space<hbm>>
      %dma_wait3A_76 = arith.constant 0 : i32
      %dma_wait3A_77 = arith.constant 0 : i32
      %dma_wait3A_78 = tpu.memref_slice %arg6[%add3A, %dma_wait3A_76, %dma_wait3A_77] : memref<32x80x128xi32, #tpu.memory_space<hbm>> -> memref<1x80x128xi32, #tpu.memory_space<hbm>>
      %dma_wait3A_79 = tpu.memref_squeeze %dma_wait3A_78 : memref<1x80x128xi32, #tpu.memory_space<hbm>> -> memref<80x128xi32, #tpu.memory_space<hbm>>
      tpu.wait_dma2 semaphore(%run_scoped3A : memref<!tpu.dma_semaphore, #tpu.memory_space<semaphore_mem>>) src(%dma_wait3A_79 : memref<80x128xi32, #tpu.memory_space<hbm>>) dst(%arg11 : memref<80x128xi32, #tpu.memory_space<vmem>>)
      tpu.yield
    }) : () -> ()
    %barrier3A = arith.constant 0 : index
    tpu.barrier barrier_id(%barrier3A)
    %dma_start3A = arith.constant 0 : i32
    %dma_start3A_3 = arith.constant 0 : i32
    %dma_start3A_4 = tpu.memref_slice %arg10[%dma_start3A, %dma_start3A_3] : memref<80x128xi32, #tpu.memory_space<vmem>> -> memref<1x128xi32, #tpu.memory_space<vmem>>
    %dma_start3A_5 = tpu.memref_squeeze %dma_start3A_4 : memref<1x128xi32, #tpu.memory_space<vmem>> -> memref<128xi32, #tpu.memory_space<vmem>>
    %dma_start3A_6 = arith.constant 0 : i32
    %dma_start3A_7 = arith.constant 0 : i32
    %dma_start3A_8 = tpu.memref_slice %arg2[%dma_start3A_6, %dma_start3A_7] : memref<10112x32xf32, #tpu.memory_space<hbm>> -> memref<10112x32xf32, #tpu.memory_space<hbm>>
    tpu.enqueue_indirect_dma source(%dma_start3A_8 : memref<10112x32xf32, #tpu.memory_space<hbm>>) target(%arg13 : memref<128x32xf32, #tpu.memory_space<vmem>>) offsets(%dma_start3A_5 : memref<128xi32, #tpu.memory_space<vmem>>) semaphore(%arg22 : memref<!tpu.dma_semaphore, #tpu.memory_space<semaphore_mem>>)
    %dma_start3A_9 = arith.constant 0 : i32
    %dma_start3A_10 = arith.constant 0 : i32
    %dma_start3A_11 = tpu.memref_slice %arg11[%dma_start3A_9, %dma_start3A_10] : memref<80x128xi32, #tpu.memory_space<vmem>> -> memref<1x128xi32, #tpu.memory_space<vmem>>
    %dma_start3A_12 = tpu.memref_squeeze %dma_start3A_11 : memref<1x128xi32, #tpu.memory_space<vmem>> -> memref<128xi32, #tpu.memory_space<vmem>>
    %dma_start3A_13 = arith.constant 0 : i32
    %dma_start3A_14 = arith.constant 0 : i32
    %dma_start3A_15 = tpu.memref_slice %arg3[%dma_start3A_13, %dma_start3A_14] : memref<10112x32xf32, #tpu.memory_space<hbm>> -> memref<10112x32xf32, #tpu.memory_space<hbm>>
    tpu.enqueue_indirect_dma source(%dma_start3A_15 : memref<10112x32xf32, #tpu.memory_space<hbm>>) target(%arg14 : memref<128x32xf32, #tpu.memory_space<vmem>>) offsets(%dma_start3A_12 : memref<128xi32, #tpu.memory_space<vmem>>) semaphore(%arg23 : memref<!tpu.dma_semaphore, #tpu.memory_space<semaphore_mem>>)
    %mul3A_16 = arith.constant 80 : i32
    %mul3A_17 = arith.muli %add3A, %mul3A_16 : i32
    %add3A_18 = arith.constant 0 : i32
    %add3A_19 = arith.addi %mul3A_17, %add3A_18 : i32
    %lt3A = arith.constant 2500 : i32
    %lt3A_20 = arith.cmpi slt, %add3A_19, %lt3A : i32
    %convert_element_type3A = arith.extui %lt3A_20 : i1 to i32
    %cond3A = arith.constant 0 : i32
    %cond3A_21 = arith.cmpi ne, %convert_element_type3A, %cond3A : i32
    scf.if %cond3A_21 {
      %mul3A_64 = arith.constant 80 : i32
      %mul3A_65 = arith.muli %add3A, %mul3A_64 : i32
      %add3A_66 = arith.constant 0 : i32
      %add3A_67 = arith.addi %mul3A_65, %add3A_66 : i32
      %dma_start3A_68 = arith.constant 0 : i32
      %dma_start3A_69 = arith.constant 0 : i32
      %dma_start3A_70 = tpu.memref_slice %arg4[%dma_start3A_68, %add3A_67, %dma_start3A_69] : memref<32x2500x128xf32, #tpu.memory_space<hbm>> -> memref<32x1x128xf32, #tpu.memory_space<hbm>>
      %dma_start3A_71 = tpu.memref_squeeze %dma_start3A_70 : memref<32x1x128xf32, #tpu.memory_space<hbm>> -> memref<32x128xf32, #tpu.memory_space<hbm>>
      %dma_start3A_72 = arith.constant 0 : i32
      %dma_start3A_73 = arith.constant 0 : i32
      %dma_start3A_74 = tpu.memref_slice %arg4[%dma_start3A_72, %add3A_67, %dma_start3A_73] : memref<32x2500x128xf32, #tpu.memory_space<hbm>> -> memref<32x1x128xf32, #tpu.memory_space<hbm>>
      %dma_start3A_75 = tpu.memref_squeeze %dma_start3A_74 : memref<32x1x128xf32, #tpu.memory_space<hbm>> -> memref<32x128xf32, #tpu.memory_space<hbm>>
      tpu.enqueue_dma source(%dma_start3A_75 : memref<32x128xf32, #tpu.memory_space<hbm>>) target(%arg15 : memref<32x128xf32, #tpu.memory_space<vmem>>) target_semaphore(%arg24 : memref<!tpu.dma_semaphore, #tpu.memory_space<semaphore_mem>>)
    } else {
    }
    %dma_start3A_22 = arith.constant 1 : i32
    %dma_start3A_23 = arith.constant 0 : i32
    %dma_start3A_24 = tpu.memref_slice %arg10[%dma_start3A_22, %dma_start3A_23] : memref<80x128xi32, #tpu.memory_space<vmem>> -> memref<1x128xi32, #tpu.memory_space<vmem>>
    %dma_start3A_25 = tpu.memref_squeeze %dma_start3A_24 : memref<1x128xi32, #tpu.memory_space<vmem>> -> memref<128xi32, #tpu.memory_space<vmem>>
    %dma_start3A_26 = arith.constant 0 : i32
    %dma_start3A_27 = arith.constant 0 : i32
    %dma_start3A_28 = tpu.memref_slice %arg2[%dma_start3A_26, %dma_start3A_27] : memref<10112x32xf32, #tpu.memory_space<hbm>> -> memref<10112x32xf32, #tpu.memory_space<hbm>>
    tpu.enqueue_indirect_dma source(%dma_start3A_28 : memref<10112x32xf32, #tpu.memory_space<hbm>>) target(%arg17 : memref<128x32xf32, #tpu.memory_space<vmem>>) offsets(%dma_start3A_25 : memref<128xi32, #tpu.memory_space<vmem>>) semaphore(%arg26 : memref<!tpu.dma_semaphore, #tpu.memory_space<semaphore_mem>>)
    %dma_start3A_29 = arith.constant 1 : i32
    %dma_start3A_30 = arith.constant 0 : i32
    %dma_start3A_31 = tpu.memref_slice %arg11[%dma_start3A_29, %dma_start3A_30] : memref<80x128xi32, #tpu.memory_space<vmem>> -> memref<1x128xi32, #tpu.memory_space<vmem>>
    %dma_start3A_32 = tpu.memref_squeeze %dma_start3A_31 : memref<1x128xi32, #tpu.memory_space<vmem>> -> memref<128xi32, #tpu.memory_space<vmem>>
    %dma_start3A_33 = arith.constant 0 : i32
    %dma_start3A_34 = arith.constant 0 : i32
    %dma_start3A_35 = tpu.memref_slice %arg3[%dma_start3A_33, %dma_start3A_34] : memref<10112x32xf32, #tpu.memory_space<hbm>> -> memref<10112x32xf32, #tpu.memory_space<hbm>>
    tpu.enqueue_indirect_dma source(%dma_start3A_35 : memref<10112x32xf32, #tpu.memory_space<hbm>>) target(%arg18 : memref<128x32xf32, #tpu.memory_space<vmem>>) offsets(%dma_start3A_32 : memref<128xi32, #tpu.memory_space<vmem>>) semaphore(%arg27 : memref<!tpu.dma_semaphore, #tpu.memory_space<semaphore_mem>>)
    %mul3A_36 = arith.constant 80 : i32
    %mul3A_37 = arith.muli %add3A, %mul3A_36 : i32
    %add3A_38 = arith.constant 1 : i32
    %add3A_39 = arith.addi %mul3A_37, %add3A_38 : i32
    %lt3A_40 = arith.constant 2500 : i32
    %lt3A_41 = arith.cmpi slt, %add3A_39, %lt3A_40 : i32
    %convert_element_type3A_42 = arith.extui %lt3A_41 : i1 to i32
    %cond3A_43 = arith.constant 0 : i32
    %cond3A_44 = arith.cmpi ne, %convert_element_type3A_42, %cond3A_43 : i32
    scf.if %cond3A_44 {
      %mul3A_64 = arith.constant 80 : i32
      %mul3A_65 = arith.muli %add3A, %mul3A_64 : i32
      %add3A_66 = arith.constant 1 : i32
      %add3A_67 = arith.addi %mul3A_65, %add3A_66 : i32
      %dma_start3A_68 = arith.constant 0 : i32
      %dma_start3A_69 = arith.constant 0 : i32
      %dma_start3A_70 = tpu.memref_slice %arg4[%dma_start3A_68, %add3A_67, %dma_start3A_69] : memref<32x2500x128xf32, #tpu.memory_space<hbm>> -> memref<32x1x128xf32, #tpu.memory_space<hbm>>
      %dma_start3A_71 = tpu.memref_squeeze %dma_start3A_70 : memref<32x1x128xf32, #tpu.memory_space<hbm>> -> memref<32x128xf32, #tpu.memory_space<hbm>>
      %dma_start3A_72 = arith.constant 0 : i32
      %dma_start3A_73 = arith.constant 0 : i32
      %dma_start3A_74 = tpu.memref_slice %arg4[%dma_start3A_72, %add3A_67, %dma_start3A_73] : memref<32x2500x128xf32, #tpu.memory_space<hbm>> -> memref<32x1x128xf32, #tpu.memory_space<hbm>>
      %dma_start3A_75 = tpu.memref_squeeze %dma_start3A_74 : memref<32x1x128xf32, #tpu.memory_space<hbm>> -> memref<32x128xf32, #tpu.memory_space<hbm>>
      tpu.enqueue_dma source(%dma_start3A_75 : memref<32x128xf32, #tpu.memory_space<hbm>>) target(%arg19 : memref<32x128xf32, #tpu.memory_space<vmem>>) target_semaphore(%arg28 : memref<!tpu.dma_semaphore, #tpu.memory_space<semaphore_mem>>)
    } else {
    }
    %scan3A = arith.constant 0 : i32
    %scan3A_45 = arith.constant 0 : i32
    %scan3A_46 = arith.constant 40 : i32
    %scan3A_47 = arith.addi %scan3A_45, %scan3A_46 : i32
    %scan3A_48 = arith.constant 1 : i32
    scf.for %scan3A_64 = %scan3A_45 to %scan3A_47 step %scan3A_48  : i32 {
      %mul3A_65 = arith.constant 2 : i32
      %mul3A_66 = arith.muli %mul3A_65, %scan3A_64 : i32
      %add3A_67 = arith.constant 0 : i32
      %add3A_68 = arith.addi %mul3A_66, %add3A_67 : i32
      %dma_wait3A_69 = arith.constant 0 : i32
      %dma_wait3A_70 = tpu.memref_slice %arg10[%add3A_68, %dma_wait3A_69] : memref<80x128xi32, #tpu.memory_space<vmem>> -> memref<1x128xi32, #tpu.memory_space<vmem>>
      %dma_wait3A_71 = tpu.memref_squeeze %dma_wait3A_70 : memref<1x128xi32, #tpu.memory_space<vmem>> -> memref<128xi32, #tpu.memory_space<vmem>>
      %dma_wait3A_72 = arith.constant 0 : i32
      %dma_wait3A_73 = arith.constant 0 : i32
      %dma_wait3A_74 = tpu.memref_slice %arg2[%dma_wait3A_72, %dma_wait3A_73] : memref<10112x32xf32, #tpu.memory_space<hbm>> -> memref<10112x32xf32, #tpu.memory_space<hbm>>
      tpu.wait_indirect_dma semaphore(%arg22 : memref<!tpu.dma_semaphore, #tpu.memory_space<semaphore_mem>>) src(%dma_wait3A_74 : memref<10112x32xf32, #tpu.memory_space<hbm>>) dst(%arg13 : memref<128x32xf32, #tpu.memory_space<vmem>>)
      %dma_wait3A_75 = arith.constant 0 : i32
      %dma_wait3A_76 = tpu.memref_slice %arg11[%add3A_68, %dma_wait3A_75] : memref<80x128xi32, #tpu.memory_space<vmem>> -> memref<1x128xi32, #tpu.memory_space<vmem>>
      %dma_wait3A_77 = tpu.memref_squeeze %dma_wait3A_76 : memref<1x128xi32, #tpu.memory_space<vmem>> -> memref<128xi32, #tpu.memory_space<vmem>>
      %dma_wait3A_78 = arith.constant 0 : i32
      %dma_wait3A_79 = arith.constant 0 : i32
      %dma_wait3A_80 = tpu.memref_slice %arg3[%dma_wait3A_78, %dma_wait3A_79] : memref<10112x32xf32, #tpu.memory_space<hbm>> -> memref<10112x32xf32, #tpu.memory_space<hbm>>
      tpu.wait_indirect_dma semaphore(%arg23 : memref<!tpu.dma_semaphore, #tpu.memory_space<semaphore_mem>>) src(%dma_wait3A_80 : memref<10112x32xf32, #tpu.memory_space<hbm>>) dst(%arg14 : memref<128x32xf32, #tpu.memory_space<vmem>>)
      %mul3A_81 = arith.constant 80 : i32
      %mul3A_82 = arith.muli %add3A, %mul3A_81 : i32
      %add3A_83 = arith.addi %mul3A_82, %add3A_68 : i32
      %lt3A_84 = arith.constant 2500 : i32
      %lt3A_85 = arith.cmpi slt, %add3A_83, %lt3A_84 : i32
      %convert_element_type3A_86 = arith.extui %lt3A_85 : i1 to i32
      %cond3A_87 = arith.constant 0 : i32
      %cond3A_88 = arith.cmpi ne, %convert_element_type3A_86, %cond3A_87 : i32
      scf.if %cond3A_88 {
        %mul3A_169 = arith.constant 80 : i32
        %mul3A_170 = arith.muli %add3A, %mul3A_169 : i32
        %add3A_171 = arith.addi %mul3A_170, %add3A_68 : i32
        %dma_wait3A_172 = arith.constant 0 : i32
        %dma_wait3A_173 = arith.constant 0 : i32
        %dma_wait3A_174 = tpu.memref_slice %arg4[%dma_wait3A_172, %add3A_171, %dma_wait3A_173] : memref<32x2500x128xf32, #tpu.memory_space<hbm>> -> memref<32x1x128xf32, #tpu.memory_space<hbm>>
        %dma_wait3A_175 = tpu.memref_squeeze %dma_wait3A_174 : memref<32x1x128xf32, #tpu.memory_space<hbm>> -> memref<32x128xf32, #tpu.memory_space<hbm>>
        %dma_wait3A_176 = arith.constant 0 : i32
        %dma_wait3A_177 = arith.constant 0 : i32
        %dma_wait3A_178 = tpu.memref_slice %arg4[%dma_wait3A_176, %add3A_171, %dma_wait3A_177] : memref<32x2500x128xf32, #tpu.memory_space<hbm>> -> memref<32x1x128xf32, #tpu.memory_space<hbm>>
        %dma_wait3A_179 = tpu.memref_squeeze %dma_wait3A_178 : memref<32x1x128xf32, #tpu.memory_space<hbm>> -> memref<32x128xf32, #tpu.memory_space<hbm>>
        tpu.wait_dma2 semaphore(%arg24 : memref<!tpu.dma_semaphore, #tpu.memory_space<semaphore_mem>>) src(%dma_wait3A_179 : memref<32x128xf32, #tpu.memory_space<hbm>>) dst(%arg15 : memref<32x128xf32, #tpu.memory_space<vmem>>)
      } else {
      }
      %gt3A = arith.constant 0 : i32
      %gt3A_89 = arith.cmpi sgt, %scan3A_64, %gt3A : i32
      %convert_element_type3A_90 = arith.extui %gt3A_89 : i1 to i32
      %cond3A_91 = arith.constant 0 : i32
      %cond3A_92 = arith.cmpi ne, %convert_element_type3A_90, %cond3A_91 : i32
      scf.if %cond3A_92 {
        %dma_wait3A_169 = arith.constant 0 : i32
        %dma_wait3A_170 = tpu.memref_slice %arg11[%add3A_68, %dma_wait3A_169] : memref<80x128xi32, #tpu.memory_space<vmem>> -> memref<1x128xi32, #tpu.memory_space<vmem>>
        %dma_wait3A_171 = tpu.memref_squeeze %dma_wait3A_170 : memref<1x128xi32, #tpu.memory_space<vmem>> -> memref<128xi32, #tpu.memory_space<vmem>>
        %dma_wait3A_172 = arith.constant 0 : i32
        %dma_wait3A_173 = arith.constant 0 : i32
        %dma_wait3A_174 = tpu.memref_slice %arg21[%dma_wait3A_172, %dma_wait3A_173] : memref<10112x48xbf16, #tpu.memory_space<vmem_shared>> -> memref<10112x48xbf16, #tpu.memory_space<vmem_shared>>
        tpu.wait_indirect_dma semaphore(%arg25 : memref<!tpu.dma_semaphore, #tpu.memory_space<semaphore_mem>>) src(%arg16 : memref<128x48xbf16, #tpu.memory_space<vmem>>) dst(%dma_wait3A_174 : memref<10112x48xbf16, #tpu.memory_space<vmem_shared>>)
      } else {
      }
      %iota3A = tpu.iota {dimensions = array<i32: 0>} : vector<16xi32>
      %scan3A_93 = arith.constant 0 : i32
      %scan3A_94 = arith.constant 0 : i32
      %scan3A_95 = arith.constant 8 : i32
      %scan3A_96 = arith.addi %scan3A_94, %scan3A_95 : i32
      %scan3A_97 = arith.constant 2 : i32
      scf.for %scan3A_169 = %scan3A_94 to %scan3A_96 step %scan3A_97  : i32 {
        %mul3A_170 = arith.constant 16 : i32
        %mul3A_171 = arith.muli %scan3A_169, %mul3A_170 : i32
        %add3A_172 = vector.broadcast %mul3A_171 : i32 to vector<16xi32>
        %add3A_173 = arith.addi %iota3A, %add3A_172 : vector<16xi32>
        %mul3A_174 = arith.constant 33 : i32
        %mul3A_175 = vector.broadcast %mul3A_174 : i32 to vector<16xi32>
        %mul3A_176 = arith.muli %add3A_173, %mul3A_175 : vector<16xi32>
        %mul3A_177 = arith.constant 16 : i32
        %mul3A_178 = arith.muli %scan3A_169, %mul3A_177 : i32
        %get3A = arith.constant 0 : i32
        %get3A_179 = arith.index_cast %get3A : i32 to index
        %get3A_180 = arith.index_cast %mul3A_178 : i32 to index
        %get3A_181 = tpu.vector_load %arg15[%get3A_179, %get3A_180] {strides = array<i32>} : memref<32x128xf32, #tpu.memory_space<vmem>>, vector<16xf32>,
        %add3A_182 = arith.constant 0 : i32
        %add3A_183 = vector.broadcast %add3A_182 : i32 to vector<16xi32>
        %add3A_184 = arith.addi %mul3A_176, %add3A_183 : vector<16xi32>
        tpu.vector_store_idx %arg12[%add3A_184], %get3A_181 : memref<4224xf32, #tpu.memory_space<vmem>>[vector<16xi32>], vector<16xf32>,
        %mul3A_185 = arith.constant 16 : i32
        %mul3A_186 = arith.muli %scan3A_169, %mul3A_185 : i32
        %get3A_187 = arith.constant 1 : i32
        %get3A_188 = arith.index_cast %get3A_187 : i32 to index
        %get3A_189 = arith.index_cast %mul3A_186 : i32 to index
        %get3A_190 = tpu.vector_load %arg15[%get3A_188, %get3A_189] {strides = array<i32>} : memref<32x128xf32, #tpu.memory_space<vmem>>, vector<16xf32>,
        %add3A_191 = arith.constant 1 : i32
        %add3A_192 = vector.broadcast %add3A_191 : i32 to vector<16xi32>
        %add3A_193 = arith.addi %mul3A_176, %add3A_192 : vector<16xi32>
        tpu.vector_store_idx %arg12[%add3A_193], %get3A_190 : memref<4224xf32, #tpu.memory_space<vmem>>[vector<16xi32>], vector<16xf32>,
        %mul3A_194 = arith.constant 16 : i32
        %mul3A_195 = arith.muli %scan3A_169, %mul3A_194 : i32
        %get3A_196 = arith.constant 2 : i32
        %get3A_197 = arith.index_cast %get3A_196 : i32 to index
        %get3A_198 = arith.index_cast %mul3A_195 : i32 to index
        %get3A_199 = tpu.vector_load %arg15[%get3A_197, %get3A_198] {strides = array<i32>} : memref<32x128xf32, #tpu.memory_space<vmem>>, vector<16xf32>,
        %add3A_200 = arith.constant 2 : i32
        %add3A_201 = vector.broadcast %add3A_200 : i32 to vector<16xi32>
        %add3A_202 = arith.addi %mul3A_176, %add3A_201 : vector<16xi32>
        tpu.vector_store_idx %arg12[%add3A_202], %get3A_199 : memref<4224xf32, #tpu.memory_space<vmem>>[vector<16xi32>], vector<16xf32>,
        %mul3A_203 = arith.constant 16 : i32
        %mul3A_204 = arith.muli %scan3A_169, %mul3A_203 : i32
        %get3A_205 = arith.constant 3 : i32
        %get3A_206 = arith.index_cast %get3A_205 : i32 to index
        %get3A_207 = arith.index_cast %mul3A_204 : i32 to index
        %get3A_208 = tpu.vector_load %arg15[%get3A_206, %get3A_207] {strides = array<i32>} : memref<32x128xf32, #tpu.memory_space<vmem>>, vector<16xf32>,
        %add3A_209 = arith.constant 3 : i32
        %add3A_210 = vector.broadcast %add3A_209 : i32 to vector<16xi32>
        %add3A_211 = arith.addi %mul3A_176, %add3A_210 : vector<16xi32>
        tpu.vector_store_idx %arg12[%add3A_211], %get3A_208 : memref<4224xf32, #tpu.memory_space<vmem>>[vector<16xi32>], vector<16xf32>,
        %mul3A_212 = arith.constant 16 : i32
        %mul3A_213 = arith.muli %scan3A_169, %mul3A_212 : i32
        %get3A_214 = arith.constant 4 : i32
        %get3A_215 = arith.index_cast %get3A_214 : i32 to index
        %get3A_216 = arith.index_cast %mul3A_213 : i32 to index
        %get3A_217 = tpu.vector_load %arg15[%get3A_215, %get3A_216] {strides = array<i32>} : memref<32x128xf32, #tpu.memory_space<vmem>>, vector<16xf32>,
        %add3A_218 = arith.constant 4 : i32
        %add3A_219 = vector.broadcast %add3A_218 : i32 to vector<16xi32>
        %add3A_220 = arith.addi %mul3A_176, %add3A_219 : vector<16xi32>
        tpu.vector_store_idx %arg12[%add3A_220], %get3A_217 : memref<4224xf32, #tpu.memory_space<vmem>>[vector<16xi32>], vector<16xf32>,
        %mul3A_221 = arith.constant 16 : i32
        %mul3A_222 = arith.muli %scan3A_169, %mul3A_221 : i32
        %get3A_223 = arith.constant 5 : i32
        %get3A_224 = arith.index_cast %get3A_223 : i32 to index
        %get3A_225 = arith.index_cast %mul3A_222 : i32 to index
        %get3A_226 = tpu.vector_load %arg15[%get3A_224, %get3A_225] {strides = array<i32>} : memref<32x128xf32, #tpu.memory_space<vmem>>, vector<16xf32>,
        %add3A_227 = arith.constant 5 : i32
        %add3A_228 = vector.broadcast %add3A_227 : i32 to vector<16xi32>
        %add3A_229 = arith.addi %mul3A_176, %add3A_228 : vector<16xi32>
        tpu.vector_store_idx %arg12[%add3A_229], %get3A_226 : memref<4224xf32, #tpu.memory_space<vmem>>[vector<16xi32>], vector<16xf32>,
        %mul3A_230 = arith.constant 16 : i32
        %mul3A_231 = arith.muli %scan3A_169, %mul3A_230 : i32
        %get3A_232 = arith.constant 6 : i32
        %get3A_233 = arith.index_cast %get3A_232 : i32 to index
        %get3A_234 = arith.index_cast %mul3A_231 : i32 to index
        %get3A_235 = tpu.vector_load %arg15[%get3A_233, %get3A_234] {strides = array<i32>} : memref<32x128xf32, #tpu.memory_space<vmem>>, vector<16xf32>,
        %add3A_236 = arith.constant 6 : i32
        %add3A_237 = vector.broadcast %add3A_236 : i32 to vector<16xi32>
        %add3A_238 = arith.addi %mul3A_176, %add3A_237 : vector<16xi32>
        tpu.vector_store_idx %arg12[%add3A_238], %get3A_235 : memref<4224xf32, #tpu.memory_space<vmem>>[vector<16xi32>], vector<16xf32>,
        %mul3A_239 = arith.constant 16 : i32
        %mul3A_240 = arith.muli %scan3A_169, %mul3A_239 : i32
        %get3A_241 = arith.constant 7 : i32
        %get3A_242 = arith.index_cast %get3A_241 : i32 to index
        %get3A_243 = arith.index_cast %mul3A_240 : i32 to index
        %get3A_244 = tpu.vector_load %arg15[%get3A_242, %get3A_243] {strides = array<i32>} : memref<32x128xf32, #tpu.memory_space<vmem>>, vector<16xf32>,
        %add3A_245 = arith.constant 7 : i32
        %add3A_246 = vector.broadcast %add3A_245 : i32 to vector<16xi32>
        %add3A_247 = arith.addi %mul3A_176, %add3A_246 : vector<16xi32>
        tpu.vector_store_idx %arg12[%add3A_247], %get3A_244 : memref<4224xf32, #tpu.memory_space<vmem>>[vector<16xi32>], vector<16xf32>,
        %mul3A_248 = arith.constant 16 : i32
        %mul3A_249 = arith.muli %scan3A_169, %mul3A_248 : i32
        %get3A_250 = arith.constant 8 : i32
        %get3A_251 = arith.index_cast %get3A_250 : i32 to index
        %get3A_252 = arith.index_cast %mul3A_249 : i32 to index
        %get3A_253 = tpu.vector_load %arg15[%get3A_251, %get3A_252] {strides = array<i32>} : memref<32x128xf32, #tpu.memory_space<vmem>>, vector<16xf32>,
        %add3A_254 = arith.constant 8 : i32
        %add3A_255 = vector.broadcast %add3A_254 : i32 to vector<16xi32>
        %add3A_256 = arith.addi %mul3A_176, %add3A_255 : vector<16xi32>
        tpu.vector_store_idx %arg12[%add3A_256], %get3A_253 : memref<4224xf32, #tpu.memory_space<vmem>>[vector<16xi32>], vector<16xf32>,
        %mul3A_257 = arith.constant 16 : i32
        %mul3A_258 = arith.muli %scan3A_169, %mul3A_257 : i32
        %get3A_259 = arith.constant 9 : i32
        %get3A_260 = arith.index_cast %get3A_259 : i32 to index
        %get3A_261 = arith.index_cast %mul3A_258 : i32 to index
        %get3A_262 = tpu.vector_load %arg15[%get3A_260, %get3A_261] {strides = array<i32>} : memref<32x128xf32, #tpu.memory_space<vmem>>, vector<16xf32>,
        %add3A_263 = arith.constant 9 : i32
        %add3A_264 = vector.broadcast %add3A_263 : i32 to vector<16xi32>
        %add3A_265 = arith.addi %mul3A_176, %add3A_264 : vector<16xi32>
        tpu.vector_store_idx %arg12[%add3A_265], %get3A_262 : memref<4224xf32, #tpu.memory_space<vmem>>[vector<16xi32>], vector<16xf32>,
        %mul3A_266 = arith.constant 16 : i32
        %mul3A_267 = arith.muli %scan3A_169, %mul3A_266 : i32
        %get3A_268 = arith.constant 10 : i32
        %get3A_269 = arith.index_cast %get3A_268 : i32 to index
        %get3A_270 = arith.index_cast %mul3A_267 : i32 to index
        %get3A_271 = tpu.vector_load %arg15[%get3A_269, %get3A_270] {strides = array<i32>} : memref<32x128xf32, #tpu.memory_space<vmem>>, vector<16xf32>,
        %add3A_272 = arith.constant 10 : i32
        %add3A_273 = vector.broadcast %add3A_272 : i32 to vector<16xi32>
        %add3A_274 = arith.addi %mul3A_176, %add3A_273 : vector<16xi32>
        tpu.vector_store_idx %arg12[%add3A_274], %get3A_271 : memref<4224xf32, #tpu.memory_space<vmem>>[vector<16xi32>], vector<16xf32>,
        %mul3A_275 = arith.constant 16 : i32
        %mul3A_276 = arith.muli %scan3A_169, %mul3A_275 : i32
        %get3A_277 = arith.constant 11 : i32
        %get3A_278 = arith.index_cast %get3A_277 : i32 to index
        %get3A_279 = arith.index_cast %mul3A_276 : i32 to index
        %get3A_280 = tpu.vector_load %arg15[%get3A_278, %get3A_279] {strides = array<i32>} : memref<32x128xf32, #tpu.memory_space<vmem>>, vector<16xf32>,
        %add3A_281 = arith.constant 11 : i32
        %add3A_282 = vector.broadcast %add3A_281 : i32 to vector<16xi32>
        %add3A_283 = arith.addi %mul3A_176, %add3A_282 : vector<16xi32>
        tpu.vector_store_idx %arg12[%add3A_283], %get3A_280 : memref<4224xf32, #tpu.memory_space<vmem>>[vector<16xi32>], vector<16xf32>,
        %mul3A_284 = arith.constant 16 : i32
        %mul3A_285 = arith.muli %scan3A_169, %mul3A_284 : i32
        %get3A_286 = arith.constant 12 : i32
        %get3A_287 = arith.index_cast %get3A_286 : i32 to index
        %get3A_288 = arith.index_cast %mul3A_285 : i32 to index
        %get3A_289 = tpu.vector_load %arg15[%get3A_287, %get3A_288] {strides = array<i32>} : memref<32x128xf32, #tpu.memory_space<vmem>>, vector<16xf32>,
        %add3A_290 = arith.constant 12 : i32
        %add3A_291 = vector.broadcast %add3A_290 : i32 to vector<16xi32>
        %add3A_292 = arith.addi %mul3A_176, %add3A_291 : vector<16xi32>
        tpu.vector_store_idx %arg12[%add3A_292], %get3A_289 : memref<4224xf32, #tpu.memory_space<vmem>>[vector<16xi32>], vector<16xf32>,
        %mul3A_293 = arith.constant 16 : i32
        %mul3A_294 = arith.muli %scan3A_169, %mul3A_293 : i32
        %get3A_295 = arith.constant 13 : i32
        %get3A_296 = arith.index_cast %get3A_295 : i32 to index
        %get3A_297 = arith.index_cast %mul3A_294 : i32 to index
        %get3A_298 = tpu.vector_load %arg15[%get3A_296, %get3A_297] {strides = array<i32>} : memref<32x128xf32, #tpu.memory_space<vmem>>, vector<16xf32>,
        %add3A_299 = arith.constant 13 : i32
        %add3A_300 = vector.broadcast %add3A_299 : i32 to vector<16xi32>
        %add3A_301 = arith.addi %mul3A_176, %add3A_300 : vector<16xi32>
        tpu.vector_store_idx %arg12[%add3A_301], %get3A_298 : memref<4224xf32, #tpu.memory_space<vmem>>[vector<16xi32>], vector<16xf32>,
        %mul3A_302 = arith.constant 16 : i32
        %mul3A_303 = arith.muli %scan3A_169, %mul3A_302 : i32
        %get3A_304 = arith.constant 14 : i32
        %get3A_305 = arith.index_cast %get3A_304 : i32 to index
        %get3A_306 = arith.index_cast %mul3A_303 : i32 to index
        %get3A_307 = tpu.vector_load %arg15[%get3A_305, %get3A_306] {strides = array<i32>} : memref<32x128xf32, #tpu.memory_space<vmem>>, vector<16xf32>,
        %add3A_308 = arith.constant 14 : i32
        %add3A_309 = vector.broadcast %add3A_308 : i32 to vector<16xi32>
        %add3A_310 = arith.addi %mul3A_176, %add3A_309 : vector<16xi32>
        tpu.vector_store_idx %arg12[%add3A_310], %get3A_307 : memref<4224xf32, #tpu.memory_space<vmem>>[vector<16xi32>], vector<16xf32>,
        %mul3A_311 = arith.constant 16 : i32
        %mul3A_312 = arith.muli %scan3A_169, %mul3A_311 : i32
        %get3A_313 = arith.constant 15 : i32
        %get3A_314 = arith.index_cast %get3A_313 : i32 to index
        %get3A_315 = arith.index_cast %mul3A_312 : i32 to index
        %get3A_316 = tpu.vector_load %arg15[%get3A_314, %get3A_315] {strides = array<i32>} : memref<32x128xf32, #tpu.memory_space<vmem>>, vector<16xf32>,
        %add3A_317 = arith.constant 15 : i32
        %add3A_318 = vector.broadcast %add3A_317 : i32 to vector<16xi32>
        %add3A_319 = arith.addi %mul3A_176, %add3A_318 : vector<16xi32>
        tpu.vector_store_idx %arg12[%add3A_319], %get3A_316 : memref<4224xf32, #tpu.memory_space<vmem>>[vector<16xi32>], vector<16xf32>,
        %mul3A_320 = arith.constant 16 : i32
        %mul3A_321 = arith.muli %scan3A_169, %mul3A_320 : i32
        %get3A_322 = arith.constant 16 : i32
        %get3A_323 = arith.index_cast %get3A_322 : i32 to index
        %get3A_324 = arith.index_cast %mul3A_321 : i32 to index
        %get3A_325 = tpu.vector_load %arg15[%get3A_323, %get3A_324] {strides = array<i32>} : memref<32x128xf32, #tpu.memory_space<vmem>>, vector<16xf32>,
        %add3A_326 = arith.constant 16 : i32
        %add3A_327 = vector.broadcast %add3A_326 : i32 to vector<16xi32>
        %add3A_328 = arith.addi %mul3A_176, %add3A_327 : vector<16xi32>
        tpu.vector_store_idx %arg12[%add3A_328], %get3A_325 : memref<4224xf32, #tpu.memory_space<vmem>>[vector<16xi32>], vector<16xf32>,
        %mul3A_329 = arith.constant 16 : i32
        %mul3A_330 = arith.muli %scan3A_169, %mul3A_329 : i32
        %get3A_331 = arith.constant 17 : i32
        %get3A_332 = arith.index_cast %get3A_331 : i32 to index
        %get3A_333 = arith.index_cast %mul3A_330 : i32 to index
        %get3A_334 = tpu.vector_load %arg15[%get3A_332, %get3A_333] {strides = array<i32>} : memref<32x128xf32, #tpu.memory_space<vmem>>, vector<16xf32>,
        %add3A_335 = arith.constant 17 : i32
        %add3A_336 = vector.broadcast %add3A_335 : i32 to vector<16xi32>
        %add3A_337 = arith.addi %mul3A_176, %add3A_336 : vector<16xi32>
        tpu.vector_store_idx %arg12[%add3A_337], %get3A_334 : memref<4224xf32, #tpu.memory_space<vmem>>[vector<16xi32>], vector<16xf32>,
        %mul3A_338 = arith.constant 16 : i32
        %mul3A_339 = arith.muli %scan3A_169, %mul3A_338 : i32
        %get3A_340 = arith.constant 18 : i32
        %get3A_341 = arith.index_cast %get3A_340 : i32 to index
        %get3A_342 = arith.index_cast %mul3A_339 : i32 to index
        %get3A_343 = tpu.vector_load %arg15[%get3A_341, %get3A_342] {strides = array<i32>} : memref<32x128xf32, #tpu.memory_space<vmem>>, vector<16xf32>,
        %add3A_344 = arith.constant 18 : i32
        %add3A_345 = vector.broadcast %add3A_344 : i32 to vector<16xi32>
        %add3A_346 = arith.addi %mul3A_176, %add3A_345 : vector<16xi32>
        tpu.vector_store_idx %arg12[%add3A_346], %get3A_343 : memref<4224xf32, #tpu.memory_space<vmem>>[vector<16xi32>], vector<16xf32>,
        %mul3A_347 = arith.constant 16 : i32
        %mul3A_348 = arith.muli %scan3A_169, %mul3A_347 : i32
        %get3A_349 = arith.constant 19 : i32
        %get3A_350 = arith.index_cast %get3A_349 : i32 to index
        %get3A_351 = arith.index_cast %mul3A_348 : i32 to index
        %get3A_352 = tpu.vector_load %arg15[%get3A_350, %get3A_351] {strides = array<i32>} : memref<32x128xf32, #tpu.memory_space<vmem>>, vector<16xf32>,
        %add3A_353 = arith.constant 19 : i32
        %add3A_354 = vector.broadcast %add3A_353 : i32 to vector<16xi32>
        %add3A_355 = arith.addi %mul3A_176, %add3A_354 : vector<16xi32>
        tpu.vector_store_idx %arg12[%add3A_355], %get3A_352 : memref<4224xf32, #tpu.memory_space<vmem>>[vector<16xi32>], vector<16xf32>,
        %mul3A_356 = arith.constant 16 : i32
        %mul3A_357 = arith.muli %scan3A_169, %mul3A_356 : i32
        %get3A_358 = arith.constant 20 : i32
        %get3A_359 = arith.index_cast %get3A_358 : i32 to index
        %get3A_360 = arith.index_cast %mul3A_357 : i32 to index
        %get3A_361 = tpu.vector_load %arg15[%get3A_359, %get3A_360] {strides = array<i32>} : memref<32x128xf32, #tpu.memory_space<vmem>>, vector<16xf32>,
        %add3A_362 = arith.constant 20 : i32
        %add3A_363 = vector.broadcast %add3A_362 : i32 to vector<16xi32>
        %add3A_364 = arith.addi %mul3A_176, %add3A_363 : vector<16xi32>
        tpu.vector_store_idx %arg12[%add3A_364], %get3A_361 : memref<4224xf32, #tpu.memory_space<vmem>>[vector<16xi32>], vector<16xf32>,
        %mul3A_365 = arith.constant 16 : i32
        %mul3A_366 = arith.muli %scan3A_169, %mul3A_365 : i32
        %get3A_367 = arith.constant 21 : i32
        %get3A_368 = arith.index_cast %get3A_367 : i32 to index
        %get3A_369 = arith.index_cast %mul3A_366 : i32 to index
        %get3A_370 = tpu.vector_load %arg15[%get3A_368, %get3A_369] {strides = array<i32>} : memref<32x128xf32, #tpu.memory_space<vmem>>, vector<16xf32>,
        %add3A_371 = arith.constant 21 : i32
        %add3A_372 = vector.broadcast %add3A_371 : i32 to vector<16xi32>
        %add3A_373 = arith.addi %mul3A_176, %add3A_372 : vector<16xi32>
        tpu.vector_store_idx %arg12[%add3A_373], %get3A_370 : memref<4224xf32, #tpu.memory_space<vmem>>[vector<16xi32>], vector<16xf32>,
        %mul3A_374 = arith.constant 16 : i32
        %mul3A_375 = arith.muli %scan3A_169, %mul3A_374 : i32
        %get3A_376 = arith.constant 22 : i32
        %get3A_377 = arith.index_cast %get3A_376 : i32 to index
        %get3A_378 = arith.index_cast %mul3A_375 : i32 to index
        %get3A_379 = tpu.vector_load %arg15[%get3A_377, %get3A_378] {strides = array<i32>} : memref<32x128xf32, #tpu.memory_space<vmem>>, vector<16xf32>,
        %add3A_380 = arith.constant 22 : i32
        %add3A_381 = vector.broadcast %add3A_380 : i32 to vector<16xi32>
        %add3A_382 = arith.addi %mul3A_176, %add3A_381 : vector<16xi32>
        tpu.vector_store_idx %arg12[%add3A_382], %get3A_379 : memref<4224xf32, #tpu.memory_space<vmem>>[vector<16xi32>], vector<16xf32>,
        %mul3A_383 = arith.constant 16 : i32
        %mul3A_384 = arith.muli %scan3A_169, %mul3A_383 : i32
        %get3A_385 = arith.constant 23 : i32
        %get3A_386 = arith.index_cast %get3A_385 : i32 to index
        %get3A_387 = arith.index_cast %mul3A_384 : i32 to index
        %get3A_388 = tpu.vector_load %arg15[%get3A_386, %get3A_387] {strides = array<i32>} : memref<32x128xf32, #tpu.memory_space<vmem>>, vector<16xf32>,
        %add3A_389 = arith.constant 23 : i32
        %add3A_390 = vector.broadcast %add3A_389 : i32 to vector<16xi32>
        %add3A_391 = arith.addi %mul3A_176, %add3A_390 : vector<16xi32>
        tpu.vector_store_idx %arg12[%add3A_391], %get3A_388 : memref<4224xf32, #tpu.memory_space<vmem>>[vector<16xi32>], vector<16xf32>,
        %mul3A_392 = arith.constant 16 : i32
        %mul3A_393 = arith.muli %scan3A_169, %mul3A_392 : i32
        %get3A_394 = arith.constant 24 : i32
        %get3A_395 = arith.index_cast %get3A_394 : i32 to index
        %get3A_396 = arith.index_cast %mul3A_393 : i32 to index
        %get3A_397 = tpu.vector_load %arg15[%get3A_395, %get3A_396] {strides = array<i32>} : memref<32x128xf32, #tpu.memory_space<vmem>>, vector<16xf32>,
        %add3A_398 = arith.constant 24 : i32
        %add3A_399 = vector.broadcast %add3A_398 : i32 to vector<16xi32>
        %add3A_400 = arith.addi %mul3A_176, %add3A_399 : vector<16xi32>
        tpu.vector_store_idx %arg12[%add3A_400], %get3A_397 : memref<4224xf32, #tpu.memory_space<vmem>>[vector<16xi32>], vector<16xf32>,
        %mul3A_401 = arith.constant 16 : i32
        %mul3A_402 = arith.muli %scan3A_169, %mul3A_401 : i32
        %get3A_403 = arith.constant 25 : i32
        %get3A_404 = arith.index_cast %get3A_403 : i32 to index
        %get3A_405 = arith.index_cast %mul3A_402 : i32 to index
        %get3A_406 = tpu.vector_load %arg15[%get3A_404, %get3A_405] {strides = array<i32>} : memref<32x128xf32, #tpu.memory_space<vmem>>, vector<16xf32>,
        %add3A_407 = arith.constant 25 : i32
        %add3A_408 = vector.broadcast %add3A_407 : i32 to vector<16xi32>
        %add3A_409 = arith.addi %mul3A_176, %add3A_408 : vector<16xi32>
        tpu.vector_store_idx %arg12[%add3A_409], %get3A_406 : memref<4224xf32, #tpu.memory_space<vmem>>[vector<16xi32>], vector<16xf32>,
        %mul3A_410 = arith.constant 16 : i32
        %mul3A_411 = arith.muli %scan3A_169, %mul3A_410 : i32
        %get3A_412 = arith.constant 26 : i32
        %get3A_413 = arith.index_cast %get3A_412 : i32 to index
        %get3A_414 = arith.index_cast %mul3A_411 : i32 to index
        %get3A_415 = tpu.vector_load %arg15[%get3A_413, %get3A_414] {strides = array<i32>} : memref<32x128xf32, #tpu.memory_space<vmem>>, vector<16xf32>,
        %add3A_416 = arith.constant 26 : i32
        %add3A_417 = vector.broadcast %add3A_416 : i32 to vector<16xi32>
        %add3A_418 = arith.addi %mul3A_176, %add3A_417 : vector<16xi32>
        tpu.vector_store_idx %arg12[%add3A_418], %get3A_415 : memref<4224xf32, #tpu.memory_space<vmem>>[vector<16xi32>], vector<16xf32>,
        %mul3A_419 = arith.constant 16 : i32
        %mul3A_420 = arith.muli %scan3A_169, %mul3A_419 : i32
        %get3A_421 = arith.constant 27 : i32
        %get3A_422 = arith.index_cast %get3A_421 : i32 to index
        %get3A_423 = arith.index_cast %mul3A_420 : i32 to index
        %get3A_424 = tpu.vector_load %arg15[%get3A_422, %get3A_423] {strides = array<i32>} : memref<32x128xf32, #tpu.memory_space<vmem>>, vector<16xf32>,
        %add3A_425 = arith.constant 27 : i32
        %add3A_426 = vector.broadcast %add3A_425 : i32 to vector<16xi32>
        %add3A_427 = arith.addi %mul3A_176, %add3A_426 : vector<16xi32>
        tpu.vector_store_idx %arg12[%add3A_427], %get3A_424 : memref<4224xf32, #tpu.memory_space<vmem>>[vector<16xi32>], vector<16xf32>,
        %mul3A_428 = arith.constant 16 : i32
        %mul3A_429 = arith.muli %scan3A_169, %mul3A_428 : i32
        %get3A_430 = arith.constant 28 : i32
        %get3A_431 = arith.index_cast %get3A_430 : i32 to index
        %get3A_432 = arith.index_cast %mul3A_429 : i32 to index
        %get3A_433 = tpu.vector_load %arg15[%get3A_431, %get3A_432] {strides = array<i32>} : memref<32x128xf32, #tpu.memory_space<vmem>>, vector<16xf32>,
        %add3A_434 = arith.constant 28 : i32
        %add3A_435 = vector.broadcast %add3A_434 : i32 to vector<16xi32>
        %add3A_436 = arith.addi %mul3A_176, %add3A_435 : vector<16xi32>
        tpu.vector_store_idx %arg12[%add3A_436], %get3A_433 : memref<4224xf32, #tpu.memory_space<vmem>>[vector<16xi32>], vector<16xf32>,
        %mul3A_437 = arith.constant 16 : i32
        %mul3A_438 = arith.muli %scan3A_169, %mul3A_437 : i32
        %get3A_439 = arith.constant 29 : i32
        %get3A_440 = arith.index_cast %get3A_439 : i32 to index
        %get3A_441 = arith.index_cast %mul3A_438 : i32 to index
        %get3A_442 = tpu.vector_load %arg15[%get3A_440, %get3A_441] {strides = array<i32>} : memref<32x128xf32, #tpu.memory_space<vmem>>, vector<16xf32>,
        %add3A_443 = arith.constant 29 : i32
        %add3A_444 = vector.broadcast %add3A_443 : i32 to vector<16xi32>
        %add3A_445 = arith.addi %mul3A_176, %add3A_444 : vector<16xi32>
        tpu.vector_store_idx %arg12[%add3A_445], %get3A_442 : memref<4224xf32, #tpu.memory_space<vmem>>[vector<16xi32>], vector<16xf32>,
        %mul3A_446 = arith.constant 16 : i32
        %mul3A_447 = arith.muli %scan3A_169, %mul3A_446 : i32
        %get3A_448 = arith.constant 30 : i32
        %get3A_449 = arith.index_cast %get3A_448 : i32 to index
        %get3A_450 = arith.index_cast %mul3A_447 : i32 to index
        %get3A_451 = tpu.vector_load %arg15[%get3A_449, %get3A_450] {strides = array<i32>} : memref<32x128xf32, #tpu.memory_space<vmem>>, vector<16xf32>,
        %add3A_452 = arith.constant 30 : i32
        %add3A_453 = vector.broadcast %add3A_452 : i32 to vector<16xi32>
        %add3A_454 = arith.addi %mul3A_176, %add3A_453 : vector<16xi32>
        tpu.vector_store_idx %arg12[%add3A_454], %get3A_451 : memref<4224xf32, #tpu.memory_space<vmem>>[vector<16xi32>], vector<16xf32>,
        %mul3A_455 = arith.constant 16 : i32
        %mul3A_456 = arith.muli %scan3A_169, %mul3A_455 : i32
        %get3A_457 = arith.constant 31 : i32
        %get3A_458 = arith.index_cast %get3A_457 : i32 to index
        %get3A_459 = arith.index_cast %mul3A_456 : i32 to index
        %get3A_460 = tpu.vector_load %arg15[%get3A_458, %get3A_459] {strides = array<i32>} : memref<32x128xf32, #tpu.memory_space<vmem>>, vector<16xf32>,
        %add3A_461 = arith.constant 31 : i32
        %add3A_462 = vector.broadcast %add3A_461 : i32 to vector<16xi32>
        %add3A_463 = arith.addi %mul3A_176, %add3A_462 : vector<16xi32>
        tpu.vector_store_idx %arg12[%add3A_463], %get3A_460 : memref<4224xf32, #tpu.memory_space<vmem>>[vector<16xi32>], vector<16xf32>,
        %scan3A_464 = arith.constant 1 : i32
        %scan3A_465 = arith.addi %scan3A_169, %scan3A_464 : i32
        %mul3A_466 = arith.constant 16 : i32
        %mul3A_467 = arith.muli %scan3A_465, %mul3A_466 : i32
        %add3A_468 = vector.broadcast %mul3A_467 : i32 to vector<16xi32>
        %add3A_469 = arith.addi %iota3A, %add3A_468 : vector<16xi32>
        %mul3A_470 = arith.constant 33 : i32
        %mul3A_471 = vector.broadcast %mul3A_470 : i32 to vector<16xi32>
        %mul3A_472 = arith.muli %add3A_469, %mul3A_471 : vector<16xi32>
        %mul3A_473 = arith.constant 16 : i32
        %mul3A_474 = arith.muli %scan3A_465, %mul3A_473 : i32
        %get3A_475 = arith.constant 0 : i32
        %get3A_476 = arith.index_cast %get3A_475 : i32 to index
        %get3A_477 = arith.index_cast %mul3A_474 : i32 to index
        %get3A_478 = tpu.vector_load %arg15[%get3A_476, %get3A_477] {strides = array<i32>} : memref<32x128xf32, #tpu.memory_space<vmem>>, vector<16xf32>,
        %add3A_479 = arith.constant 0 : i32
        %add3A_480 = vector.broadcast %add3A_479 : i32 to vector<16xi32>
        %add3A_481 = arith.addi %mul3A_472, %add3A_480 : vector<16xi32>
        tpu.vector_store_idx %arg12[%add3A_481], %get3A_478 : memref<4224xf32, #tpu.memory_space<vmem>>[vector<16xi32>], vector<16xf32>,
        %mul3A_482 = arith.constant 16 : i32
        %mul3A_483 = arith.muli %scan3A_465, %mul3A_482 : i32
        %get3A_484 = arith.constant 1 : i32
        %get3A_485 = arith.index_cast %get3A_484 : i32 to index
        %get3A_486 = arith.index_cast %mul3A_483 : i32 to index
        %get3A_487 = tpu.vector_load %arg15[%get3A_485, %get3A_486] {strides = array<i32>} : memref<32x128xf32, #tpu.memory_space<vmem>>, vector<16xf32>,
        %add3A_488 = arith.constant 1 : i32
        %add3A_489 = vector.broadcast %add3A_488 : i32 to vector<16xi32>
        %add3A_490 = arith.addi %mul3A_472, %add3A_489 : vector<16xi32>
        tpu.vector_store_idx %arg12[%add3A_490], %get3A_487 : memref<4224xf32, #tpu.memory_space<vmem>>[vector<16xi32>], vector<16xf32>,
        %mul3A_491 = arith.constant 16 : i32
        %mul3A_492 = arith.muli %scan3A_465, %mul3A_491 : i32
        %get3A_493 = arith.constant 2 : i32
        %get3A_494 = arith.index_cast %get3A_493 : i32 to index
        %get3A_495 = arith.index_cast %mul3A_492 : i32 to index
        %get3A_496 = tpu.vector_load %arg15[%get3A_494, %get3A_495] {strides = array<i32>} : memref<32x128xf32, #tpu.memory_space<vmem>>, vector<16xf32>,
        %add3A_497 = arith.constant 2 : i32
        %add3A_498 = vector.broadcast %add3A_497 : i32 to vector<16xi32>
        %add3A_499 = arith.addi %mul3A_472, %add3A_498 : vector<16xi32>
        tpu.vector_store_idx %arg12[%add3A_499], %get3A_496 : memref<4224xf32, #tpu.memory_space<vmem>>[vector<16xi32>], vector<16xf32>,
        %mul3A_500 = arith.constant 16 : i32
        %mul3A_501 = arith.muli %scan3A_465, %mul3A_500 : i32
        %get3A_502 = arith.constant 3 : i32
        %get3A_503 = arith.index_cast %get3A_502 : i32 to index
        %get3A_504 = arith.index_cast %mul3A_501 : i32 to index
        %get3A_505 = tpu.vector_load %arg15[%get3A_503, %get3A_504] {strides = array<i32>} : memref<32x128xf32, #tpu.memory_space<vmem>>, vector<16xf32>,
        %add3A_506 = arith.constant 3 : i32
        %add3A_507 = vector.broadcast %add3A_506 : i32 to vector<16xi32>
        %add3A_508 = arith.addi %mul3A_472, %add3A_507 : vector<16xi32>
        tpu.vector_store_idx %arg12[%add3A_508], %get3A_505 : memref<4224xf32, #tpu.memory_space<vmem>>[vector<16xi32>], vector<16xf32>,
        %mul3A_509 = arith.constant 16 : i32
        %mul3A_510 = arith.muli %scan3A_465, %mul3A_509 : i32
        %get3A_511 = arith.constant 4 : i32
        %get3A_512 = arith.index_cast %get3A_511 : i32 to index
        %get3A_513 = arith.index_cast %mul3A_510 : i32 to index
        %get3A_514 = tpu.vector_load %arg15[%get3A_512, %get3A_513] {strides = array<i32>} : memref<32x128xf32, #tpu.memory_space<vmem>>, vector<16xf32>,
        %add3A_515 = arith.constant 4 : i32
        %add3A_516 = vector.broadcast %add3A_515 : i32 to vector<16xi32>
        %add3A_517 = arith.addi %mul3A_472, %add3A_516 : vector<16xi32>
        tpu.vector_store_idx %arg12[%add3A_517], %get3A_514 : memref<4224xf32, #tpu.memory_space<vmem>>[vector<16xi32>], vector<16xf32>,
        %mul3A_518 = arith.constant 16 : i32
        %mul3A_519 = arith.muli %scan3A_465, %mul3A_518 : i32
        %get3A_520 = arith.constant 5 : i32
        %get3A_521 = arith.index_cast %get3A_520 : i32 to index
        %get3A_522 = arith.index_cast %mul3A_519 : i32 to index
        %get3A_523 = tpu.vector_load %arg15[%get3A_521, %get3A_522] {strides = array<i32>} : memref<32x128xf32, #tpu.memory_space<vmem>>, vector<16xf32>,
        %add3A_524 = arith.constant 5 : i32
        %add3A_525 = vector.broadcast %add3A_524 : i32 to vector<16xi32>
        %add3A_526 = arith.addi %mul3A_472, %add3A_525 : vector<16xi32>
        tpu.vector_store_idx %arg12[%add3A_526], %get3A_523 : memref<4224xf32, #tpu.memory_space<vmem>>[vector<16xi32>], vector<16xf32>,
        %mul3A_527 = arith.constant 16 : i32
        %mul3A_528 = arith.muli %scan3A_465, %mul3A_527 : i32
        %get3A_529 = arith.constant 6 : i32
        %get3A_530 = arith.index_cast %get3A_529 : i32 to index
        %get3A_531 = arith.index_cast %mul3A_528 : i32 to index
        %get3A_532 = tpu.vector_load %arg15[%get3A_530, %get3A_531] {strides = array<i32>} : memref<32x128xf32, #tpu.memory_space<vmem>>, vector<16xf32>,
        %add3A_533 = arith.constant 6 : i32
        %add3A_534 = vector.broadcast %add3A_533 : i32 to vector<16xi32>
        %add3A_535 = arith.addi %mul3A_472, %add3A_534 : vector<16xi32>
        tpu.vector_store_idx %arg12[%add3A_535], %get3A_532 : memref<4224xf32, #tpu.memory_space<vmem>>[vector<16xi32>], vector<16xf32>,
        %mul3A_536 = arith.constant 16 : i32
        %mul3A_537 = arith.muli %scan3A_465, %mul3A_536 : i32
        %get3A_538 = arith.constant 7 : i32
        %get3A_539 = arith.index_cast %get3A_538 : i32 to index
        %get3A_540 = arith.index_cast %mul3A_537 : i32 to index
        %get3A_541 = tpu.vector_load %arg15[%get3A_539, %get3A_540] {strides = array<i32>} : memref<32x128xf32, #tpu.memory_space<vmem>>, vector<16xf32>,
        %add3A_542 = arith.constant 7 : i32
        %add3A_543 = vector.broadcast %add3A_542 : i32 to vector<16xi32>
        %add3A_544 = arith.addi %mul3A_472, %add3A_543 : vector<16xi32>
        tpu.vector_store_idx %arg12[%add3A_544], %get3A_541 : memref<4224xf32, #tpu.memory_space<vmem>>[vector<16xi32>], vector<16xf32>,
        %mul3A_545 = arith.constant 16 : i32
        %mul3A_546 = arith.muli %scan3A_465, %mul3A_545 : i32
        %get3A_547 = arith.constant 8 : i32
        %get3A_548 = arith.index_cast %get3A_547 : i32 to index
        %get3A_549 = arith.index_cast %mul3A_546 : i32 to index
        %get3A_550 = tpu.vector_load %arg15[%get3A_548, %get3A_549] {strides = array<i32>} : memref<32x128xf32, #tpu.memory_space<vmem>>, vector<16xf32>,
        %add3A_551 = arith.constant 8 : i32
        %add3A_552 = vector.broadcast %add3A_551 : i32 to vector<16xi32>
        %add3A_553 = arith.addi %mul3A_472, %add3A_552 : vector<16xi32>
        tpu.vector_store_idx %arg12[%add3A_553], %get3A_550 : memref<4224xf32, #tpu.memory_space<vmem>>[vector<16xi32>], vector<16xf32>,
        %mul3A_554 = arith.constant 16 : i32
        %mul3A_555 = arith.muli %scan3A_465, %mul3A_554 : i32
        %get3A_556 = arith.constant 9 : i32
        %get3A_557 = arith.index_cast %get3A_556 : i32 to index
        %get3A_558 = arith.index_cast %mul3A_555 : i32 to index
        %get3A_559 = tpu.vector_load %arg15[%get3A_557, %get3A_558] {strides = array<i32>} : memref<32x128xf32, #tpu.memory_space<vmem>>, vector<16xf32>,
        %add3A_560 = arith.constant 9 : i32
        %add3A_561 = vector.broadcast %add3A_560 : i32 to vector<16xi32>
        %add3A_562 = arith.addi %mul3A_472, %add3A_561 : vector<16xi32>
        tpu.vector_store_idx %arg12[%add3A_562], %get3A_559 : memref<4224xf32, #tpu.memory_space<vmem>>[vector<16xi32>], vector<16xf32>,
        %mul3A_563 = arith.constant 16 : i32
        %mul3A_564 = arith.muli %scan3A_465, %mul3A_563 : i32
        %get3A_565 = arith.constant 10 : i32
        %get3A_566 = arith.index_cast %get3A_565 : i32 to index
        %get3A_567 = arith.index_cast %mul3A_564 : i32 to index
        %get3A_568 = tpu.vector_load %arg15[%get3A_566, %get3A_567] {strides = array<i32>} : memref<32x128xf32, #tpu.memory_space<vmem>>, vector<16xf32>,
        %add3A_569 = arith.constant 10 : i32
        %add3A_570 = vector.broadcast %add3A_569 : i32 to vector<16xi32>
        %add3A_571 = arith.addi %mul3A_472, %add3A_570 : vector<16xi32>
        tpu.vector_store_idx %arg12[%add3A_571], %get3A_568 : memref<4224xf32, #tpu.memory_space<vmem>>[vector<16xi32>], vector<16xf32>,
        %mul3A_572 = arith.constant 16 : i32
        %mul3A_573 = arith.muli %scan3A_465, %mul3A_572 : i32
        %get3A_574 = arith.constant 11 : i32
        %get3A_575 = arith.index_cast %get3A_574 : i32 to index
        %get3A_576 = arith.index_cast %mul3A_573 : i32 to index
        %get3A_577 = tpu.vector_load %arg15[%get3A_575, %get3A_576] {strides = array<i32>} : memref<32x128xf32, #tpu.memory_space<vmem>>, vector<16xf32>,
        %add3A_578 = arith.constant 11 : i32
        %add3A_579 = vector.broadcast %add3A_578 : i32 to vector<16xi32>
        %add3A_580 = arith.addi %mul3A_472, %add3A_579 : vector<16xi32>
        tpu.vector_store_idx %arg12[%add3A_580], %get3A_577 : memref<4224xf32, #tpu.memory_space<vmem>>[vector<16xi32>], vector<16xf32>,
        %mul3A_581 = arith.constant 16 : i32
        %mul3A_582 = arith.muli %scan3A_465, %mul3A_581 : i32
        %get3A_583 = arith.constant 12 : i32
        %get3A_584 = arith.index_cast %get3A_583 : i32 to index
        %get3A_585 = arith.index_cast %mul3A_582 : i32 to index
        %get3A_586 = tpu.vector_load %arg15[%get3A_584, %get3A_585] {strides = array<i32>} : memref<32x128xf32, #tpu.memory_space<vmem>>, vector<16xf32>,
        %add3A_587 = arith.constant 12 : i32
        %add3A_588 = vector.broadcast %add3A_587 : i32 to vector<16xi32>
        %add3A_589 = arith.addi %mul3A_472, %add3A_588 : vector<16xi32>
        tpu.vector_store_idx %arg12[%add3A_589], %get3A_586 : memref<4224xf32, #tpu.memory_space<vmem>>[vector<16xi32>], vector<16xf32>,
        %mul3A_590 = arith.constant 16 : i32
        %mul3A_591 = arith.muli %scan3A_465, %mul3A_590 : i32
        %get3A_592 = arith.constant 13 : i32
        %get3A_593 = arith.index_cast %get3A_592 : i32 to index
        %get3A_594 = arith.index_cast %mul3A_591 : i32 to index
        %get3A_595 = tpu.vector_load %arg15[%get3A_593, %get3A_594] {strides = array<i32>} : memref<32x128xf32, #tpu.memory_space<vmem>>, vector<16xf32>,
        %add3A_596 = arith.constant 13 : i32
        %add3A_597 = vector.broadcast %add3A_596 : i32 to vector<16xi32>
        %add3A_598 = arith.addi %mul3A_472, %add3A_597 : vector<16xi32>
        tpu.vector_store_idx %arg12[%add3A_598], %get3A_595 : memref<4224xf32, #tpu.memory_space<vmem>>[vector<16xi32>], vector<16xf32>,
        %mul3A_599 = arith.constant 16 : i32
        %mul3A_600 = arith.muli %scan3A_465, %mul3A_599 : i32
        %get3A_601 = arith.constant 14 : i32
        %get3A_602 = arith.index_cast %get3A_601 : i32 to index
        %get3A_603 = arith.index_cast %mul3A_600 : i32 to index
        %get3A_604 = tpu.vector_load %arg15[%get3A_602, %get3A_603] {strides = array<i32>} : memref<32x128xf32, #tpu.memory_space<vmem>>, vector<16xf32>,
        %add3A_605 = arith.constant 14 : i32
        %add3A_606 = vector.broadcast %add3A_605 : i32 to vector<16xi32>
        %add3A_607 = arith.addi %mul3A_472, %add3A_606 : vector<16xi32>
        tpu.vector_store_idx %arg12[%add3A_607], %get3A_604 : memref<4224xf32, #tpu.memory_space<vmem>>[vector<16xi32>], vector<16xf32>,
        %mul3A_608 = arith.constant 16 : i32
        %mul3A_609 = arith.muli %scan3A_465, %mul3A_608 : i32
        %get3A_610 = arith.constant 15 : i32
        %get3A_611 = arith.index_cast %get3A_610 : i32 to index
        %get3A_612 = arith.index_cast %mul3A_609 : i32 to index
        %get3A_613 = tpu.vector_load %arg15[%get3A_611, %get3A_612] {strides = array<i32>} : memref<32x128xf32, #tpu.memory_space<vmem>>, vector<16xf32>,
        %add3A_614 = arith.constant 15 : i32
        %add3A_615 = vector.broadcast %add3A_614 : i32 to vector<16xi32>
        %add3A_616 = arith.addi %mul3A_472, %add3A_615 : vector<16xi32>
        tpu.vector_store_idx %arg12[%add3A_616], %get3A_613 : memref<4224xf32, #tpu.memory_space<vmem>>[vector<16xi32>], vector<16xf32>,
        %mul3A_617 = arith.constant 16 : i32
        %mul3A_618 = arith.muli %scan3A_465, %mul3A_617 : i32
        %get3A_619 = arith.constant 16 : i32
        %get3A_620 = arith.index_cast %get3A_619 : i32 to index
        %get3A_621 = arith.index_cast %mul3A_618 : i32 to index
        %get3A_622 = tpu.vector_load %arg15[%get3A_620, %get3A_621] {strides = array<i32>} : memref<32x128xf32, #tpu.memory_space<vmem>>, vector<16xf32>,
        %add3A_623 = arith.constant 16 : i32
        %add3A_624 = vector.broadcast %add3A_623 : i32 to vector<16xi32>
        %add3A_625 = arith.addi %mul3A_472, %add3A_624 : vector<16xi32>
        tpu.vector_store_idx %arg12[%add3A_625], %get3A_622 : memref<4224xf32, #tpu.memory_space<vmem>>[vector<16xi32>], vector<16xf32>,
        %mul3A_626 = arith.constant 16 : i32
        %mul3A_627 = arith.muli %scan3A_465, %mul3A_626 : i32
        %get3A_628 = arith.constant 17 : i32
        %get3A_629 = arith.index_cast %get3A_628 : i32 to index
        %get3A_630 = arith.index_cast %mul3A_627 : i32 to index
        %get3A_631 = tpu.vector_load %arg15[%get3A_629, %get3A_630] {strides = array<i32>} : memref<32x128xf32, #tpu.memory_space<vmem>>, vector<16xf32>,
        %add3A_632 = arith.constant 17 : i32
        %add3A_633 = vector.broadcast %add3A_632 : i32 to vector<16xi32>
        %add3A_634 = arith.addi %mul3A_472, %add3A_633 : vector<16xi32>
        tpu.vector_store_idx %arg12[%add3A_634], %get3A_631 : memref<4224xf32, #tpu.memory_space<vmem>>[vector<16xi32>], vector<16xf32>,
        %mul3A_635 = arith.constant 16 : i32
        %mul3A_636 = arith.muli %scan3A_465, %mul3A_635 : i32
        %get3A_637 = arith.constant 18 : i32
        %get3A_638 = arith.index_cast %get3A_637 : i32 to index
        %get3A_639 = arith.index_cast %mul3A_636 : i32 to index
        %get3A_640 = tpu.vector_load %arg15[%get3A_638, %get3A_639] {strides = array<i32>} : memref<32x128xf32, #tpu.memory_space<vmem>>, vector<16xf32>,
        %add3A_641 = arith.constant 18 : i32
        %add3A_642 = vector.broadcast %add3A_641 : i32 to vector<16xi32>
        %add3A_643 = arith.addi %mul3A_472, %add3A_642 : vector<16xi32>
        tpu.vector_store_idx %arg12[%add3A_643], %get3A_640 : memref<4224xf32, #tpu.memory_space<vmem>>[vector<16xi32>], vector<16xf32>,
        %mul3A_644 = arith.constant 16 : i32
        %mul3A_645 = arith.muli %scan3A_465, %mul3A_644 : i32
        %get3A_646 = arith.constant 19 : i32
        %get3A_647 = arith.index_cast %get3A_646 : i32 to index
        %get3A_648 = arith.index_cast %mul3A_645 : i32 to index
        %get3A_649 = tpu.vector_load %arg15[%get3A_647, %get3A_648] {strides = array<i32>} : memref<32x128xf32, #tpu.memory_space<vmem>>, vector<16xf32>,
        %add3A_650 = arith.constant 19 : i32
        %add3A_651 = vector.broadcast %add3A_650 : i32 to vector<16xi32>
        %add3A_652 = arith.addi %mul3A_472, %add3A_651 : vector<16xi32>
        tpu.vector_store_idx %arg12[%add3A_652], %get3A_649 : memref<4224xf32, #tpu.memory_space<vmem>>[vector<16xi32>], vector<16xf32>,
        %mul3A_653 = arith.constant 16 : i32
        %mul3A_654 = arith.muli %scan3A_465, %mul3A_653 : i32
        %get3A_655 = arith.constant 20 : i32
        %get3A_656 = arith.index_cast %get3A_655 : i32 to index
        %get3A_657 = arith.index_cast %mul3A_654 : i32 to index
        %get3A_658 = tpu.vector_load %arg15[%get3A_656, %get3A_657] {strides = array<i32>} : memref<32x128xf32, #tpu.memory_space<vmem>>, vector<16xf32>,
        %add3A_659 = arith.constant 20 : i32
        %add3A_660 = vector.broadcast %add3A_659 : i32 to vector<16xi32>
        %add3A_661 = arith.addi %mul3A_472, %add3A_660 : vector<16xi32>
        tpu.vector_store_idx %arg12[%add3A_661], %get3A_658 : memref<4224xf32, #tpu.memory_space<vmem>>[vector<16xi32>], vector<16xf32>,
        %mul3A_662 = arith.constant 16 : i32
        %mul3A_663 = arith.muli %scan3A_465, %mul3A_662 : i32
        %get3A_664 = arith.constant 21 : i32
        %get3A_665 = arith.index_cast %get3A_664 : i32 to index
        %get3A_666 = arith.index_cast %mul3A_663 : i32 to index
        %get3A_667 = tpu.vector_load %arg15[%get3A_665, %get3A_666] {strides = array<i32>} : memref<32x128xf32, #tpu.memory_space<vmem>>, vector<16xf32>,
        %add3A_668 = arith.constant 21 : i32
        %add3A_669 = vector.broadcast %add3A_668 : i32 to vector<16xi32>
        %add3A_670 = arith.addi %mul3A_472, %add3A_669 : vector<16xi32>
        tpu.vector_store_idx %arg12[%add3A_670], %get3A_667 : memref<4224xf32, #tpu.memory_space<vmem>>[vector<16xi32>], vector<16xf32>,
        %mul3A_671 = arith.constant 16 : i32
        %mul3A_672 = arith.muli %scan3A_465, %mul3A_671 : i32
        %get3A_673 = arith.constant 22 : i32
        %get3A_674 = arith.index_cast %get3A_673 : i32 to index
        %get3A_675 = arith.index_cast %mul3A_672 : i32 to index
        %get3A_676 = tpu.vector_load %arg15[%get3A_674, %get3A_675] {strides = array<i32>} : memref<32x128xf32, #tpu.memory_space<vmem>>, vector<16xf32>,
        %add3A_677 = arith.constant 22 : i32
        %add3A_678 = vector.broadcast %add3A_677 : i32 to vector<16xi32>
        %add3A_679 = arith.addi %mul3A_472, %add3A_678 : vector<16xi32>
        tpu.vector_store_idx %arg12[%add3A_679], %get3A_676 : memref<4224xf32, #tpu.memory_space<vmem>>[vector<16xi32>], vector<16xf32>,
        %mul3A_680 = arith.constant 16 : i32
        %mul3A_681 = arith.muli %scan3A_465, %mul3A_680 : i32
        %get3A_682 = arith.constant 23 : i32
        %get3A_683 = arith.index_cast %get3A_682 : i32 to index
        %get3A_684 = arith.index_cast %mul3A_681 : i32 to index
        %get3A_685 = tpu.vector_load %arg15[%get3A_683, %get3A_684] {strides = array<i32>} : memref<32x128xf32, #tpu.memory_space<vmem>>, vector<16xf32>,
        %add3A_686 = arith.constant 23 : i32
        %add3A_687 = vector.broadcast %add3A_686 : i32 to vector<16xi32>
        %add3A_688 = arith.addi %mul3A_472, %add3A_687 : vector<16xi32>
        tpu.vector_store_idx %arg12[%add3A_688], %get3A_685 : memref<4224xf32, #tpu.memory_space<vmem>>[vector<16xi32>], vector<16xf32>,
        %mul3A_689 = arith.constant 16 : i32
        %mul3A_690 = arith.muli %scan3A_465, %mul3A_689 : i32
        %get3A_691 = arith.constant 24 : i32
        %get3A_692 = arith.index_cast %get3A_691 : i32 to index
        %get3A_693 = arith.index_cast %mul3A_690 : i32 to index
        %get3A_694 = tpu.vector_load %arg15[%get3A_692, %get3A_693] {strides = array<i32>} : memref<32x128xf32, #tpu.memory_space<vmem>>, vector<16xf32>,
        %add3A_695 = arith.constant 24 : i32
        %add3A_696 = vector.broadcast %add3A_695 : i32 to vector<16xi32>
        %add3A_697 = arith.addi %mul3A_472, %add3A_696 : vector<16xi32>
        tpu.vector_store_idx %arg12[%add3A_697], %get3A_694 : memref<4224xf32, #tpu.memory_space<vmem>>[vector<16xi32>], vector<16xf32>,
        %mul3A_698 = arith.constant 16 : i32
        %mul3A_699 = arith.muli %scan3A_465, %mul3A_698 : i32
        %get3A_700 = arith.constant 25 : i32
        %get3A_701 = arith.index_cast %get3A_700 : i32 to index
        %get3A_702 = arith.index_cast %mul3A_699 : i32 to index
        %get3A_703 = tpu.vector_load %arg15[%get3A_701, %get3A_702] {strides = array<i32>} : memref<32x128xf32, #tpu.memory_space<vmem>>, vector<16xf32>,
        %add3A_704 = arith.constant 25 : i32
        %add3A_705 = vector.broadcast %add3A_704 : i32 to vector<16xi32>
        %add3A_706 = arith.addi %mul3A_472, %add3A_705 : vector<16xi32>
        tpu.vector_store_idx %arg12[%add3A_706], %get3A_703 : memref<4224xf32, #tpu.memory_space<vmem>>[vector<16xi32>], vector<16xf32>,
        %mul3A_707 = arith.constant 16 : i32
        %mul3A_708 = arith.muli %scan3A_465, %mul3A_707 : i32
        %get3A_709 = arith.constant 26 : i32
        %get3A_710 = arith.index_cast %get3A_709 : i32 to index
        %get3A_711 = arith.index_cast %mul3A_708 : i32 to index
        %get3A_712 = tpu.vector_load %arg15[%get3A_710, %get3A_711] {strides = array<i32>} : memref<32x128xf32, #tpu.memory_space<vmem>>, vector<16xf32>,
        %add3A_713 = arith.constant 26 : i32
        %add3A_714 = vector.broadcast %add3A_713 : i32 to vector<16xi32>
        %add3A_715 = arith.addi %mul3A_472, %add3A_714 : vector<16xi32>
        tpu.vector_store_idx %arg12[%add3A_715], %get3A_712 : memref<4224xf32, #tpu.memory_space<vmem>>[vector<16xi32>], vector<16xf32>,
        %mul3A_716 = arith.constant 16 : i32
        %mul3A_717 = arith.muli %scan3A_465, %mul3A_716 : i32
        %get3A_718 = arith.constant 27 : i32
        %get3A_719 = arith.index_cast %get3A_718 : i32 to index
        %get3A_720 = arith.index_cast %mul3A_717 : i32 to index
        %get3A_721 = tpu.vector_load %arg15[%get3A_719, %get3A_720] {strides = array<i32>} : memref<32x128xf32, #tpu.memory_space<vmem>>, vector<16xf32>,
        %add3A_722 = arith.constant 27 : i32
        %add3A_723 = vector.broadcast %add3A_722 : i32 to vector<16xi32>
        %add3A_724 = arith.addi %mul3A_472, %add3A_723 : vector<16xi32>
        tpu.vector_store_idx %arg12[%add3A_724], %get3A_721 : memref<4224xf32, #tpu.memory_space<vmem>>[vector<16xi32>], vector<16xf32>,
        %mul3A_725 = arith.constant 16 : i32
        %mul3A_726 = arith.muli %scan3A_465, %mul3A_725 : i32
        %get3A_727 = arith.constant 28 : i32
        %get3A_728 = arith.index_cast %get3A_727 : i32 to index
        %get3A_729 = arith.index_cast %mul3A_726 : i32 to index
        %get3A_730 = tpu.vector_load %arg15[%get3A_728, %get3A_729] {strides = array<i32>} : memref<32x128xf32, #tpu.memory_space<vmem>>, vector<16xf32>,
        %add3A_731 = arith.constant 28 : i32
        %add3A_732 = vector.broadcast %add3A_731 : i32 to vector<16xi32>
        %add3A_733 = arith.addi %mul3A_472, %add3A_732 : vector<16xi32>
        tpu.vector_store_idx %arg12[%add3A_733], %get3A_730 : memref<4224xf32, #tpu.memory_space<vmem>>[vector<16xi32>], vector<16xf32>,
        %mul3A_734 = arith.constant 16 : i32
        %mul3A_735 = arith.muli %scan3A_465, %mul3A_734 : i32
        %get3A_736 = arith.constant 29 : i32
        %get3A_737 = arith.index_cast %get3A_736 : i32 to index
        %get3A_738 = arith.index_cast %mul3A_735 : i32 to index
        %get3A_739 = tpu.vector_load %arg15[%get3A_737, %get3A_738] {strides = array<i32>} : memref<32x128xf32, #tpu.memory_space<vmem>>, vector<16xf32>,
        %add3A_740 = arith.constant 29 : i32
        %add3A_741 = vector.broadcast %add3A_740 : i32 to vector<16xi32>
        %add3A_742 = arith.addi %mul3A_472, %add3A_741 : vector<16xi32>
        tpu.vector_store_idx %arg12[%add3A_742], %get3A_739 : memref<4224xf32, #tpu.memory_space<vmem>>[vector<16xi32>], vector<16xf32>,
        %mul3A_743 = arith.constant 16 : i32
        %mul3A_744 = arith.muli %scan3A_465, %mul3A_743 : i32
        %get3A_745 = arith.constant 30 : i32
        %get3A_746 = arith.index_cast %get3A_745 : i32 to index
        %get3A_747 = arith.index_cast %mul3A_744 : i32 to index
        %get3A_748 = tpu.vector_load %arg15[%get3A_746, %get3A_747] {strides = array<i32>} : memref<32x128xf32, #tpu.memory_space<vmem>>, vector<16xf32>,
        %add3A_749 = arith.constant 30 : i32
        %add3A_750 = vector.broadcast %add3A_749 : i32 to vector<16xi32>
        %add3A_751 = arith.addi %mul3A_472, %add3A_750 : vector<16xi32>
        tpu.vector_store_idx %arg12[%add3A_751], %get3A_748 : memref<4224xf32, #tpu.memory_space<vmem>>[vector<16xi32>], vector<16xf32>,
        %mul3A_752 = arith.constant 16 : i32
        %mul3A_753 = arith.muli %scan3A_465, %mul3A_752 : i32
        %get3A_754 = arith.constant 31 : i32
        %get3A_755 = arith.index_cast %get3A_754 : i32 to index
        %get3A_756 = arith.index_cast %mul3A_753 : i32 to index
        %get3A_757 = tpu.vector_load %arg15[%get3A_755, %get3A_756] {strides = array<i32>} : memref<32x128xf32, #tpu.memory_space<vmem>>, vector<16xf32>,
        %add3A_758 = arith.constant 31 : i32
        %add3A_759 = vector.broadcast %add3A_758 : i32 to vector<16xi32>
        %add3A_760 = arith.addi %mul3A_472, %add3A_759 : vector<16xi32>
        tpu.vector_store_idx %arg12[%add3A_760], %get3A_757 : memref<4224xf32, #tpu.memory_space<vmem>>[vector<16xi32>], vector<16xf32>,
      }
      %scan3A_98 = arith.constant 8 : i32
      %scan3A_99 = arith.constant 0 : i32
      %scan3A_100 = arith.constant 0 : i32
      %scan3A_101 = arith.constant 128 : i32
      %scan3A_102 = arith.addi %scan3A_100, %scan3A_101 : i32
      %scan3A_103 = arith.constant 4 : i32
      scf.for %scan3A_169 = %scan3A_100 to %scan3A_102 step %scan3A_103  : i32 {
        %mul3A_170 = arith.constant 33 : i32
        %mul3A_171 = arith.muli %scan3A_169, %mul3A_170 : i32
        %get3A = arith.index_cast %mul3A_171 : i32 to index
        %get3A_172 = tpu.vector_load %arg12[%get3A] {strides = array<i32>} : memref<4224xf32, #tpu.memory_space<vmem>>, vector<16xf32>,
        %mul3A_173 = arith.constant 33 : i32
        %mul3A_174 = arith.muli %scan3A_169, %mul3A_173 : i32
        %add3A_175 = arith.constant 16 : i32
        %add3A_176 = arith.addi %mul3A_174, %add3A_175 : i32
        %get3A_177 = arith.index_cast %add3A_176 : i32 to index
        %get3A_178 = tpu.vector_load %arg12[%get3A_177] {strides = array<i32>} : memref<4224xf32, #tpu.memory_space<vmem>>, vector<16xf32>,
        %get3A_179 = arith.index_cast %scan3A_169 : i32 to index
        %get3A_180 = arith.constant 0 : index
        %get3A_181 = tpu.vector_load %arg13[%get3A_179, %get3A_180] {strides = array<i32>} : memref<128x32xf32, #tpu.memory_space<vmem>>, vector<16xf32>,
        %get3A_182 = arith.index_cast %scan3A_169 : i32 to index
        %get3A_183 = arith.constant 0 : index
        %get3A_184 = tpu.vector_load %arg14[%get3A_182, %get3A_183] {strides = array<i32>} : memref<128x32xf32, #tpu.memory_space<vmem>>, vector<16xf32>,
        %add3A_185 = arith.addf %get3A_181, %get3A_184 : vector<16xf32>
        %add3A_186 = arith.addf %add3A_185, %get3A_172 : vector<16xf32>
        %max3A = arith.constant 0.000000e+00 : f32
        %max3A_187 = vector.broadcast %max3A : f32 to vector<16xf32>
        %max3A_188 = arith.maximumf %add3A_186, %max3A_187 : vector<16xf32>
        %get3A_189 = arith.index_cast %scan3A_169 : i32 to index
        %get3A_190 = arith.constant 16 : index
        %get3A_191 = tpu.vector_load %arg13[%get3A_189, %get3A_190] {strides = array<i32>} : memref<128x32xf32, #tpu.memory_space<vmem>>, vector<16xf32>,
        %get3A_192 = arith.index_cast %scan3A_169 : i32 to index
        %get3A_193 = arith.constant 16 : index
        %get3A_194 = tpu.vector_load %arg14[%get3A_192, %get3A_193] {strides = array<i32>} : memref<128x32xf32, #tpu.memory_space<vmem>>, vector<16xf32>,
        %add3A_195 = arith.addf %get3A_191, %get3A_194 : vector<16xf32>
        %add3A_196 = arith.addf %add3A_195, %get3A_178 : vector<16xf32>
        %max3A_197 = arith.constant 0.000000e+00 : f32
        %max3A_198 = vector.broadcast %max3A_197 : f32 to vector<16xf32>
        %max3A_199 = arith.maximumf %add3A_196, %max3A_198 : vector<16xf32>
        %pack3A = tpu.pack_subelements %max3A_188, %max3A_199 {pack_format = #tpu.pack_format<interleaved>, positions = array<i32: 0, 1>} : vector<16xf32>, vector<16xf32> -> vector<32xbf16>
        %swap3A = arith.index_cast %scan3A_169 : i32 to index
        %swap3A_200 = arith.constant 0 : index
        %swap3A_201 = tpu.vector_load %arg16[%swap3A, %swap3A_200] {strides = array<i32>} : memref<128x48xbf16, #tpu.memory_space<vmem>>, vector<32xbf16>,
        tpu.vector_store %arg16[%swap3A, %swap3A_200], %pack3A {strides = array<i32>} : memref<128x48xbf16, #tpu.memory_space<vmem>>, vector<32xbf16>,
        %scan3A_202 = arith.constant 1 : i32
        %scan3A_203 = arith.addi %scan3A_169, %scan3A_202 : i32
        %mul3A_204 = arith.constant 33 : i32
        %mul3A_205 = arith.muli %scan3A_203, %mul3A_204 : i32
        %get3A_206 = arith.index_cast %mul3A_205 : i32 to index
        %get3A_207 = tpu.vector_load %arg12[%get3A_206] {strides = array<i32>} : memref<4224xf32, #tpu.memory_space<vmem>>, vector<16xf32>,
        %mul3A_208 = arith.constant 33 : i32
        %mul3A_209 = arith.muli %scan3A_203, %mul3A_208 : i32
        %add3A_210 = arith.constant 16 : i32
        %add3A_211 = arith.addi %mul3A_209, %add3A_210 : i32
        %get3A_212 = arith.index_cast %add3A_211 : i32 to index
        %get3A_213 = tpu.vector_load %arg12[%get3A_212] {strides = array<i32>} : memref<4224xf32, #tpu.memory_space<vmem>>, vector<16xf32>,
        %get3A_214 = arith.index_cast %scan3A_203 : i32 to index
        %get3A_215 = arith.constant 0 : index
        %get3A_216 = tpu.vector_load %arg13[%get3A_214, %get3A_215] {strides = array<i32>} : memref<128x32xf32, #tpu.memory_space<vmem>>, vector<16xf32>,
        %get3A_217 = arith.index_cast %scan3A_203 : i32 to index
        %get3A_218 = arith.constant 0 : index
        %get3A_219 = tpu.vector_load %arg14[%get3A_217, %get3A_218] {strides = array<i32>} : memref<128x32xf32, #tpu.memory_space<vmem>>, vector<16xf32>,
        %add3A_220 = arith.addf %get3A_216, %get3A_219 : vector<16xf32>
        %add3A_221 = arith.addf %add3A_220, %get3A_207 : vector<16xf32>
        %max3A_222 = arith.constant 0.000000e+00 : f32
        %max3A_223 = vector.broadcast %max3A_222 : f32 to vector<16xf32>
        %max3A_224 = arith.maximumf %add3A_221, %max3A_223 : vector<16xf32>
        %get3A_225 = arith.index_cast %scan3A_203 : i32 to index
        %get3A_226 = arith.constant 16 : index
        %get3A_227 = tpu.vector_load %arg13[%get3A_225, %get3A_226] {strides = array<i32>} : memref<128x32xf32, #tpu.memory_space<vmem>>, vector<16xf32>,
        %get3A_228 = arith.index_cast %scan3A_203 : i32 to index
        %get3A_229 = arith.constant 16 : index
        %get3A_230 = tpu.vector_load %arg14[%get3A_228, %get3A_229] {strides = array<i32>} : memref<128x32xf32, #tpu.memory_space<vmem>>, vector<16xf32>,
        %add3A_231 = arith.addf %get3A_227, %get3A_230 : vector<16xf32>
        %add3A_232 = arith.addf %add3A_231, %get3A_213 : vector<16xf32>
        %max3A_233 = arith.constant 0.000000e+00 : f32
        %max3A_234 = vector.broadcast %max3A_233 : f32 to vector<16xf32>
        %max3A_235 = arith.maximumf %add3A_232, %max3A_234 : vector<16xf32>
        %pack3A_236 = tpu.pack_subelements %max3A_224, %max3A_235 {pack_format = #tpu.pack_format<interleaved>, positions = array<i32: 0, 1>} : vector<16xf32>, vector<16xf32> -> vector<32xbf16>
        %swap3A_237 = arith.index_cast %scan3A_203 : i32 to index
        %swap3A_238 = arith.constant 0 : index
        %swap3A_239 = tpu.vector_load %arg16[%swap3A_237, %swap3A_238] {strides = array<i32>} : memref<128x48xbf16, #tpu.memory_space<vmem>>, vector<32xbf16>,
        tpu.vector_store %arg16[%swap3A_237, %swap3A_238], %pack3A_236 {strides = array<i32>} : memref<128x48xbf16, #tpu.memory_space<vmem>>, vector<32xbf16>,
        %scan3A_240 = arith.constant 2 : i32
        %scan3A_241 = arith.addi %scan3A_169, %scan3A_240 : i32
        %mul3A_242 = arith.constant 33 : i32
        %mul3A_243 = arith.muli %scan3A_241, %mul3A_242 : i32
        %get3A_244 = arith.index_cast %mul3A_243 : i32 to index
        %get3A_245 = tpu.vector_load %arg12[%get3A_244] {strides = array<i32>} : memref<4224xf32, #tpu.memory_space<vmem>>, vector<16xf32>,
        %mul3A_246 = arith.constant 33 : i32
        %mul3A_247 = arith.muli %scan3A_241, %mul3A_246 : i32
        %add3A_248 = arith.constant 16 : i32
        %add3A_249 = arith.addi %mul3A_247, %add3A_248 : i32
        %get3A_250 = arith.index_cast %add3A_249 : i32 to index
        %get3A_251 = tpu.vector_load %arg12[%get3A_250] {strides = array<i32>} : memref<4224xf32, #tpu.memory_space<vmem>>, vector<16xf32>,
        %get3A_252 = arith.index_cast %scan3A_241 : i32 to index
        %get3A_253 = arith.constant 0 : index
        %get3A_254 = tpu.vector_load %arg13[%get3A_252, %get3A_253] {strides = array<i32>} : memref<128x32xf32, #tpu.memory_space<vmem>>, vector<16xf32>,
        %get3A_255 = arith.index_cast %scan3A_241 : i32 to index
        %get3A_256 = arith.constant 0 : index
        %get3A_257 = tpu.vector_load %arg14[%get3A_255, %get3A_256] {strides = array<i32>} : memref<128x32xf32, #tpu.memory_space<vmem>>, vector<16xf32>,
        %add3A_258 = arith.addf %get3A_254, %get3A_257 : vector<16xf32>
        %add3A_259 = arith.addf %add3A_258, %get3A_245 : vector<16xf32>
        %max3A_260 = arith.constant 0.000000e+00 : f32
        %max3A_261 = vector.broadcast %max3A_260 : f32 to vector<16xf32>
        %max3A_262 = arith.maximumf %add3A_259, %max3A_261 : vector<16xf32>
        %get3A_263 = arith.index_cast %scan3A_241 : i32 to index
        %get3A_264 = arith.constant 16 : index
        %get3A_265 = tpu.vector_load %arg13[%get3A_263, %get3A_264] {strides = array<i32>} : memref<128x32xf32, #tpu.memory_space<vmem>>, vector<16xf32>,
        %get3A_266 = arith.index_cast %scan3A_241 : i32 to index
        %get3A_267 = arith.constant 16 : index
        %get3A_268 = tpu.vector_load %arg14[%get3A_266, %get3A_267] {strides = array<i32>} : memref<128x32xf32, #tpu.memory_space<vmem>>, vector<16xf32>,
        %add3A_269 = arith.addf %get3A_265, %get3A_268 : vector<16xf32>
        %add3A_270 = arith.addf %add3A_269, %get3A_251 : vector<16xf32>
        %max3A_271 = arith.constant 0.000000e+00 : f32
        %max3A_272 = vector.broadcast %max3A_271 : f32 to vector<16xf32>
        %max3A_273 = arith.maximumf %add3A_270, %max3A_272 : vector<16xf32>
        %pack3A_274 = tpu.pack_subelements %max3A_262, %max3A_273 {pack_format = #tpu.pack_format<interleaved>, positions = array<i32: 0, 1>} : vector<16xf32>, vector<16xf32> -> vector<32xbf16>
        %swap3A_275 = arith.index_cast %scan3A_241 : i32 to index
        %swap3A_276 = arith.constant 0 : index
        %swap3A_277 = tpu.vector_load %arg16[%swap3A_275, %swap3A_276] {strides = array<i32>} : memref<128x48xbf16, #tpu.memory_space<vmem>>, vector<32xbf16>,
        tpu.vector_store %arg16[%swap3A_275, %swap3A_276], %pack3A_274 {strides = array<i32>} : memref<128x48xbf16, #tpu.memory_space<vmem>>, vector<32xbf16>,
        %scan3A_278 = arith.constant 3 : i32
        %scan3A_279 = arith.addi %scan3A_169, %scan3A_278 : i32
        %mul3A_280 = arith.constant 33 : i32
        %mul3A_281 = arith.muli %scan3A_279, %mul3A_280 : i32
        %get3A_282 = arith.index_cast %mul3A_281 : i32 to index
        %get3A_283 = tpu.vector_load %arg12[%get3A_282] {strides = array<i32>} : memref<4224xf32, #tpu.memory_space<vmem>>, vector<16xf32>,
        %mul3A_284 = arith.constant 33 : i32
        %mul3A_285 = arith.muli %scan3A_279, %mul3A_284 : i32
        %add3A_286 = arith.constant 16 : i32
        %add3A_287 = arith.addi %mul3A_285, %add3A_286 : i32
        %get3A_288 = arith.index_cast %add3A_287 : i32 to index
        %get3A_289 = tpu.vector_load %arg12[%get3A_288] {strides = array<i32>} : memref<4224xf32, #tpu.memory_space<vmem>>, vector<16xf32>,
        %get3A_290 = arith.index_cast %scan3A_279 : i32 to index
        %get3A_291 = arith.constant 0 : index
        %get3A_292 = tpu.vector_load %arg13[%get3A_290, %get3A_291] {strides = array<i32>} : memref<128x32xf32, #tpu.memory_space<vmem>>, vector<16xf32>,
        %get3A_293 = arith.index_cast %scan3A_279 : i32 to index
        %get3A_294 = arith.constant 0 : index
        %get3A_295 = tpu.vector_load %arg14[%get3A_293, %get3A_294] {strides = array<i32>} : memref<128x32xf32, #tpu.memory_space<vmem>>, vector<16xf32>,
        %add3A_296 = arith.addf %get3A_292, %get3A_295 : vector<16xf32>
        %add3A_297 = arith.addf %add3A_296, %get3A_283 : vector<16xf32>
        %max3A_298 = arith.constant 0.000000e+00 : f32
        %max3A_299 = vector.broadcast %max3A_298 : f32 to vector<16xf32>
        %max3A_300 = arith.maximumf %add3A_297, %max3A_299 : vector<16xf32>
        %get3A_301 = arith.index_cast %scan3A_279 : i32 to index
        %get3A_302 = arith.constant 16 : index
        %get3A_303 = tpu.vector_load %arg13[%get3A_301, %get3A_302] {strides = array<i32>} : memref<128x32xf32, #tpu.memory_space<vmem>>, vector<16xf32>,
        %get3A_304 = arith.index_cast %scan3A_279 : i32 to index
        %get3A_305 = arith.constant 16 : index
        %get3A_306 = tpu.vector_load %arg14[%get3A_304, %get3A_305] {strides = array<i32>} : memref<128x32xf32, #tpu.memory_space<vmem>>, vector<16xf32>,
        %add3A_307 = arith.addf %get3A_303, %get3A_306 : vector<16xf32>
        %add3A_308 = arith.addf %add3A_307, %get3A_289 : vector<16xf32>
        %max3A_309 = arith.constant 0.000000e+00 : f32
        %max3A_310 = vector.broadcast %max3A_309 : f32 to vector<16xf32>
        %max3A_311 = arith.maximumf %add3A_308, %max3A_310 : vector<16xf32>
        %pack3A_312 = tpu.pack_subelements %max3A_300, %max3A_311 {pack_format = #tpu.pack_format<interleaved>, positions = array<i32: 0, 1>} : vector<16xf32>, vector<16xf32> -> vector<32xbf16>
        %swap3A_313 = arith.index_cast %scan3A_279 : i32 to index
        %swap3A_314 = arith.constant 0 : index
        %swap3A_315 = tpu.vector_load %arg16[%swap3A_313, %swap3A_314] {strides = array<i32>} : memref<128x48xbf16, #tpu.memory_space<vmem>>, vector<32xbf16>,
        tpu.vector_store %arg16[%swap3A_313, %swap3A_314], %pack3A_312 {strides = array<i32>} : memref<128x48xbf16, #tpu.memory_space<vmem>>, vector<32xbf16>,
      }
      %scan3A_104 = arith.constant 128 : i32
      %dma_start3A_105 = arith.constant 0 : i32
      %dma_start3A_106 = tpu.memref_slice %arg11[%add3A_68, %dma_start3A_105] : memref<80x128xi32, #tpu.memory_space<vmem>> -> memref<1x128xi32, #tpu.memory_space<vmem>>
      %dma_start3A_107 = tpu.memref_squeeze %dma_start3A_106 : memref<1x128xi32, #tpu.memory_space<vmem>> -> memref<128xi32, #tpu.memory_space<vmem>>
      %dma_start3A_108 = arith.constant 0 : i32
      %dma_start3A_109 = arith.constant 0 : i32
      %dma_start3A_110 = tpu.memref_slice %arg21[%dma_start3A_108, %dma_start3A_109] : memref<10112x48xbf16, #tpu.memory_space<vmem_shared>> -> memref<10112x48xbf16, #tpu.memory_space<vmem_shared>>
      tpu.enqueue_indirect_dma source(%arg16 : memref<128x48xbf16, #tpu.memory_space<vmem>>) target(%dma_start3A_110 : memref<10112x48xbf16, #tpu.memory_space<vmem_shared>>) offsets(%dma_start3A_107 : memref<128xi32, #tpu.memory_space<vmem>>) semaphore(%arg25 : memref<!tpu.dma_semaphore, #tpu.memory_space<semaphore_mem>>) {add = true}
      %lt3A_111 = arith.constant 39 : i32
      %lt3A_112 = arith.cmpi slt, %scan3A_64, %lt3A_111 : i32
      %convert_element_type3A_113 = arith.extui %lt3A_112 : i1 to i32
      %cond3A_114 = arith.constant 0 : i32
      %cond3A_115 = arith.cmpi ne, %convert_element_type3A_113, %cond3A_114 : i32
      scf.if %cond3A_115 {
        %add3A_169 = arith.constant 2 : i32
        %add3A_170 = arith.addi %add3A_68, %add3A_169 : i32
        %dma_start3A_171 = arith.constant 0 : i32
        %dma_start3A_172 = tpu.memref_slice %arg10[%add3A_170, %dma_start3A_171] : memref<80x128xi32, #tpu.memory_space<vmem>> -> memref<1x128xi32, #tpu.memory_space<vmem>>
        %dma_start3A_173 = tpu.memref_squeeze %dma_start3A_172 : memref<1x128xi32, #tpu.memory_space<vmem>> -> memref<128xi32, #tpu.memory_space<vmem>>
        %dma_start3A_174 = arith.constant 0 : i32
        %dma_start3A_175 = arith.constant 0 : i32
        %dma_start3A_176 = tpu.memref_slice %arg2[%dma_start3A_174, %dma_start3A_175] : memref<10112x32xf32, #tpu.memory_space<hbm>> -> memref<10112x32xf32, #tpu.memory_space<hbm>>
        tpu.enqueue_indirect_dma source(%dma_start3A_176 : memref<10112x32xf32, #tpu.memory_space<hbm>>) target(%arg13 : memref<128x32xf32, #tpu.memory_space<vmem>>) offsets(%dma_start3A_173 : memref<128xi32, #tpu.memory_space<vmem>>) semaphore(%arg22 : memref<!tpu.dma_semaphore, #tpu.memory_space<semaphore_mem>>)
        %dma_start3A_177 = arith.constant 0 : i32
        %dma_start3A_178 = tpu.memref_slice %arg11[%add3A_170, %dma_start3A_177] : memref<80x128xi32, #tpu.memory_space<vmem>> -> memref<1x128xi32, #tpu.memory_space<vmem>>
        %dma_start3A_179 = tpu.memref_squeeze %dma_start3A_178 : memref<1x128xi32, #tpu.memory_space<vmem>> -> memref<128xi32, #tpu.memory_space<vmem>>
        %dma_start3A_180 = arith.constant 0 : i32
        %dma_start3A_181 = arith.constant 0 : i32
        %dma_start3A_182 = tpu.memref_slice %arg3[%dma_start3A_180, %dma_start3A_181] : memref<10112x32xf32, #tpu.memory_space<hbm>> -> memref<10112x32xf32, #tpu.memory_space<hbm>>
        tpu.enqueue_indirect_dma source(%dma_start3A_182 : memref<10112x32xf32, #tpu.memory_space<hbm>>) target(%arg14 : memref<128x32xf32, #tpu.memory_space<vmem>>) offsets(%dma_start3A_179 : memref<128xi32, #tpu.memory_space<vmem>>) semaphore(%arg23 : memref<!tpu.dma_semaphore, #tpu.memory_space<semaphore_mem>>)
        %mul3A_183 = arith.constant 80 : i32
        %mul3A_184 = arith.muli %add3A, %mul3A_183 : i32
        %add3A_185 = arith.addi %mul3A_184, %add3A_170 : i32
        %lt3A_186 = arith.constant 2500 : i32
        %lt3A_187 = arith.cmpi slt, %add3A_185, %lt3A_186 : i32
        %convert_element_type3A_188 = arith.extui %lt3A_187 : i1 to i32
        %cond3A_189 = arith.constant 0 : i32
        %cond3A_190 = arith.cmpi ne, %convert_element_type3A_188, %cond3A_189 : i32
        scf.if %cond3A_190 {
          %mul3A_191 = arith.constant 80 : i32
          %mul3A_192 = arith.muli %add3A, %mul3A_191 : i32
          %add3A_193 = arith.addi %mul3A_192, %add3A_170 : i32
          %dma_start3A_194 = arith.constant 0 : i32
          %dma_start3A_195 = arith.constant 0 : i32
          %dma_start3A_196 = tpu.memref_slice %arg4[%dma_start3A_194, %add3A_193, %dma_start3A_195] : memref<32x2500x128xf32, #tpu.memory_space<hbm>> -> memref<32x1x128xf32, #tpu.memory_space<hbm>>
          %dma_start3A_197 = tpu.memref_squeeze %dma_start3A_196 : memref<32x1x128xf32, #tpu.memory_space<hbm>> -> memref<32x128xf32, #tpu.memory_space<hbm>>
          %dma_start3A_198 = arith.constant 0 : i32
          %dma_start3A_199 = arith.constant 0 : i32
          %dma_start3A_200 = tpu.memref_slice %arg4[%dma_start3A_198, %add3A_193, %dma_start3A_199] : memref<32x2500x128xf32, #tpu.memory_space<hbm>> -> memref<32x1x128xf32, #tpu.memory_space<hbm>>
          %dma_start3A_201 = tpu.memref_squeeze %dma_start3A_200 : memref<32x1x128xf32, #tpu.memory_space<hbm>> -> memref<32x128xf32, #tpu.memory_space<hbm>>
          tpu.enqueue_dma source(%dma_start3A_201 : memref<32x128xf32, #tpu.memory_space<hbm>>) target(%arg15 : memref<32x128xf32, #tpu.memory_space<vmem>>) target_semaphore(%arg24 : memref<!tpu.dma_semaphore, #tpu.memory_space<semaphore_mem>>)
        } else {
        }
      } else {
      }
      %mul3A_116 = arith.constant 2 : i32
      %mul3A_117 = arith.muli %mul3A_116, %scan3A_64 : i32
      %add3A_118 = arith.constant 1 : i32
      %add3A_119 = arith.addi %mul3A_117, %add3A_118 : i32
      %dma_wait3A_120 = arith.constant 0 : i32
      %dma_wait3A_121 = tpu.memref_slice %arg10[%add3A_119, %dma_wait3A_120] : memref<80x128xi32, #tpu.memory_space<vmem>> -> memref<1x128xi32, #tpu.memory_space<vmem>>
      %dma_wait3A_122 = tpu.memref_squeeze %dma_wait3A_121 : memref<1x128xi32, #tpu.memory_space<vmem>> -> memref<128xi32, #tpu.memory_space<vmem>>
      %dma_wait3A_123 = arith.constant 0 : i32
      %dma_wait3A_124 = arith.constant 0 : i32
      %dma_wait3A_125 = tpu.memref_slice %arg2[%dma_wait3A_123, %dma_wait3A_124] : memref<10112x32xf32, #tpu.memory_space<hbm>> -> memref<10112x32xf32, #tpu.memory_space<hbm>>
      tpu.wait_indirect_dma semaphore(%arg26 : memref<!tpu.dma_semaphore, #tpu.memory_space<semaphore_mem>>) src(%dma_wait3A_125 : memref<10112x32xf32, #tpu.memory_space<hbm>>) dst(%arg17 : memref<128x32xf32, #tpu.memory_space<vmem>>)
      %dma_wait3A_126 = arith.constant 0 : i32
      %dma_wait3A_127 = tpu.memref_slice %arg11[%add3A_119, %dma_wait3A_126] : memref<80x128xi32, #tpu.memory_space<vmem>> -> memref<1x128xi32, #tpu.memory_space<vmem>>
      %dma_wait3A_128 = tpu.memref_squeeze %dma_wait3A_127 : memref<1x128xi32, #tpu.memory_space<vmem>> -> memref<128xi32, #tpu.memory_space<vmem>>
      %dma_wait3A_129 = arith.constant 0 : i32
      %dma_wait3A_130 = arith.constant 0 : i32
      %dma_wait3A_131 = tpu.memref_slice %arg3[%dma_wait3A_129, %dma_wait3A_130] : memref<10112x32xf32, #tpu.memory_space<hbm>> -> memref<10112x32xf32, #tpu.memory_space<hbm>>
      tpu.wait_indirect_dma semaphore(%arg27 : memref<!tpu.dma_semaphore, #tpu.memory_space<semaphore_mem>>) src(%dma_wait3A_131 : memref<10112x32xf32, #tpu.memory_space<hbm>>) dst(%arg18 : memref<128x32xf32, #tpu.memory_space<vmem>>)
      %mul3A_132 = arith.constant 80 : i32
      %mul3A_133 = arith.muli %add3A, %mul3A_132 : i32
      %add3A_134 = arith.addi %mul3A_133, %add3A_119 : i32
      %lt3A_135 = arith.constant 2500 : i32
      %lt3A_136 = arith.cmpi slt, %add3A_134, %lt3A_135 : i32
      %convert_element_type3A_137 = arith.extui %lt3A_136 : i1 to i32
      %cond3A_138 = arith.constant 0 : i32
      %cond3A_139 = arith.cmpi ne, %convert_element_type3A_137, %cond3A_138 : i32
      scf.if %cond3A_139 {
        %mul3A_169 = arith.constant 80 : i32
        %mul3A_170 = arith.muli %add3A, %mul3A_169 : i32
        %add3A_171 = arith.addi %mul3A_170, %add3A_119 : i32
        %dma_wait3A_172 = arith.constant 0 : i32
        %dma_wait3A_173 = arith.constant 0 : i32
        %dma_wait3A_174 = tpu.memref_slice %arg4[%dma_wait3A_172, %add3A_171, %dma_wait3A_173] : memref<32x2500x128xf32, #tpu.memory_space<hbm>> -> memref<32x1x128xf32, #tpu.memory_space<hbm>>
        %dma_wait3A_175 = tpu.memref_squeeze %dma_wait3A_174 : memref<32x1x128xf32, #tpu.memory_space<hbm>> -> memref<32x128xf32, #tpu.memory_space<hbm>>
        %dma_wait3A_176 = arith.constant 0 : i32
        %dma_wait3A_177 = arith.constant 0 : i32
        %dma_wait3A_178 = tpu.memref_slice %arg4[%dma_wait3A_176, %add3A_171, %dma_wait3A_177] : memref<32x2500x128xf32, #tpu.memory_space<hbm>> -> memref<32x1x128xf32, #tpu.memory_space<hbm>>
        %dma_wait3A_179 = tpu.memref_squeeze %dma_wait3A_178 : memref<32x1x128xf32, #tpu.memory_space<hbm>> -> memref<32x128xf32, #tpu.memory_space<hbm>>
        tpu.wait_dma2 semaphore(%arg28 : memref<!tpu.dma_semaphore, #tpu.memory_space<semaphore_mem>>) src(%dma_wait3A_179 : memref<32x128xf32, #tpu.memory_space<hbm>>) dst(%arg19 : memref<32x128xf32, #tpu.memory_space<vmem>>)
      } else {
      }
      %gt3A_140 = arith.constant 0 : i32
      %gt3A_141 = arith.cmpi sgt, %scan3A_64, %gt3A_140 : i32
      %convert_element_type3A_142 = arith.extui %gt3A_141 : i1 to i32
      %cond3A_143 = arith.constant 0 : i32
      %cond3A_144 = arith.cmpi ne, %convert_element_type3A_142, %cond3A_143 : i32
      scf.if %cond3A_144 {
        %dma_wait3A_169 = arith.constant 0 : i32
        %dma_wait3A_170 = tpu.memref_slice %arg11[%add3A_119, %dma_wait3A_169] : memref<80x128xi32, #tpu.memory_space<vmem>> -> memref<1x128xi32, #tpu.memory_space<vmem>>
        %dma_wait3A_171 = tpu.memref_squeeze %dma_wait3A_170 : memref<1x128xi32, #tpu.memory_space<vmem>> -> memref<128xi32, #tpu.memory_space<vmem>>
        %dma_wait3A_172 = arith.constant 0 : i32
        %dma_wait3A_173 = arith.constant 0 : i32
        %dma_wait3A_174 = tpu.memref_slice %arg21[%dma_wait3A_172, %dma_wait3A_173] : memref<10112x48xbf16, #tpu.memory_space<vmem_shared>> -> memref<10112x48xbf16, #tpu.memory_space<vmem_shared>>
        tpu.wait_indirect_dma semaphore(%arg29 : memref<!tpu.dma_semaphore, #tpu.memory_space<semaphore_mem>>) src(%arg20 : memref<128x48xbf16, #tpu.memory_space<vmem>>) dst(%dma_wait3A_174 : memref<10112x48xbf16, #tpu.memory_space<vmem_shared>>)
      } else {
      }
      %iota3A_145 = tpu.iota {dimensions = array<i32: 0>} : vector<16xi32>
      %scan3A_146 = arith.constant 0 : i32
      %scan3A_147 = arith.constant 0 : i32
      %scan3A_148 = arith.constant 8 : i32
      %scan3A_149 = arith.addi %scan3A_147, %scan3A_148 : i32
      %scan3A_150 = arith.constant 2 : i32
      scf.for %scan3A_169 = %scan3A_147 to %scan3A_149 step %scan3A_150  : i32 {
        %mul3A_170 = arith.constant 16 : i32
        %mul3A_171 = arith.muli %scan3A_169, %mul3A_170 : i32
        %add3A_172 = vector.broadcast %mul3A_171 : i32 to vector<16xi32>
        %add3A_173 = arith.addi %iota3A_145, %add3A_172 : vector<16xi32>
        %mul3A_174 = arith.constant 33 : i32
        %mul3A_175 = vector.broadcast %mul3A_174 : i32 to vector<16xi32>
        %mul3A_176 = arith.muli %add3A_173, %mul3A_175 : vector<16xi32>
        %mul3A_177 = arith.constant 16 : i32
        %mul3A_178 = arith.muli %scan3A_169, %mul3A_177 : i32
        %get3A = arith.constant 0 : i32
        %get3A_179 = arith.index_cast %get3A : i32 to index
        %get3A_180 = arith.index_cast %mul3A_178 : i32 to index
        %get3A_181 = tpu.vector_load %arg19[%get3A_179, %get3A_180] {strides = array<i32>} : memref<32x128xf32, #tpu.memory_space<vmem>>, vector<16xf32>,
        %add3A_182 = arith.constant 0 : i32
        %add3A_183 = vector.broadcast %add3A_182 : i32 to vector<16xi32>
        %add3A_184 = arith.addi %mul3A_176, %add3A_183 : vector<16xi32>
        tpu.vector_store_idx %arg12[%add3A_184], %get3A_181 : memref<4224xf32, #tpu.memory_space<vmem>>[vector<16xi32>], vector<16xf32>,
        %mul3A_185 = arith.constant 16 : i32
        %mul3A_186 = arith.muli %scan3A_169, %mul3A_185 : i32
        %get3A_187 = arith.constant 1 : i32
        %get3A_188 = arith.index_cast %get3A_187 : i32 to index
        %get3A_189 = arith.index_cast %mul3A_186 : i32 to index
        %get3A_190 = tpu.vector_load %arg19[%get3A_188, %get3A_189] {strides = array<i32>} : memref<32x128xf32, #tpu.memory_space<vmem>>, vector<16xf32>,
        %add3A_191 = arith.constant 1 : i32
        %add3A_192 = vector.broadcast %add3A_191 : i32 to vector<16xi32>
        %add3A_193 = arith.addi %mul3A_176, %add3A_192 : vector<16xi32>
        tpu.vector_store_idx %arg12[%add3A_193], %get3A_190 : memref<4224xf32, #tpu.memory_space<vmem>>[vector<16xi32>], vector<16xf32>,
        %mul3A_194 = arith.constant 16 : i32
        %mul3A_195 = arith.muli %scan3A_169, %mul3A_194 : i32
        %get3A_196 = arith.constant 2 : i32
        %get3A_197 = arith.index_cast %get3A_196 : i32 to index
        %get3A_198 = arith.index_cast %mul3A_195 : i32 to index
        %get3A_199 = tpu.vector_load %arg19[%get3A_197, %get3A_198] {strides = array<i32>} : memref<32x128xf32, #tpu.memory_space<vmem>>, vector<16xf32>,
        %add3A_200 = arith.constant 2 : i32
        %add3A_201 = vector.broadcast %add3A_200 : i32 to vector<16xi32>
        %add3A_202 = arith.addi %mul3A_176, %add3A_201 : vector<16xi32>
        tpu.vector_store_idx %arg12[%add3A_202], %get3A_199 : memref<4224xf32, #tpu.memory_space<vmem>>[vector<16xi32>], vector<16xf32>,
        %mul3A_203 = arith.constant 16 : i32
        %mul3A_204 = arith.muli %scan3A_169, %mul3A_203 : i32
        %get3A_205 = arith.constant 3 : i32
        %get3A_206 = arith.index_cast %get3A_205 : i32 to index
        %get3A_207 = arith.index_cast %mul3A_204 : i32 to index
        %get3A_208 = tpu.vector_load %arg19[%get3A_206, %get3A_207] {strides = array<i32>} : memref<32x128xf32, #tpu.memory_space<vmem>>, vector<16xf32>,
        %add3A_209 = arith.constant 3 : i32
        %add3A_210 = vector.broadcast %add3A_209 : i32 to vector<16xi32>
        %add3A_211 = arith.addi %mul3A_176, %add3A_210 : vector<16xi32>
        tpu.vector_store_idx %arg12[%add3A_211], %get3A_208 : memref<4224xf32, #tpu.memory_space<vmem>>[vector<16xi32>], vector<16xf32>,
        %mul3A_212 = arith.constant 16 : i32
        %mul3A_213 = arith.muli %scan3A_169, %mul3A_212 : i32
        %get3A_214 = arith.constant 4 : i32
        %get3A_215 = arith.index_cast %get3A_214 : i32 to index
        %get3A_216 = arith.index_cast %mul3A_213 : i32 to index
        %get3A_217 = tpu.vector_load %arg19[%get3A_215, %get3A_216] {strides = array<i32>} : memref<32x128xf32, #tpu.memory_space<vmem>>, vector<16xf32>,
        %add3A_218 = arith.constant 4 : i32
        %add3A_219 = vector.broadcast %add3A_218 : i32 to vector<16xi32>
        %add3A_220 = arith.addi %mul3A_176, %add3A_219 : vector<16xi32>
        tpu.vector_store_idx %arg12[%add3A_220], %get3A_217 : memref<4224xf32, #tpu.memory_space<vmem>>[vector<16xi32>], vector<16xf32>,
        %mul3A_221 = arith.constant 16 : i32
        %mul3A_222 = arith.muli %scan3A_169, %mul3A_221 : i32
        %get3A_223 = arith.constant 5 : i32
        %get3A_224 = arith.index_cast %get3A_223 : i32 to index
        %get3A_225 = arith.index_cast %mul3A_222 : i32 to index
        %get3A_226 = tpu.vector_load %arg19[%get3A_224, %get3A_225] {strides = array<i32>} : memref<32x128xf32, #tpu.memory_space<vmem>>, vector<16xf32>,
        %add3A_227 = arith.constant 5 : i32
        %add3A_228 = vector.broadcast %add3A_227 : i32 to vector<16xi32>
        %add3A_229 = arith.addi %mul3A_176, %add3A_228 : vector<16xi32>
        tpu.vector_store_idx %arg12[%add3A_229], %get3A_226 : memref<4224xf32, #tpu.memory_space<vmem>>[vector<16xi32>], vector<16xf32>,
        %mul3A_230 = arith.constant 16 : i32
        %mul3A_231 = arith.muli %scan3A_169, %mul3A_230 : i32
        %get3A_232 = arith.constant 6 : i32
        %get3A_233 = arith.index_cast %get3A_232 : i32 to index
        %get3A_234 = arith.index_cast %mul3A_231 : i32 to index
        %get3A_235 = tpu.vector_load %arg19[%get3A_233, %get3A_234] {strides = array<i32>} : memref<32x128xf32, #tpu.memory_space<vmem>>, vector<16xf32>,
        %add3A_236 = arith.constant 6 : i32
        %add3A_237 = vector.broadcast %add3A_236 : i32 to vector<16xi32>
        %add3A_238 = arith.addi %mul3A_176, %add3A_237 : vector<16xi32>
        tpu.vector_store_idx %arg12[%add3A_238], %get3A_235 : memref<4224xf32, #tpu.memory_space<vmem>>[vector<16xi32>], vector<16xf32>,
        %mul3A_239 = arith.constant 16 : i32
        %mul3A_240 = arith.muli %scan3A_169, %mul3A_239 : i32
        %get3A_241 = arith.constant 7 : i32
        %get3A_242 = arith.index_cast %get3A_241 : i32 to index
        %get3A_243 = arith.index_cast %mul3A_240 : i32 to index
        %get3A_244 = tpu.vector_load %arg19[%get3A_242, %get3A_243] {strides = array<i32>} : memref<32x128xf32, #tpu.memory_space<vmem>>, vector<16xf32>,
        %add3A_245 = arith.constant 7 : i32
        %add3A_246 = vector.broadcast %add3A_245 : i32 to vector<16xi32>
        %add3A_247 = arith.addi %mul3A_176, %add3A_246 : vector<16xi32>
        tpu.vector_store_idx %arg12[%add3A_247], %get3A_244 : memref<4224xf32, #tpu.memory_space<vmem>>[vector<16xi32>], vector<16xf32>,
        %mul3A_248 = arith.constant 16 : i32
        %mul3A_249 = arith.muli %scan3A_169, %mul3A_248 : i32
        %get3A_250 = arith.constant 8 : i32
        %get3A_251 = arith.index_cast %get3A_250 : i32 to index
        %get3A_252 = arith.index_cast %mul3A_249 : i32 to index
        %get3A_253 = tpu.vector_load %arg19[%get3A_251, %get3A_252] {strides = array<i32>} : memref<32x128xf32, #tpu.memory_space<vmem>>, vector<16xf32>,
        %add3A_254 = arith.constant 8 : i32
        %add3A_255 = vector.broadcast %add3A_254 : i32 to vector<16xi32>
        %add3A_256 = arith.addi %mul3A_176, %add3A_255 : vector<16xi32>
        tpu.vector_store_idx %arg12[%add3A_256], %get3A_253 : memref<4224xf32, #tpu.memory_space<vmem>>[vector<16xi32>], vector<16xf32>,
        %mul3A_257 = arith.constant 16 : i32
        %mul3A_258 = arith.muli %scan3A_169, %mul3A_257 : i32
        %get3A_259 = arith.constant 9 : i32
        %get3A_260 = arith.index_cast %get3A_259 : i32 to index
        %get3A_261 = arith.index_cast %mul3A_258 : i32 to index
        %get3A_262 = tpu.vector_load %arg19[%get3A_260, %get3A_261] {strides = array<i32>} : memref<32x128xf32, #tpu.memory_space<vmem>>, vector<16xf32>,
        %add3A_263 = arith.constant 9 : i32
        %add3A_264 = vector.broadcast %add3A_263 : i32 to vector<16xi32>
        %add3A_265 = arith.addi %mul3A_176, %add3A_264 : vector<16xi32>
        tpu.vector_store_idx %arg12[%add3A_265], %get3A_262 : memref<4224xf32, #tpu.memory_space<vmem>>[vector<16xi32>], vector<16xf32>,
        %mul3A_266 = arith.constant 16 : i32
        %mul3A_267 = arith.muli %scan3A_169, %mul3A_266 : i32
        %get3A_268 = arith.constant 10 : i32
        %get3A_269 = arith.index_cast %get3A_268 : i32 to index
        %get3A_270 = arith.index_cast %mul3A_267 : i32 to index
        %get3A_271 = tpu.vector_load %arg19[%get3A_269, %get3A_270] {strides = array<i32>} : memref<32x128xf32, #tpu.memory_space<vmem>>, vector<16xf32>,
        %add3A_272 = arith.constant 10 : i32
        %add3A_273 = vector.broadcast %add3A_272 : i32 to vector<16xi32>
        %add3A_274 = arith.addi %mul3A_176, %add3A_273 : vector<16xi32>
        tpu.vector_store_idx %arg12[%add3A_274], %get3A_271 : memref<4224xf32, #tpu.memory_space<vmem>>[vector<16xi32>], vector<16xf32>,
        %mul3A_275 = arith.constant 16 : i32
        %mul3A_276 = arith.muli %scan3A_169, %mul3A_275 : i32
        %get3A_277 = arith.constant 11 : i32
        %get3A_278 = arith.index_cast %get3A_277 : i32 to index
        %get3A_279 = arith.index_cast %mul3A_276 : i32 to index
        %get3A_280 = tpu.vector_load %arg19[%get3A_278, %get3A_279] {strides = array<i32>} : memref<32x128xf32, #tpu.memory_space<vmem>>, vector<16xf32>,
        %add3A_281 = arith.constant 11 : i32
        %add3A_282 = vector.broadcast %add3A_281 : i32 to vector<16xi32>
        %add3A_283 = arith.addi %mul3A_176, %add3A_282 : vector<16xi32>
        tpu.vector_store_idx %arg12[%add3A_283], %get3A_280 : memref<4224xf32, #tpu.memory_space<vmem>>[vector<16xi32>], vector<16xf32>,
        %mul3A_284 = arith.constant 16 : i32
        %mul3A_285 = arith.muli %scan3A_169, %mul3A_284 : i32
        %get3A_286 = arith.constant 12 : i32
        %get3A_287 = arith.index_cast %get3A_286 : i32 to index
        %get3A_288 = arith.index_cast %mul3A_285 : i32 to index
        %get3A_289 = tpu.vector_load %arg19[%get3A_287, %get3A_288] {strides = array<i32>} : memref<32x128xf32, #tpu.memory_space<vmem>>, vector<16xf32>,
        %add3A_290 = arith.constant 12 : i32
        %add3A_291 = vector.broadcast %add3A_290 : i32 to vector<16xi32>
        %add3A_292 = arith.addi %mul3A_176, %add3A_291 : vector<16xi32>
        tpu.vector_store_idx %arg12[%add3A_292], %get3A_289 : memref<4224xf32, #tpu.memory_space<vmem>>[vector<16xi32>], vector<16xf32>,
        %mul3A_293 = arith.constant 16 : i32
        %mul3A_294 = arith.muli %scan3A_169, %mul3A_293 : i32
        %get3A_295 = arith.constant 13 : i32
        %get3A_296 = arith.index_cast %get3A_295 : i32 to index
        %get3A_297 = arith.index_cast %mul3A_294 : i32 to index
        %get3A_298 = tpu.vector_load %arg19[%get3A_296, %get3A_297] {strides = array<i32>} : memref<32x128xf32, #tpu.memory_space<vmem>>, vector<16xf32>,
        %add3A_299 = arith.constant 13 : i32
        %add3A_300 = vector.broadcast %add3A_299 : i32 to vector<16xi32>
        %add3A_301 = arith.addi %mul3A_176, %add3A_300 : vector<16xi32>
        tpu.vector_store_idx %arg12[%add3A_301], %get3A_298 : memref<4224xf32, #tpu.memory_space<vmem>>[vector<16xi32>], vector<16xf32>,
        %mul3A_302 = arith.constant 16 : i32
        %mul3A_303 = arith.muli %scan3A_169, %mul3A_302 : i32
        %get3A_304 = arith.constant 14 : i32
        %get3A_305 = arith.index_cast %get3A_304 : i32 to index
        %get3A_306 = arith.index_cast %mul3A_303 : i32 to index
        %get3A_307 = tpu.vector_load %arg19[%get3A_305, %get3A_306] {strides = array<i32>} : memref<32x128xf32, #tpu.memory_space<vmem>>, vector<16xf32>,
        %add3A_308 = arith.constant 14 : i32
        %add3A_309 = vector.broadcast %add3A_308 : i32 to vector<16xi32>
        %add3A_310 = arith.addi %mul3A_176, %add3A_309 : vector<16xi32>
        tpu.vector_store_idx %arg12[%add3A_310], %get3A_307 : memref<4224xf32, #tpu.memory_space<vmem>>[vector<16xi32>], vector<16xf32>,
        %mul3A_311 = arith.constant 16 : i32
        %mul3A_312 = arith.muli %scan3A_169, %mul3A_311 : i32
        %get3A_313 = arith.constant 15 : i32
        %get3A_314 = arith.index_cast %get3A_313 : i32 to index
        %get3A_315 = arith.index_cast %mul3A_312 : i32 to index
        %get3A_316 = tpu.vector_load %arg19[%get3A_314, %get3A_315] {strides = array<i32>} : memref<32x128xf32, #tpu.memory_space<vmem>>, vector<16xf32>,
        %add3A_317 = arith.constant 15 : i32
        %add3A_318 = vector.broadcast %add3A_317 : i32 to vector<16xi32>
        %add3A_319 = arith.addi %mul3A_176, %add3A_318 : vector<16xi32>
        tpu.vector_store_idx %arg12[%add3A_319], %get3A_316 : memref<4224xf32, #tpu.memory_space<vmem>>[vector<16xi32>], vector<16xf32>,
        %mul3A_320 = arith.constant 16 : i32
        %mul3A_321 = arith.muli %scan3A_169, %mul3A_320 : i32
        %get3A_322 = arith.constant 16 : i32
        %get3A_323 = arith.index_cast %get3A_322 : i32 to index
        %get3A_324 = arith.index_cast %mul3A_321 : i32 to index
        %get3A_325 = tpu.vector_load %arg19[%get3A_323, %get3A_324] {strides = array<i32>} : memref<32x128xf32, #tpu.memory_space<vmem>>, vector<16xf32>,
        %add3A_326 = arith.constant 16 : i32
        %add3A_327 = vector.broadcast %add3A_326 : i32 to vector<16xi32>
        %add3A_328 = arith.addi %mul3A_176, %add3A_327 : vector<16xi32>
        tpu.vector_store_idx %arg12[%add3A_328], %get3A_325 : memref<4224xf32, #tpu.memory_space<vmem>>[vector<16xi32>], vector<16xf32>,
        %mul3A_329 = arith.constant 16 : i32
        %mul3A_330 = arith.muli %scan3A_169, %mul3A_329 : i32
        %get3A_331 = arith.constant 17 : i32
        %get3A_332 = arith.index_cast %get3A_331 : i32 to index
        %get3A_333 = arith.index_cast %mul3A_330 : i32 to index
        %get3A_334 = tpu.vector_load %arg19[%get3A_332, %get3A_333] {strides = array<i32>} : memref<32x128xf32, #tpu.memory_space<vmem>>, vector<16xf32>,
        %add3A_335 = arith.constant 17 : i32
        %add3A_336 = vector.broadcast %add3A_335 : i32 to vector<16xi32>
        %add3A_337 = arith.addi %mul3A_176, %add3A_336 : vector<16xi32>
        tpu.vector_store_idx %arg12[%add3A_337], %get3A_334 : memref<4224xf32, #tpu.memory_space<vmem>>[vector<16xi32>], vector<16xf32>,
        %mul3A_338 = arith.constant 16 : i32
        %mul3A_339 = arith.muli %scan3A_169, %mul3A_338 : i32
        %get3A_340 = arith.constant 18 : i32
        %get3A_341 = arith.index_cast %get3A_340 : i32 to index
        %get3A_342 = arith.index_cast %mul3A_339 : i32 to index
        %get3A_343 = tpu.vector_load %arg19[%get3A_341, %get3A_342] {strides = array<i32>} : memref<32x128xf32, #tpu.memory_space<vmem>>, vector<16xf32>,
        %add3A_344 = arith.constant 18 : i32
        %add3A_345 = vector.broadcast %add3A_344 : i32 to vector<16xi32>
        %add3A_346 = arith.addi %mul3A_176, %add3A_345 : vector<16xi32>
        tpu.vector_store_idx %arg12[%add3A_346], %get3A_343 : memref<4224xf32, #tpu.memory_space<vmem>>[vector<16xi32>], vector<16xf32>,
        %mul3A_347 = arith.constant 16 : i32
        %mul3A_348 = arith.muli %scan3A_169, %mul3A_347 : i32
        %get3A_349 = arith.constant 19 : i32
        %get3A_350 = arith.index_cast %get3A_349 : i32 to index
        %get3A_351 = arith.index_cast %mul3A_348 : i32 to index
        %get3A_352 = tpu.vector_load %arg19[%get3A_350, %get3A_351] {strides = array<i32>} : memref<32x128xf32, #tpu.memory_space<vmem>>, vector<16xf32>,
        %add3A_353 = arith.constant 19 : i32
        %add3A_354 = vector.broadcast %add3A_353 : i32 to vector<16xi32>
        %add3A_355 = arith.addi %mul3A_176, %add3A_354 : vector<16xi32>
        tpu.vector_store_idx %arg12[%add3A_355], %get3A_352 : memref<4224xf32, #tpu.memory_space<vmem>>[vector<16xi32>], vector<16xf32>,
        %mul3A_356 = arith.constant 16 : i32
        %mul3A_357 = arith.muli %scan3A_169, %mul3A_356 : i32
        %get3A_358 = arith.constant 20 : i32
        %get3A_359 = arith.index_cast %get3A_358 : i32 to index
        %get3A_360 = arith.index_cast %mul3A_357 : i32 to index
        %get3A_361 = tpu.vector_load %arg19[%get3A_359, %get3A_360] {strides = array<i32>} : memref<32x128xf32, #tpu.memory_space<vmem>>, vector<16xf32>,
        %add3A_362 = arith.constant 20 : i32
        %add3A_363 = vector.broadcast %add3A_362 : i32 to vector<16xi32>
        %add3A_364 = arith.addi %mul3A_176, %add3A_363 : vector<16xi32>
        tpu.vector_store_idx %arg12[%add3A_364], %get3A_361 : memref<4224xf32, #tpu.memory_space<vmem>>[vector<16xi32>], vector<16xf32>,
        %mul3A_365 = arith.constant 16 : i32
        %mul3A_366 = arith.muli %scan3A_169, %mul3A_365 : i32
        %get3A_367 = arith.constant 21 : i32
        %get3A_368 = arith.index_cast %get3A_367 : i32 to index
        %get3A_369 = arith.index_cast %mul3A_366 : i32 to index
        %get3A_370 = tpu.vector_load %arg19[%get3A_368, %get3A_369] {strides = array<i32>} : memref<32x128xf32, #tpu.memory_space<vmem>>, vector<16xf32>,
        %add3A_371 = arith.constant 21 : i32
        %add3A_372 = vector.broadcast %add3A_371 : i32 to vector<16xi32>
        %add3A_373 = arith.addi %mul3A_176, %add3A_372 : vector<16xi32>
        tpu.vector_store_idx %arg12[%add3A_373], %get3A_370 : memref<4224xf32, #tpu.memory_space<vmem>>[vector<16xi32>], vector<16xf32>,
        %mul3A_374 = arith.constant 16 : i32
        %mul3A_375 = arith.muli %scan3A_169, %mul3A_374 : i32
        %get3A_376 = arith.constant 22 : i32
        %get3A_377 = arith.index_cast %get3A_376 : i32 to index
        %get3A_378 = arith.index_cast %mul3A_375 : i32 to index
        %get3A_379 = tpu.vector_load %arg19[%get3A_377, %get3A_378] {strides = array<i32>} : memref<32x128xf32, #tpu.memory_space<vmem>>, vector<16xf32>,
        %add3A_380 = arith.constant 22 : i32
        %add3A_381 = vector.broadcast %add3A_380 : i32 to vector<16xi32>
        %add3A_382 = arith.addi %mul3A_176, %add3A_381 : vector<16xi32>
        tpu.vector_store_idx %arg12[%add3A_382], %get3A_379 : memref<4224xf32, #tpu.memory_space<vmem>>[vector<16xi32>], vector<16xf32>,
        %mul3A_383 = arith.constant 16 : i32
        %mul3A_384 = arith.muli %scan3A_169, %mul3A_383 : i32
        %get3A_385 = arith.constant 23 : i32
        %get3A_386 = arith.index_cast %get3A_385 : i32 to index
        %get3A_387 = arith.index_cast %mul3A_384 : i32 to index
        %get3A_388 = tpu.vector_load %arg19[%get3A_386, %get3A_387] {strides = array<i32>} : memref<32x128xf32, #tpu.memory_space<vmem>>, vector<16xf32>,
        %add3A_389 = arith.constant 23 : i32
        %add3A_390 = vector.broadcast %add3A_389 : i32 to vector<16xi32>
        %add3A_391 = arith.addi %mul3A_176, %add3A_390 : vector<16xi32>
        tpu.vector_store_idx %arg12[%add3A_391], %get3A_388 : memref<4224xf32, #tpu.memory_space<vmem>>[vector<16xi32>], vector<16xf32>,
        %mul3A_392 = arith.constant 16 : i32
        %mul3A_393 = arith.muli %scan3A_169, %mul3A_392 : i32
        %get3A_394 = arith.constant 24 : i32
        %get3A_395 = arith.index_cast %get3A_394 : i32 to index
        %get3A_396 = arith.index_cast %mul3A_393 : i32 to index
        %get3A_397 = tpu.vector_load %arg19[%get3A_395, %get3A_396] {strides = array<i32>} : memref<32x128xf32, #tpu.memory_space<vmem>>, vector<16xf32>,
        %add3A_398 = arith.constant 24 : i32
        %add3A_399 = vector.broadcast %add3A_398 : i32 to vector<16xi32>
        %add3A_400 = arith.addi %mul3A_176, %add3A_399 : vector<16xi32>
        tpu.vector_store_idx %arg12[%add3A_400], %get3A_397 : memref<4224xf32, #tpu.memory_space<vmem>>[vector<16xi32>], vector<16xf32>,
        %mul3A_401 = arith.constant 16 : i32
        %mul3A_402 = arith.muli %scan3A_169, %mul3A_401 : i32
        %get3A_403 = arith.constant 25 : i32
        %get3A_404 = arith.index_cast %get3A_403 : i32 to index
        %get3A_405 = arith.index_cast %mul3A_402 : i32 to index
        %get3A_406 = tpu.vector_load %arg19[%get3A_404, %get3A_405] {strides = array<i32>} : memref<32x128xf32, #tpu.memory_space<vmem>>, vector<16xf32>,
        %add3A_407 = arith.constant 25 : i32
        %add3A_408 = vector.broadcast %add3A_407 : i32 to vector<16xi32>
        %add3A_409 = arith.addi %mul3A_176, %add3A_408 : vector<16xi32>
        tpu.vector_store_idx %arg12[%add3A_409], %get3A_406 : memref<4224xf32, #tpu.memory_space<vmem>>[vector<16xi32>], vector<16xf32>,
        %mul3A_410 = arith.constant 16 : i32
        %mul3A_411 = arith.muli %scan3A_169, %mul3A_410 : i32
        %get3A_412 = arith.constant 26 : i32
        %get3A_413 = arith.index_cast %get3A_412 : i32 to index
        %get3A_414 = arith.index_cast %mul3A_411 : i32 to index
        %get3A_415 = tpu.vector_load %arg19[%get3A_413, %get3A_414] {strides = array<i32>} : memref<32x128xf32, #tpu.memory_space<vmem>>, vector<16xf32>,
        %add3A_416 = arith.constant 26 : i32
        %add3A_417 = vector.broadcast %add3A_416 : i32 to vector<16xi32>
        %add3A_418 = arith.addi %mul3A_176, %add3A_417 : vector<16xi32>
        tpu.vector_store_idx %arg12[%add3A_418], %get3A_415 : memref<4224xf32, #tpu.memory_space<vmem>>[vector<16xi32>], vector<16xf32>,
        %mul3A_419 = arith.constant 16 : i32
        %mul3A_420 = arith.muli %scan3A_169, %mul3A_419 : i32
        %get3A_421 = arith.constant 27 : i32
        %get3A_422 = arith.index_cast %get3A_421 : i32 to index
        %get3A_423 = arith.index_cast %mul3A_420 : i32 to index
        %get3A_424 = tpu.vector_load %arg19[%get3A_422, %get3A_423] {strides = array<i32>} : memref<32x128xf32, #tpu.memory_space<vmem>>, vector<16xf32>,
        %add3A_425 = arith.constant 27 : i32
        %add3A_426 = vector.broadcast %add3A_425 : i32 to vector<16xi32>
        %add3A_427 = arith.addi %mul3A_176, %add3A_426 : vector<16xi32>
        tpu.vector_store_idx %arg12[%add3A_427], %get3A_424 : memref<4224xf32, #tpu.memory_space<vmem>>[vector<16xi32>], vector<16xf32>,
        %mul3A_428 = arith.constant 16 : i32
        %mul3A_429 = arith.muli %scan3A_169, %mul3A_428 : i32
        %get3A_430 = arith.constant 28 : i32
        %get3A_431 = arith.index_cast %get3A_430 : i32 to index
        %get3A_432 = arith.index_cast %mul3A_429 : i32 to index
        %get3A_433 = tpu.vector_load %arg19[%get3A_431, %get3A_432] {strides = array<i32>} : memref<32x128xf32, #tpu.memory_space<vmem>>, vector<16xf32>,
        %add3A_434 = arith.constant 28 : i32
        %add3A_435 = vector.broadcast %add3A_434 : i32 to vector<16xi32>
        %add3A_436 = arith.addi %mul3A_176, %add3A_435 : vector<16xi32>
        tpu.vector_store_idx %arg12[%add3A_436], %get3A_433 : memref<4224xf32, #tpu.memory_space<vmem>>[vector<16xi32>], vector<16xf32>,
        %mul3A_437 = arith.constant 16 : i32
        %mul3A_438 = arith.muli %scan3A_169, %mul3A_437 : i32
        %get3A_439 = arith.constant 29 : i32
        %get3A_440 = arith.index_cast %get3A_439 : i32 to index
        %get3A_441 = arith.index_cast %mul3A_438 : i32 to index
        %get3A_442 = tpu.vector_load %arg19[%get3A_440, %get3A_441] {strides = array<i32>} : memref<32x128xf32, #tpu.memory_space<vmem>>, vector<16xf32>,
        %add3A_443 = arith.constant 29 : i32
        %add3A_444 = vector.broadcast %add3A_443 : i32 to vector<16xi32>
        %add3A_445 = arith.addi %mul3A_176, %add3A_444 : vector<16xi32>
        tpu.vector_store_idx %arg12[%add3A_445], %get3A_442 : memref<4224xf32, #tpu.memory_space<vmem>>[vector<16xi32>], vector<16xf32>,
        %mul3A_446 = arith.constant 16 : i32
        %mul3A_447 = arith.muli %scan3A_169, %mul3A_446 : i32
        %get3A_448 = arith.constant 30 : i32
        %get3A_449 = arith.index_cast %get3A_448 : i32 to index
        %get3A_450 = arith.index_cast %mul3A_447 : i32 to index
        %get3A_451 = tpu.vector_load %arg19[%get3A_449, %get3A_450] {strides = array<i32>} : memref<32x128xf32, #tpu.memory_space<vmem>>, vector<16xf32>,
        %add3A_452 = arith.constant 30 : i32
        %add3A_453 = vector.broadcast %add3A_452 : i32 to vector<16xi32>
        %add3A_454 = arith.addi %mul3A_176, %add3A_453 : vector<16xi32>
        tpu.vector_store_idx %arg12[%add3A_454], %get3A_451 : memref<4224xf32, #tpu.memory_space<vmem>>[vector<16xi32>], vector<16xf32>,
        %mul3A_455 = arith.constant 16 : i32
        %mul3A_456 = arith.muli %scan3A_169, %mul3A_455 : i32
        %get3A_457 = arith.constant 31 : i32
        %get3A_458 = arith.index_cast %get3A_457 : i32 to index
        %get3A_459 = arith.index_cast %mul3A_456 : i32 to index
        %get3A_460 = tpu.vector_load %arg19[%get3A_458, %get3A_459] {strides = array<i32>} : memref<32x128xf32, #tpu.memory_space<vmem>>, vector<16xf32>,
        %add3A_461 = arith.constant 31 : i32
        %add3A_462 = vector.broadcast %add3A_461 : i32 to vector<16xi32>
        %add3A_463 = arith.addi %mul3A_176, %add3A_462 : vector<16xi32>
        tpu.vector_store_idx %arg12[%add3A_463], %get3A_460 : memref<4224xf32, #tpu.memory_space<vmem>>[vector<16xi32>], vector<16xf32>,
        %scan3A_464 = arith.constant 1 : i32
        %scan3A_465 = arith.addi %scan3A_169, %scan3A_464 : i32
        %mul3A_466 = arith.constant 16 : i32
        %mul3A_467 = arith.muli %scan3A_465, %mul3A_466 : i32
        %add3A_468 = vector.broadcast %mul3A_467 : i32 to vector<16xi32>
        %add3A_469 = arith.addi %iota3A_145, %add3A_468 : vector<16xi32>
        %mul3A_470 = arith.constant 33 : i32
        %mul3A_471 = vector.broadcast %mul3A_470 : i32 to vector<16xi32>
        %mul3A_472 = arith.muli %add3A_469, %mul3A_471 : vector<16xi32>
        %mul3A_473 = arith.constant 16 : i32
        %mul3A_474 = arith.muli %scan3A_465, %mul3A_473 : i32
        %get3A_475 = arith.constant 0 : i32
        %get3A_476 = arith.index_cast %get3A_475 : i32 to index
        %get3A_477 = arith.index_cast %mul3A_474 : i32 to index
        %get3A_478 = tpu.vector_load %arg19[%get3A_476, %get3A_477] {strides = array<i32>} : memref<32x128xf32, #tpu.memory_space<vmem>>, vector<16xf32>,
        %add3A_479 = arith.constant 0 : i32
        %add3A_480 = vector.broadcast %add3A_479 : i32 to vector<16xi32>
        %add3A_481 = arith.addi %mul3A_472, %add3A_480 : vector<16xi32>
        tpu.vector_store_idx %arg12[%add3A_481], %get3A_478 : memref<4224xf32, #tpu.memory_space<vmem>>[vector<16xi32>], vector<16xf32>,
        %mul3A_482 = arith.constant 16 : i32
        %mul3A_483 = arith.muli %scan3A_465, %mul3A_482 : i32
        %get3A_484 = arith.constant 1 : i32
        %get3A_485 = arith.index_cast %get3A_484 : i32 to index
        %get3A_486 = arith.index_cast %mul3A_483 : i32 to index
        %get3A_487 = tpu.vector_load %arg19[%get3A_485, %get3A_486] {strides = array<i32>} : memref<32x128xf32, #tpu.memory_space<vmem>>, vector<16xf32>,
        %add3A_488 = arith.constant 1 : i32
        %add3A_489 = vector.broadcast %add3A_488 : i32 to vector<16xi32>
        %add3A_490 = arith.addi %mul3A_472, %add3A_489 : vector<16xi32>
        tpu.vector_store_idx %arg12[%add3A_490], %get3A_487 : memref<4224xf32, #tpu.memory_space<vmem>>[vector<16xi32>], vector<16xf32>,
        %mul3A_491 = arith.constant 16 : i32
        %mul3A_492 = arith.muli %scan3A_465, %mul3A_491 : i32
        %get3A_493 = arith.constant 2 : i32
        %get3A_494 = arith.index_cast %get3A_493 : i32 to index
        %get3A_495 = arith.index_cast %mul3A_492 : i32 to index
        %get3A_496 = tpu.vector_load %arg19[%get3A_494, %get3A_495] {strides = array<i32>} : memref<32x128xf32, #tpu.memory_space<vmem>>, vector<16xf32>,
        %add3A_497 = arith.constant 2 : i32
        %add3A_498 = vector.broadcast %add3A_497 : i32 to vector<16xi32>
        %add3A_499 = arith.addi %mul3A_472, %add3A_498 : vector<16xi32>
        tpu.vector_store_idx %arg12[%add3A_499], %get3A_496 : memref<4224xf32, #tpu.memory_space<vmem>>[vector<16xi32>], vector<16xf32>,
        %mul3A_500 = arith.constant 16 : i32
        %mul3A_501 = arith.muli %scan3A_465, %mul3A_500 : i32
        %get3A_502 = arith.constant 3 : i32
        %get3A_503 = arith.index_cast %get3A_502 : i32 to index
        %get3A_504 = arith.index_cast %mul3A_501 : i32 to index
        %get3A_505 = tpu.vector_load %arg19[%get3A_503, %get3A_504] {strides = array<i32>} : memref<32x128xf32, #tpu.memory_space<vmem>>, vector<16xf32>,
        %add3A_506 = arith.constant 3 : i32
        %add3A_507 = vector.broadcast %add3A_506 : i32 to vector<16xi32>
        %add3A_508 = arith.addi %mul3A_472, %add3A_507 : vector<16xi32>
        tpu.vector_store_idx %arg12[%add3A_508], %get3A_505 : memref<4224xf32, #tpu.memory_space<vmem>>[vector<16xi32>], vector<16xf32>,
        %mul3A_509 = arith.constant 16 : i32
        %mul3A_510 = arith.muli %scan3A_465, %mul3A_509 : i32
        %get3A_511 = arith.constant 4 : i32
        %get3A_512 = arith.index_cast %get3A_511 : i32 to index
        %get3A_513 = arith.index_cast %mul3A_510 : i32 to index
        %get3A_514 = tpu.vector_load %arg19[%get3A_512, %get3A_513] {strides = array<i32>} : memref<32x128xf32, #tpu.memory_space<vmem>>, vector<16xf32>,
        %add3A_515 = arith.constant 4 : i32
        %add3A_516 = vector.broadcast %add3A_515 : i32 to vector<16xi32>
        %add3A_517 = arith.addi %mul3A_472, %add3A_516 : vector<16xi32>
        tpu.vector_store_idx %arg12[%add3A_517], %get3A_514 : memref<4224xf32, #tpu.memory_space<vmem>>[vector<16xi32>], vector<16xf32>,
        %mul3A_518 = arith.constant 16 : i32
        %mul3A_519 = arith.muli %scan3A_465, %mul3A_518 : i32
        %get3A_520 = arith.constant 5 : i32
        %get3A_521 = arith.index_cast %get3A_520 : i32 to index
        %get3A_522 = arith.index_cast %mul3A_519 : i32 to index
        %get3A_523 = tpu.vector_load %arg19[%get3A_521, %get3A_522] {strides = array<i32>} : memref<32x128xf32, #tpu.memory_space<vmem>>, vector<16xf32>,
        %add3A_524 = arith.constant 5 : i32
        %add3A_525 = vector.broadcast %add3A_524 : i32 to vector<16xi32>
        %add3A_526 = arith.addi %mul3A_472, %add3A_525 : vector<16xi32>
        tpu.vector_store_idx %arg12[%add3A_526], %get3A_523 : memref<4224xf32, #tpu.memory_space<vmem>>[vector<16xi32>], vector<16xf32>,
        %mul3A_527 = arith.constant 16 : i32
        %mul3A_528 = arith.muli %scan3A_465, %mul3A_527 : i32
        %get3A_529 = arith.constant 6 : i32
        %get3A_530 = arith.index_cast %get3A_529 : i32 to index
        %get3A_531 = arith.index_cast %mul3A_528 : i32 to index
        %get3A_532 = tpu.vector_load %arg19[%get3A_530, %get3A_531] {strides = array<i32>} : memref<32x128xf32, #tpu.memory_space<vmem>>, vector<16xf32>,
        %add3A_533 = arith.constant 6 : i32
        %add3A_534 = vector.broadcast %add3A_533 : i32 to vector<16xi32>
        %add3A_535 = arith.addi %mul3A_472, %add3A_534 : vector<16xi32>
        tpu.vector_store_idx %arg12[%add3A_535], %get3A_532 : memref<4224xf32, #tpu.memory_space<vmem>>[vector<16xi32>], vector<16xf32>,
        %mul3A_536 = arith.constant 16 : i32
        %mul3A_537 = arith.muli %scan3A_465, %mul3A_536 : i32
        %get3A_538 = arith.constant 7 : i32
        %get3A_539 = arith.index_cast %get3A_538 : i32 to index
        %get3A_540 = arith.index_cast %mul3A_537 : i32 to index
        %get3A_541 = tpu.vector_load %arg19[%get3A_539, %get3A_540] {strides = array<i32>} : memref<32x128xf32, #tpu.memory_space<vmem>>, vector<16xf32>,
        %add3A_542 = arith.constant 7 : i32
        %add3A_543 = vector.broadcast %add3A_542 : i32 to vector<16xi32>
        %add3A_544 = arith.addi %mul3A_472, %add3A_543 : vector<16xi32>
        tpu.vector_store_idx %arg12[%add3A_544], %get3A_541 : memref<4224xf32, #tpu.memory_space<vmem>>[vector<16xi32>], vector<16xf32>,
        %mul3A_545 = arith.constant 16 : i32
        %mul3A_546 = arith.muli %scan3A_465, %mul3A_545 : i32
        %get3A_547 = arith.constant 8 : i32
        %get3A_548 = arith.index_cast %get3A_547 : i32 to index
        %get3A_549 = arith.index_cast %mul3A_546 : i32 to index
        %get3A_550 = tpu.vector_load %arg19[%get3A_548, %get3A_549] {strides = array<i32>} : memref<32x128xf32, #tpu.memory_space<vmem>>, vector<16xf32>,
        %add3A_551 = arith.constant 8 : i32
        %add3A_552 = vector.broadcast %add3A_551 : i32 to vector<16xi32>
        %add3A_553 = arith.addi %mul3A_472, %add3A_552 : vector<16xi32>
        tpu.vector_store_idx %arg12[%add3A_553], %get3A_550 : memref<4224xf32, #tpu.memory_space<vmem>>[vector<16xi32>], vector<16xf32>,
        %mul3A_554 = arith.constant 16 : i32
        %mul3A_555 = arith.muli %scan3A_465, %mul3A_554 : i32
        %get3A_556 = arith.constant 9 : i32
        %get3A_557 = arith.index_cast %get3A_556 : i32 to index
        %get3A_558 = arith.index_cast %mul3A_555 : i32 to index
        %get3A_559 = tpu.vector_load %arg19[%get3A_557, %get3A_558] {strides = array<i32>} : memref<32x128xf32, #tpu.memory_space<vmem>>, vector<16xf32>,
        %add3A_560 = arith.constant 9 : i32
        %add3A_561 = vector.broadcast %add3A_560 : i32 to vector<16xi32>
        %add3A_562 = arith.addi %mul3A_472, %add3A_561 : vector<16xi32>
        tpu.vector_store_idx %arg12[%add3A_562], %get3A_559 : memref<4224xf32, #tpu.memory_space<vmem>>[vector<16xi32>], vector<16xf32>,
        %mul3A_563 = arith.constant 16 : i32
        %mul3A_564 = arith.muli %scan3A_465, %mul3A_563 : i32
        %get3A_565 = arith.constant 10 : i32
        %get3A_566 = arith.index_cast %get3A_565 : i32 to index
        %get3A_567 = arith.index_cast %mul3A_564 : i32 to index
        %get3A_568 = tpu.vector_load %arg19[%get3A_566, %get3A_567] {strides = array<i32>} : memref<32x128xf32, #tpu.memory_space<vmem>>, vector<16xf32>,
        %add3A_569 = arith.constant 10 : i32
        %add3A_570 = vector.broadcast %add3A_569 : i32 to vector<16xi32>
        %add3A_571 = arith.addi %mul3A_472, %add3A_570 : vector<16xi32>
        tpu.vector_store_idx %arg12[%add3A_571], %get3A_568 : memref<4224xf32, #tpu.memory_space<vmem>>[vector<16xi32>], vector<16xf32>,
        %mul3A_572 = arith.constant 16 : i32
        %mul3A_573 = arith.muli %scan3A_465, %mul3A_572 : i32
        %get3A_574 = arith.constant 11 : i32
        %get3A_575 = arith.index_cast %get3A_574 : i32 to index
        %get3A_576 = arith.index_cast %mul3A_573 : i32 to index
        %get3A_577 = tpu.vector_load %arg19[%get3A_575, %get3A_576] {strides = array<i32>} : memref<32x128xf32, #tpu.memory_space<vmem>>, vector<16xf32>,
        %add3A_578 = arith.constant 11 : i32
        %add3A_579 = vector.broadcast %add3A_578 : i32 to vector<16xi32>
        %add3A_580 = arith.addi %mul3A_472, %add3A_579 : vector<16xi32>
        tpu.vector_store_idx %arg12[%add3A_580], %get3A_577 : memref<4224xf32, #tpu.memory_space<vmem>>[vector<16xi32>], vector<16xf32>,
        %mul3A_581 = arith.constant 16 : i32
        %mul3A_582 = arith.muli %scan3A_465, %mul3A_581 : i32
        %get3A_583 = arith.constant 12 : i32
        %get3A_584 = arith.index_cast %get3A_583 : i32 to index
        %get3A_585 = arith.index_cast %mul3A_582 : i32 to index
        %get3A_586 = tpu.vector_load %arg19[%get3A_584, %get3A_585] {strides = array<i32>} : memref<32x128xf32, #tpu.memory_space<vmem>>, vector<16xf32>,
        %add3A_587 = arith.constant 12 : i32
        %add3A_588 = vector.broadcast %add3A_587 : i32 to vector<16xi32>
        %add3A_589 = arith.addi %mul3A_472, %add3A_588 : vector<16xi32>
        tpu.vector_store_idx %arg12[%add3A_589], %get3A_586 : memref<4224xf32, #tpu.memory_space<vmem>>[vector<16xi32>], vector<16xf32>,
        %mul3A_590 = arith.constant 16 : i32
        %mul3A_591 = arith.muli %scan3A_465, %mul3A_590 : i32
        %get3A_592 = arith.constant 13 : i32
        %get3A_593 = arith.index_cast %get3A_592 : i32 to index
        %get3A_594 = arith.index_cast %mul3A_591 : i32 to index
        %get3A_595 = tpu.vector_load %arg19[%get3A_593, %get3A_594] {strides = array<i32>} : memref<32x128xf32, #tpu.memory_space<vmem>>, vector<16xf32>,
        %add3A_596 = arith.constant 13 : i32
        %add3A_597 = vector.broadcast %add3A_596 : i32 to vector<16xi32>
        %add3A_598 = arith.addi %mul3A_472, %add3A_597 : vector<16xi32>
        tpu.vector_store_idx %arg12[%add3A_598], %get3A_595 : memref<4224xf32, #tpu.memory_space<vmem>>[vector<16xi32>], vector<16xf32>,
        %mul3A_599 = arith.constant 16 : i32
        %mul3A_600 = arith.muli %scan3A_465, %mul3A_599 : i32
        %get3A_601 = arith.constant 14 : i32
        %get3A_602 = arith.index_cast %get3A_601 : i32 to index
        %get3A_603 = arith.index_cast %mul3A_600 : i32 to index
        %get3A_604 = tpu.vector_load %arg19[%get3A_602, %get3A_603] {strides = array<i32>} : memref<32x128xf32, #tpu.memory_space<vmem>>, vector<16xf32>,
        %add3A_605 = arith.constant 14 : i32
        %add3A_606 = vector.broadcast %add3A_605 : i32 to vector<16xi32>
        %add3A_607 = arith.addi %mul3A_472, %add3A_606 : vector<16xi32>
        tpu.vector_store_idx %arg12[%add3A_607], %get3A_604 : memref<4224xf32, #tpu.memory_space<vmem>>[vector<16xi32>], vector<16xf32>,
        %mul3A_608 = arith.constant 16 : i32
        %mul3A_609 = arith.muli %scan3A_465, %mul3A_608 : i32
        %get3A_610 = arith.constant 15 : i32
        %get3A_611 = arith.index_cast %get3A_610 : i32 to index
        %get3A_612 = arith.index_cast %mul3A_609 : i32 to index
        %get3A_613 = tpu.vector_load %arg19[%get3A_611, %get3A_612] {strides = array<i32>} : memref<32x128xf32, #tpu.memory_space<vmem>>, vector<16xf32>,
        %add3A_614 = arith.constant 15 : i32
        %add3A_615 = vector.broadcast %add3A_614 : i32 to vector<16xi32>
        %add3A_616 = arith.addi %mul3A_472, %add3A_615 : vector<16xi32>
        tpu.vector_store_idx %arg12[%add3A_616], %get3A_613 : memref<4224xf32, #tpu.memory_space<vmem>>[vector<16xi32>], vector<16xf32>,
        %mul3A_617 = arith.constant 16 : i32
        %mul3A_618 = arith.muli %scan3A_465, %mul3A_617 : i32
        %get3A_619 = arith.constant 16 : i32
        %get3A_620 = arith.index_cast %get3A_619 : i32 to index
        %get3A_621 = arith.index_cast %mul3A_618 : i32 to index
        %get3A_622 = tpu.vector_load %arg19[%get3A_620, %get3A_621] {strides = array<i32>} : memref<32x128xf32, #tpu.memory_space<vmem>>, vector<16xf32>,
        %add3A_623 = arith.constant 16 : i32
        %add3A_624 = vector.broadcast %add3A_623 : i32 to vector<16xi32>
        %add3A_625 = arith.addi %mul3A_472, %add3A_624 : vector<16xi32>
        tpu.vector_store_idx %arg12[%add3A_625], %get3A_622 : memref<4224xf32, #tpu.memory_space<vmem>>[vector<16xi32>], vector<16xf32>,
        %mul3A_626 = arith.constant 16 : i32
        %mul3A_627 = arith.muli %scan3A_465, %mul3A_626 : i32
        %get3A_628 = arith.constant 17 : i32
        %get3A_629 = arith.index_cast %get3A_628 : i32 to index
        %get3A_630 = arith.index_cast %mul3A_627 : i32 to index
        %get3A_631 = tpu.vector_load %arg19[%get3A_629, %get3A_630] {strides = array<i32>} : memref<32x128xf32, #tpu.memory_space<vmem>>, vector<16xf32>,
        %add3A_632 = arith.constant 17 : i32
        %add3A_633 = vector.broadcast %add3A_632 : i32 to vector<16xi32>
        %add3A_634 = arith.addi %mul3A_472, %add3A_633 : vector<16xi32>
        tpu.vector_store_idx %arg12[%add3A_634], %get3A_631 : memref<4224xf32, #tpu.memory_space<vmem>>[vector<16xi32>], vector<16xf32>,
        %mul3A_635 = arith.constant 16 : i32
        %mul3A_636 = arith.muli %scan3A_465, %mul3A_635 : i32
        %get3A_637 = arith.constant 18 : i32
        %get3A_638 = arith.index_cast %get3A_637 : i32 to index
        %get3A_639 = arith.index_cast %mul3A_636 : i32 to index
        %get3A_640 = tpu.vector_load %arg19[%get3A_638, %get3A_639] {strides = array<i32>} : memref<32x128xf32, #tpu.memory_space<vmem>>, vector<16xf32>,
        %add3A_641 = arith.constant 18 : i32
        %add3A_642 = vector.broadcast %add3A_641 : i32 to vector<16xi32>
        %add3A_643 = arith.addi %mul3A_472, %add3A_642 : vector<16xi32>
        tpu.vector_store_idx %arg12[%add3A_643], %get3A_640 : memref<4224xf32, #tpu.memory_space<vmem>>[vector<16xi32>], vector<16xf32>,
        %mul3A_644 = arith.constant 16 : i32
        %mul3A_645 = arith.muli %scan3A_465, %mul3A_644 : i32
        %get3A_646 = arith.constant 19 : i32
        %get3A_647 = arith.index_cast %get3A_646 : i32 to index
        %get3A_648 = arith.index_cast %mul3A_645 : i32 to index
        %get3A_649 = tpu.vector_load %arg19[%get3A_647, %get3A_648] {strides = array<i32>} : memref<32x128xf32, #tpu.memory_space<vmem>>, vector<16xf32>,
        %add3A_650 = arith.constant 19 : i32
        %add3A_651 = vector.broadcast %add3A_650 : i32 to vector<16xi32>
        %add3A_652 = arith.addi %mul3A_472, %add3A_651 : vector<16xi32>
        tpu.vector_store_idx %arg12[%add3A_652], %get3A_649 : memref<4224xf32, #tpu.memory_space<vmem>>[vector<16xi32>], vector<16xf32>,
        %mul3A_653 = arith.constant 16 : i32
        %mul3A_654 = arith.muli %scan3A_465, %mul3A_653 : i32
        %get3A_655 = arith.constant 20 : i32
        %get3A_656 = arith.index_cast %get3A_655 : i32 to index
        %get3A_657 = arith.index_cast %mul3A_654 : i32 to index
        %get3A_658 = tpu.vector_load %arg19[%get3A_656, %get3A_657] {strides = array<i32>} : memref<32x128xf32, #tpu.memory_space<vmem>>, vector<16xf32>,
        %add3A_659 = arith.constant 20 : i32
        %add3A_660 = vector.broadcast %add3A_659 : i32 to vector<16xi32>
        %add3A_661 = arith.addi %mul3A_472, %add3A_660 : vector<16xi32>
        tpu.vector_store_idx %arg12[%add3A_661], %get3A_658 : memref<4224xf32, #tpu.memory_space<vmem>>[vector<16xi32>], vector<16xf32>,
        %mul3A_662 = arith.constant 16 : i32
        %mul3A_663 = arith.muli %scan3A_465, %mul3A_662 : i32
        %get3A_664 = arith.constant 21 : i32
        %get3A_665 = arith.index_cast %get3A_664 : i32 to index
        %get3A_666 = arith.index_cast %mul3A_663 : i32 to index
        %get3A_667 = tpu.vector_load %arg19[%get3A_665, %get3A_666] {strides = array<i32>} : memref<32x128xf32, #tpu.memory_space<vmem>>, vector<16xf32>,
        %add3A_668 = arith.constant 21 : i32
        %add3A_669 = vector.broadcast %add3A_668 : i32 to vector<16xi32>
        %add3A_670 = arith.addi %mul3A_472, %add3A_669 : vector<16xi32>
        tpu.vector_store_idx %arg12[%add3A_670], %get3A_667 : memref<4224xf32, #tpu.memory_space<vmem>>[vector<16xi32>], vector<16xf32>,
        %mul3A_671 = arith.constant 16 : i32
        %mul3A_672 = arith.muli %scan3A_465, %mul3A_671 : i32
        %get3A_673 = arith.constant 22 : i32
        %get3A_674 = arith.index_cast %get3A_673 : i32 to index
        %get3A_675 = arith.index_cast %mul3A_672 : i32 to index
        %get3A_676 = tpu.vector_load %arg19[%get3A_674, %get3A_675] {strides = array<i32>} : memref<32x128xf32, #tpu.memory_space<vmem>>, vector<16xf32>,
        %add3A_677 = arith.constant 22 : i32
        %add3A_678 = vector.broadcast %add3A_677 : i32 to vector<16xi32>
        %add3A_679 = arith.addi %mul3A_472, %add3A_678 : vector<16xi32>
        tpu.vector_store_idx %arg12[%add3A_679], %get3A_676 : memref<4224xf32, #tpu.memory_space<vmem>>[vector<16xi32>], vector<16xf32>,
        %mul3A_680 = arith.constant 16 : i32
        %mul3A_681 = arith.muli %scan3A_465, %mul3A_680 : i32
        %get3A_682 = arith.constant 23 : i32
        %get3A_683 = arith.index_cast %get3A_682 : i32 to index
        %get3A_684 = arith.index_cast %mul3A_681 : i32 to index
        %get3A_685 = tpu.vector_load %arg19[%get3A_683, %get3A_684] {strides = array<i32>} : memref<32x128xf32, #tpu.memory_space<vmem>>, vector<16xf32>,
        %add3A_686 = arith.constant 23 : i32
        %add3A_687 = vector.broadcast %add3A_686 : i32 to vector<16xi32>
        %add3A_688 = arith.addi %mul3A_472, %add3A_687 : vector<16xi32>
        tpu.vector_store_idx %arg12[%add3A_688], %get3A_685 : memref<4224xf32, #tpu.memory_space<vmem>>[vector<16xi32>], vector<16xf32>,
        %mul3A_689 = arith.constant 16 : i32
        %mul3A_690 = arith.muli %scan3A_465, %mul3A_689 : i32
        %get3A_691 = arith.constant 24 : i32
        %get3A_692 = arith.index_cast %get3A_691 : i32 to index
        %get3A_693 = arith.index_cast %mul3A_690 : i32 to index
        %get3A_694 = tpu.vector_load %arg19[%get3A_692, %get3A_693] {strides = array<i32>} : memref<32x128xf32, #tpu.memory_space<vmem>>, vector<16xf32>,
        %add3A_695 = arith.constant 24 : i32
        %add3A_696 = vector.broadcast %add3A_695 : i32 to vector<16xi32>
        %add3A_697 = arith.addi %mul3A_472, %add3A_696 : vector<16xi32>
        tpu.vector_store_idx %arg12[%add3A_697], %get3A_694 : memref<4224xf32, #tpu.memory_space<vmem>>[vector<16xi32>], vector<16xf32>,
        %mul3A_698 = arith.constant 16 : i32
        %mul3A_699 = arith.muli %scan3A_465, %mul3A_698 : i32
        %get3A_700 = arith.constant 25 : i32
        %get3A_701 = arith.index_cast %get3A_700 : i32 to index
        %get3A_702 = arith.index_cast %mul3A_699 : i32 to index
        %get3A_703 = tpu.vector_load %arg19[%get3A_701, %get3A_702] {strides = array<i32>} : memref<32x128xf32, #tpu.memory_space<vmem>>, vector<16xf32>,
        %add3A_704 = arith.constant 25 : i32
        %add3A_705 = vector.broadcast %add3A_704 : i32 to vector<16xi32>
        %add3A_706 = arith.addi %mul3A_472, %add3A_705 : vector<16xi32>
        tpu.vector_store_idx %arg12[%add3A_706], %get3A_703 : memref<4224xf32, #tpu.memory_space<vmem>>[vector<16xi32>], vector<16xf32>,
        %mul3A_707 = arith.constant 16 : i32
        %mul3A_708 = arith.muli %scan3A_465, %mul3A_707 : i32
        %get3A_709 = arith.constant 26 : i32
        %get3A_710 = arith.index_cast %get3A_709 : i32 to index
        %get3A_711 = arith.index_cast %mul3A_708 : i32 to index
        %get3A_712 = tpu.vector_load %arg19[%get3A_710, %get3A_711] {strides = array<i32>} : memref<32x128xf32, #tpu.memory_space<vmem>>, vector<16xf32>,
        %add3A_713 = arith.constant 26 : i32
        %add3A_714 = vector.broadcast %add3A_713 : i32 to vector<16xi32>
        %add3A_715 = arith.addi %mul3A_472, %add3A_714 : vector<16xi32>
        tpu.vector_store_idx %arg12[%add3A_715], %get3A_712 : memref<4224xf32, #tpu.memory_space<vmem>>[vector<16xi32>], vector<16xf32>,
        %mul3A_716 = arith.constant 16 : i32
        %mul3A_717 = arith.muli %scan3A_465, %mul3A_716 : i32
        %get3A_718 = arith.constant 27 : i32
        %get3A_719 = arith.index_cast %get3A_718 : i32 to index
        %get3A_720 = arith.index_cast %mul3A_717 : i32 to index
        %get3A_721 = tpu.vector_load %arg19[%get3A_719, %get3A_720] {strides = array<i32>} : memref<32x128xf32, #tpu.memory_space<vmem>>, vector<16xf32>,
        %add3A_722 = arith.constant 27 : i32
        %add3A_723 = vector.broadcast %add3A_722 : i32 to vector<16xi32>
        %add3A_724 = arith.addi %mul3A_472, %add3A_723 : vector<16xi32>
        tpu.vector_store_idx %arg12[%add3A_724], %get3A_721 : memref<4224xf32, #tpu.memory_space<vmem>>[vector<16xi32>], vector<16xf32>,
        %mul3A_725 = arith.constant 16 : i32
        %mul3A_726 = arith.muli %scan3A_465, %mul3A_725 : i32
        %get3A_727 = arith.constant 28 : i32
        %get3A_728 = arith.index_cast %get3A_727 : i32 to index
        %get3A_729 = arith.index_cast %mul3A_726 : i32 to index
        %get3A_730 = tpu.vector_load %arg19[%get3A_728, %get3A_729] {strides = array<i32>} : memref<32x128xf32, #tpu.memory_space<vmem>>, vector<16xf32>,
        %add3A_731 = arith.constant 28 : i32
        %add3A_732 = vector.broadcast %add3A_731 : i32 to vector<16xi32>
        %add3A_733 = arith.addi %mul3A_472, %add3A_732 : vector<16xi32>
        tpu.vector_store_idx %arg12[%add3A_733], %get3A_730 : memref<4224xf32, #tpu.memory_space<vmem>>[vector<16xi32>], vector<16xf32>,
        %mul3A_734 = arith.constant 16 : i32
        %mul3A_735 = arith.muli %scan3A_465, %mul3A_734 : i32
        %get3A_736 = arith.constant 29 : i32
        %get3A_737 = arith.index_cast %get3A_736 : i32 to index
        %get3A_738 = arith.index_cast %mul3A_735 : i32 to index
        %get3A_739 = tpu.vector_load %arg19[%get3A_737, %get3A_738] {strides = array<i32>} : memref<32x128xf32, #tpu.memory_space<vmem>>, vector<16xf32>,
        %add3A_740 = arith.constant 29 : i32
        %add3A_741 = vector.broadcast %add3A_740 : i32 to vector<16xi32>
        %add3A_742 = arith.addi %mul3A_472, %add3A_741 : vector<16xi32>
        tpu.vector_store_idx %arg12[%add3A_742], %get3A_739 : memref<4224xf32, #tpu.memory_space<vmem>>[vector<16xi32>], vector<16xf32>,
        %mul3A_743 = arith.constant 16 : i32
        %mul3A_744 = arith.muli %scan3A_465, %mul3A_743 : i32
        %get3A_745 = arith.constant 30 : i32
        %get3A_746 = arith.index_cast %get3A_745 : i32 to index
        %get3A_747 = arith.index_cast %mul3A_744 : i32 to index
        %get3A_748 = tpu.vector_load %arg19[%get3A_746, %get3A_747] {strides = array<i32>} : memref<32x128xf32, #tpu.memory_space<vmem>>, vector<16xf32>,
        %add3A_749 = arith.constant 30 : i32
        %add3A_750 = vector.broadcast %add3A_749 : i32 to vector<16xi32>
        %add3A_751 = arith.addi %mul3A_472, %add3A_750 : vector<16xi32>
        tpu.vector_store_idx %arg12[%add3A_751], %get3A_748 : memref<4224xf32, #tpu.memory_space<vmem>>[vector<16xi32>], vector<16xf32>,
        %mul3A_752 = arith.constant 16 : i32
        %mul3A_753 = arith.muli %scan3A_465, %mul3A_752 : i32
        %get3A_754 = arith.constant 31 : i32
        %get3A_755 = arith.index_cast %get3A_754 : i32 to index
        %get3A_756 = arith.index_cast %mul3A_753 : i32 to index
        %get3A_757 = tpu.vector_load %arg19[%get3A_755, %get3A_756] {strides = array<i32>} : memref<32x128xf32, #tpu.memory_space<vmem>>, vector<16xf32>,
        %add3A_758 = arith.constant 31 : i32
        %add3A_759 = vector.broadcast %add3A_758 : i32 to vector<16xi32>
        %add3A_760 = arith.addi %mul3A_472, %add3A_759 : vector<16xi32>
        tpu.vector_store_idx %arg12[%add3A_760], %get3A_757 : memref<4224xf32, #tpu.memory_space<vmem>>[vector<16xi32>], vector<16xf32>,
      }
      %scan3A_151 = arith.constant 8 : i32
      %scan3A_152 = arith.constant 0 : i32
      %scan3A_153 = arith.constant 0 : i32
      %scan3A_154 = arith.constant 128 : i32
      %scan3A_155 = arith.addi %scan3A_153, %scan3A_154 : i32
      %scan3A_156 = arith.constant 4 : i32
      scf.for %scan3A_169 = %scan3A_153 to %scan3A_155 step %scan3A_156  : i32 {
        %mul3A_170 = arith.constant 33 : i32
        %mul3A_171 = arith.muli %scan3A_169, %mul3A_170 : i32
        %get3A = arith.index_cast %mul3A_171 : i32 to index
        %get3A_172 = tpu.vector_load %arg12[%get3A] {strides = array<i32>} : memref<4224xf32, #tpu.memory_space<vmem>>, vector<16xf32>,
        %mul3A_173 = arith.constant 33 : i32
        %mul3A_174 = arith.muli %scan3A_169, %mul3A_173 : i32
        %add3A_175 = arith.constant 16 : i32
        %add3A_176 = arith.addi %mul3A_174, %add3A_175 : i32
        %get3A_177 = arith.index_cast %add3A_176 : i32 to index
        %get3A_178 = tpu.vector_load %arg12[%get3A_177] {strides = array<i32>} : memref<4224xf32, #tpu.memory_space<vmem>>, vector<16xf32>,
        %get3A_179 = arith.index_cast %scan3A_169 : i32 to index
        %get3A_180 = arith.constant 0 : index
        %get3A_181 = tpu.vector_load %arg17[%get3A_179, %get3A_180] {strides = array<i32>} : memref<128x32xf32, #tpu.memory_space<vmem>>, vector<16xf32>,
        %get3A_182 = arith.index_cast %scan3A_169 : i32 to index
        %get3A_183 = arith.constant 0 : index
        %get3A_184 = tpu.vector_load %arg18[%get3A_182, %get3A_183] {strides = array<i32>} : memref<128x32xf32, #tpu.memory_space<vmem>>, vector<16xf32>,
        %add3A_185 = arith.addf %get3A_181, %get3A_184 : vector<16xf32>
        %add3A_186 = arith.addf %add3A_185, %get3A_172 : vector<16xf32>
        %max3A = arith.constant 0.000000e+00 : f32
        %max3A_187 = vector.broadcast %max3A : f32 to vector<16xf32>
        %max3A_188 = arith.maximumf %add3A_186, %max3A_187 : vector<16xf32>
        %get3A_189 = arith.index_cast %scan3A_169 : i32 to index
        %get3A_190 = arith.constant 16 : index
        %get3A_191 = tpu.vector_load %arg17[%get3A_189, %get3A_190] {strides = array<i32>} : memref<128x32xf32, #tpu.memory_space<vmem>>, vector<16xf32>,
        %get3A_192 = arith.index_cast %scan3A_169 : i32 to index
        %get3A_193 = arith.constant 16 : index
        %get3A_194 = tpu.vector_load %arg18[%get3A_192, %get3A_193] {strides = array<i32>} : memref<128x32xf32, #tpu.memory_space<vmem>>, vector<16xf32>,
        %add3A_195 = arith.addf %get3A_191, %get3A_194 : vector<16xf32>
        %add3A_196 = arith.addf %add3A_195, %get3A_178 : vector<16xf32>
        %max3A_197 = arith.constant 0.000000e+00 : f32
        %max3A_198 = vector.broadcast %max3A_197 : f32 to vector<16xf32>
        %max3A_199 = arith.maximumf %add3A_196, %max3A_198 : vector<16xf32>
        %pack3A = tpu.pack_subelements %max3A_188, %max3A_199 {pack_format = #tpu.pack_format<interleaved>, positions = array<i32: 0, 1>} : vector<16xf32>, vector<16xf32> -> vector<32xbf16>
        %swap3A = arith.index_cast %scan3A_169 : i32 to index
        %swap3A_200 = arith.constant 0 : index
        %swap3A_201 = tpu.vector_load %arg20[%swap3A, %swap3A_200] {strides = array<i32>} : memref<128x48xbf16, #tpu.memory_space<vmem>>, vector<32xbf16>,
        tpu.vector_store %arg20[%swap3A, %swap3A_200], %pack3A {strides = array<i32>} : memref<128x48xbf16, #tpu.memory_space<vmem>>, vector<32xbf16>,
        %scan3A_202 = arith.constant 1 : i32
        %scan3A_203 = arith.addi %scan3A_169, %scan3A_202 : i32
        %mul3A_204 = arith.constant 33 : i32
        %mul3A_205 = arith.muli %scan3A_203, %mul3A_204 : i32
        %get3A_206 = arith.index_cast %mul3A_205 : i32 to index
        %get3A_207 = tpu.vector_load %arg12[%get3A_206] {strides = array<i32>} : memref<4224xf32, #tpu.memory_space<vmem>>, vector<16xf32>,
        %mul3A_208 = arith.constant 33 : i32
        %mul3A_209 = arith.muli %scan3A_203, %mul3A_208 : i32
        %add3A_210 = arith.constant 16 : i32
        %add3A_211 = arith.addi %mul3A_209, %add3A_210 : i32
        %get3A_212 = arith.index_cast %add3A_211 : i32 to index
        %get3A_213 = tpu.vector_load %arg12[%get3A_212] {strides = array<i32>} : memref<4224xf32, #tpu.memory_space<vmem>>, vector<16xf32>,
        %get3A_214 = arith.index_cast %scan3A_203 : i32 to index
        %get3A_215 = arith.constant 0 : index
        %get3A_216 = tpu.vector_load %arg17[%get3A_214, %get3A_215] {strides = array<i32>} : memref<128x32xf32, #tpu.memory_space<vmem>>, vector<16xf32>,
        %get3A_217 = arith.index_cast %scan3A_203 : i32 to index
        %get3A_218 = arith.constant 0 : index
        %get3A_219 = tpu.vector_load %arg18[%get3A_217, %get3A_218] {strides = array<i32>} : memref<128x32xf32, #tpu.memory_space<vmem>>, vector<16xf32>,
        %add3A_220 = arith.addf %get3A_216, %get3A_219 : vector<16xf32>
        %add3A_221 = arith.addf %add3A_220, %get3A_207 : vector<16xf32>
        %max3A_222 = arith.constant 0.000000e+00 : f32
        %max3A_223 = vector.broadcast %max3A_222 : f32 to vector<16xf32>
        %max3A_224 = arith.maximumf %add3A_221, %max3A_223 : vector<16xf32>
        %get3A_225 = arith.index_cast %scan3A_203 : i32 to index
        %get3A_226 = arith.constant 16 : index
        %get3A_227 = tpu.vector_load %arg17[%get3A_225, %get3A_226] {strides = array<i32>} : memref<128x32xf32, #tpu.memory_space<vmem>>, vector<16xf32>,
        %get3A_228 = arith.index_cast %scan3A_203 : i32 to index
        %get3A_229 = arith.constant 16 : index
        %get3A_230 = tpu.vector_load %arg18[%get3A_228, %get3A_229] {strides = array<i32>} : memref<128x32xf32, #tpu.memory_space<vmem>>, vector<16xf32>,
        %add3A_231 = arith.addf %get3A_227, %get3A_230 : vector<16xf32>
        %add3A_232 = arith.addf %add3A_231, %get3A_213 : vector<16xf32>
        %max3A_233 = arith.constant 0.000000e+00 : f32
        %max3A_234 = vector.broadcast %max3A_233 : f32 to vector<16xf32>
        %max3A_235 = arith.maximumf %add3A_232, %max3A_234 : vector<16xf32>
        %pack3A_236 = tpu.pack_subelements %max3A_224, %max3A_235 {pack_format = #tpu.pack_format<interleaved>, positions = array<i32: 0, 1>} : vector<16xf32>, vector<16xf32> -> vector<32xbf16>
        %swap3A_237 = arith.index_cast %scan3A_203 : i32 to index
        %swap3A_238 = arith.constant 0 : index
        %swap3A_239 = tpu.vector_load %arg20[%swap3A_237, %swap3A_238] {strides = array<i32>} : memref<128x48xbf16, #tpu.memory_space<vmem>>, vector<32xbf16>,
        tpu.vector_store %arg20[%swap3A_237, %swap3A_238], %pack3A_236 {strides = array<i32>} : memref<128x48xbf16, #tpu.memory_space<vmem>>, vector<32xbf16>,
        %scan3A_240 = arith.constant 2 : i32
        %scan3A_241 = arith.addi %scan3A_169, %scan3A_240 : i32
        %mul3A_242 = arith.constant 33 : i32
        %mul3A_243 = arith.muli %scan3A_241, %mul3A_242 : i32
        %get3A_244 = arith.index_cast %mul3A_243 : i32 to index
        %get3A_245 = tpu.vector_load %arg12[%get3A_244] {strides = array<i32>} : memref<4224xf32, #tpu.memory_space<vmem>>, vector<16xf32>,
        %mul3A_246 = arith.constant 33 : i32
        %mul3A_247 = arith.muli %scan3A_241, %mul3A_246 : i32
        %add3A_248 = arith.constant 16 : i32
        %add3A_249 = arith.addi %mul3A_247, %add3A_248 : i32
        %get3A_250 = arith.index_cast %add3A_249 : i32 to index
        %get3A_251 = tpu.vector_load %arg12[%get3A_250] {strides = array<i32>} : memref<4224xf32, #tpu.memory_space<vmem>>, vector<16xf32>,
        %get3A_252 = arith.index_cast %scan3A_241 : i32 to index
        %get3A_253 = arith.constant 0 : index
        %get3A_254 = tpu.vector_load %arg17[%get3A_252, %get3A_253] {strides = array<i32>} : memref<128x32xf32, #tpu.memory_space<vmem>>, vector<16xf32>,
        %get3A_255 = arith.index_cast %scan3A_241 : i32 to index
        %get3A_256 = arith.constant 0 : index
        %get3A_257 = tpu.vector_load %arg18[%get3A_255, %get3A_256] {strides = array<i32>} : memref<128x32xf32, #tpu.memory_space<vmem>>, vector<16xf32>,
        %add3A_258 = arith.addf %get3A_254, %get3A_257 : vector<16xf32>
        %add3A_259 = arith.addf %add3A_258, %get3A_245 : vector<16xf32>
        %max3A_260 = arith.constant 0.000000e+00 : f32
        %max3A_261 = vector.broadcast %max3A_260 : f32 to vector<16xf32>
        %max3A_262 = arith.maximumf %add3A_259, %max3A_261 : vector<16xf32>
        %get3A_263 = arith.index_cast %scan3A_241 : i32 to index
        %get3A_264 = arith.constant 16 : index
        %get3A_265 = tpu.vector_load %arg17[%get3A_263, %get3A_264] {strides = array<i32>} : memref<128x32xf32, #tpu.memory_space<vmem>>, vector<16xf32>,
        %get3A_266 = arith.index_cast %scan3A_241 : i32 to index
        %get3A_267 = arith.constant 16 : index
        %get3A_268 = tpu.vector_load %arg18[%get3A_266, %get3A_267] {strides = array<i32>} : memref<128x32xf32, #tpu.memory_space<vmem>>, vector<16xf32>,
        %add3A_269 = arith.addf %get3A_265, %get3A_268 : vector<16xf32>
        %add3A_270 = arith.addf %add3A_269, %get3A_251 : vector<16xf32>
        %max3A_271 = arith.constant 0.000000e+00 : f32
        %max3A_272 = vector.broadcast %max3A_271 : f32 to vector<16xf32>
        %max3A_273 = arith.maximumf %add3A_270, %max3A_272 : vector<16xf32>
        %pack3A_274 = tpu.pack_subelements %max3A_262, %max3A_273 {pack_format = #tpu.pack_format<interleaved>, positions = array<i32: 0, 1>} : vector<16xf32>, vector<16xf32> -> vector<32xbf16>
        %swap3A_275 = arith.index_cast %scan3A_241 : i32 to index
        %swap3A_276 = arith.constant 0 : index
        %swap3A_277 = tpu.vector_load %arg20[%swap3A_275, %swap3A_276] {strides = array<i32>} : memref<128x48xbf16, #tpu.memory_space<vmem>>, vector<32xbf16>,
        tpu.vector_store %arg20[%swap3A_275, %swap3A_276], %pack3A_274 {strides = array<i32>} : memref<128x48xbf16, #tpu.memory_space<vmem>>, vector<32xbf16>,
        %scan3A_278 = arith.constant 3 : i32
        %scan3A_279 = arith.addi %scan3A_169, %scan3A_278 : i32
        %mul3A_280 = arith.constant 33 : i32
        %mul3A_281 = arith.muli %scan3A_279, %mul3A_280 : i32
        %get3A_282 = arith.index_cast %mul3A_281 : i32 to index
        %get3A_283 = tpu.vector_load %arg12[%get3A_282] {strides = array<i32>} : memref<4224xf32, #tpu.memory_space<vmem>>, vector<16xf32>,
        %mul3A_284 = arith.constant 33 : i32
        %mul3A_285 = arith.muli %scan3A_279, %mul3A_284 : i32
        %add3A_286 = arith.constant 16 : i32
        %add3A_287 = arith.addi %mul3A_285, %add3A_286 : i32
        %get3A_288 = arith.index_cast %add3A_287 : i32 to index
        %get3A_289 = tpu.vector_load %arg12[%get3A_288] {strides = array<i32>} : memref<4224xf32, #tpu.memory_space<vmem>>, vector<16xf32>,
        %get3A_290 = arith.index_cast %scan3A_279 : i32 to index
        %get3A_291 = arith.constant 0 : index
        %get3A_292 = tpu.vector_load %arg17[%get3A_290, %get3A_291] {strides = array<i32>} : memref<128x32xf32, #tpu.memory_space<vmem>>, vector<16xf32>,
        %get3A_293 = arith.index_cast %scan3A_279 : i32 to index
        %get3A_294 = arith.constant 0 : index
        %get3A_295 = tpu.vector_load %arg18[%get3A_293, %get3A_294] {strides = array<i32>} : memref<128x32xf32, #tpu.memory_space<vmem>>, vector<16xf32>,
        %add3A_296 = arith.addf %get3A_292, %get3A_295 : vector<16xf32>
        %add3A_297 = arith.addf %add3A_296, %get3A_283 : vector<16xf32>
        %max3A_298 = arith.constant 0.000000e+00 : f32
        %max3A_299 = vector.broadcast %max3A_298 : f32 to vector<16xf32>
        %max3A_300 = arith.maximumf %add3A_297, %max3A_299 : vector<16xf32>
        %get3A_301 = arith.index_cast %scan3A_279 : i32 to index
        %get3A_302 = arith.constant 16 : index
        %get3A_303 = tpu.vector_load %arg17[%get3A_301, %get3A_302] {strides = array<i32>} : memref<128x32xf32, #tpu.memory_space<vmem>>, vector<16xf32>,
        %get3A_304 = arith.index_cast %scan3A_279 : i32 to index
        %get3A_305 = arith.constant 16 : index
        %get3A_306 = tpu.vector_load %arg18[%get3A_304, %get3A_305] {strides = array<i32>} : memref<128x32xf32, #tpu.memory_space<vmem>>, vector<16xf32>,
        %add3A_307 = arith.addf %get3A_303, %get3A_306 : vector<16xf32>
        %add3A_308 = arith.addf %add3A_307, %get3A_289 : vector<16xf32>
        %max3A_309 = arith.constant 0.000000e+00 : f32
        %max3A_310 = vector.broadcast %max3A_309 : f32 to vector<16xf32>
        %max3A_311 = arith.maximumf %add3A_308, %max3A_310 : vector<16xf32>
        %pack3A_312 = tpu.pack_subelements %max3A_300, %max3A_311 {pack_format = #tpu.pack_format<interleaved>, positions = array<i32: 0, 1>} : vector<16xf32>, vector<16xf32> -> vector<32xbf16>
        %swap3A_313 = arith.index_cast %scan3A_279 : i32 to index
        %swap3A_314 = arith.constant 0 : index
        %swap3A_315 = tpu.vector_load %arg20[%swap3A_313, %swap3A_314] {strides = array<i32>} : memref<128x48xbf16, #tpu.memory_space<vmem>>, vector<32xbf16>,
        tpu.vector_store %arg20[%swap3A_313, %swap3A_314], %pack3A_312 {strides = array<i32>} : memref<128x48xbf16, #tpu.memory_space<vmem>>, vector<32xbf16>,
      }
      %scan3A_157 = arith.constant 128 : i32
      %dma_start3A_158 = arith.constant 0 : i32
      %dma_start3A_159 = tpu.memref_slice %arg11[%add3A_119, %dma_start3A_158] : memref<80x128xi32, #tpu.memory_space<vmem>> -> memref<1x128xi32, #tpu.memory_space<vmem>>
      %dma_start3A_160 = tpu.memref_squeeze %dma_start3A_159 : memref<1x128xi32, #tpu.memory_space<vmem>> -> memref<128xi32, #tpu.memory_space<vmem>>
      %dma_start3A_161 = arith.constant 0 : i32
      %dma_start3A_162 = arith.constant 0 : i32
      %dma_start3A_163 = tpu.memref_slice %arg21[%dma_start3A_161, %dma_start3A_162] : memref<10112x48xbf16, #tpu.memory_space<vmem_shared>> -> memref<10112x48xbf16, #tpu.memory_space<vmem_shared>>
      tpu.enqueue_indirect_dma source(%arg20 : memref<128x48xbf16, #tpu.memory_space<vmem>>) target(%dma_start3A_163 : memref<10112x48xbf16, #tpu.memory_space<vmem_shared>>) offsets(%dma_start3A_160 : memref<128xi32, #tpu.memory_space<vmem>>) semaphore(%arg29 : memref<!tpu.dma_semaphore, #tpu.memory_space<semaphore_mem>>) {add = true}
      %lt3A_164 = arith.constant 39 : i32
      %lt3A_165 = arith.cmpi slt, %scan3A_64, %lt3A_164 : i32
      %convert_element_type3A_166 = arith.extui %lt3A_165 : i1 to i32
      %cond3A_167 = arith.constant 0 : i32
      %cond3A_168 = arith.cmpi ne, %convert_element_type3A_166, %cond3A_167 : i32
      scf.if %cond3A_168 {
        %add3A_169 = arith.constant 2 : i32
        %add3A_170 = arith.addi %add3A_119, %add3A_169 : i32
        %dma_start3A_171 = arith.constant 0 : i32
        %dma_start3A_172 = tpu.memref_slice %arg10[%add3A_170, %dma_start3A_171] : memref<80x128xi32, #tpu.memory_space<vmem>> -> memref<1x128xi32, #tpu.memory_space<vmem>>
        %dma_start3A_173 = tpu.memref_squeeze %dma_start3A_172 : memref<1x128xi32, #tpu.memory_space<vmem>> -> memref<128xi32, #tpu.memory_space<vmem>>
        %dma_start3A_174 = arith.constant 0 : i32
        %dma_start3A_175 = arith.constant 0 : i32
        %dma_start3A_176 = tpu.memref_slice %arg2[%dma_start3A_174, %dma_start3A_175] : memref<10112x32xf32, #tpu.memory_space<hbm>> -> memref<10112x32xf32, #tpu.memory_space<hbm>>
        tpu.enqueue_indirect_dma source(%dma_start3A_176 : memref<10112x32xf32, #tpu.memory_space<hbm>>) target(%arg17 : memref<128x32xf32, #tpu.memory_space<vmem>>) offsets(%dma_start3A_173 : memref<128xi32, #tpu.memory_space<vmem>>) semaphore(%arg26 : memref<!tpu.dma_semaphore, #tpu.memory_space<semaphore_mem>>)
        %dma_start3A_177 = arith.constant 0 : i32
        %dma_start3A_178 = tpu.memref_slice %arg11[%add3A_170, %dma_start3A_177] : memref<80x128xi32, #tpu.memory_space<vmem>> -> memref<1x128xi32, #tpu.memory_space<vmem>>
        %dma_start3A_179 = tpu.memref_squeeze %dma_start3A_178 : memref<1x128xi32, #tpu.memory_space<vmem>> -> memref<128xi32, #tpu.memory_space<vmem>>
        %dma_start3A_180 = arith.constant 0 : i32
        %dma_start3A_181 = arith.constant 0 : i32
        %dma_start3A_182 = tpu.memref_slice %arg3[%dma_start3A_180, %dma_start3A_181] : memref<10112x32xf32, #tpu.memory_space<hbm>> -> memref<10112x32xf32, #tpu.memory_space<hbm>>
        tpu.enqueue_indirect_dma source(%dma_start3A_182 : memref<10112x32xf32, #tpu.memory_space<hbm>>) target(%arg18 : memref<128x32xf32, #tpu.memory_space<vmem>>) offsets(%dma_start3A_179 : memref<128xi32, #tpu.memory_space<vmem>>) semaphore(%arg27 : memref<!tpu.dma_semaphore, #tpu.memory_space<semaphore_mem>>)
        %mul3A_183 = arith.constant 80 : i32
        %mul3A_184 = arith.muli %add3A, %mul3A_183 : i32
        %add3A_185 = arith.addi %mul3A_184, %add3A_170 : i32
        %lt3A_186 = arith.constant 2500 : i32
        %lt3A_187 = arith.cmpi slt, %add3A_185, %lt3A_186 : i32
        %convert_element_type3A_188 = arith.extui %lt3A_187 : i1 to i32
        %cond3A_189 = arith.constant 0 : i32
        %cond3A_190 = arith.cmpi ne, %convert_element_type3A_188, %cond3A_189 : i32
        scf.if %cond3A_190 {
          %mul3A_191 = arith.constant 80 : i32
          %mul3A_192 = arith.muli %add3A, %mul3A_191 : i32
          %add3A_193 = arith.addi %mul3A_192, %add3A_170 : i32
          %dma_start3A_194 = arith.constant 0 : i32
          %dma_start3A_195 = arith.constant 0 : i32
          %dma_start3A_196 = tpu.memref_slice %arg4[%dma_start3A_194, %add3A_193, %dma_start3A_195] : memref<32x2500x128xf32, #tpu.memory_space<hbm>> -> memref<32x1x128xf32, #tpu.memory_space<hbm>>
          %dma_start3A_197 = tpu.memref_squeeze %dma_start3A_196 : memref<32x1x128xf32, #tpu.memory_space<hbm>> -> memref<32x128xf32, #tpu.memory_space<hbm>>
          %dma_start3A_198 = arith.constant 0 : i32
          %dma_start3A_199 = arith.constant 0 : i32
          %dma_start3A_200 = tpu.memref_slice %arg4[%dma_start3A_198, %add3A_193, %dma_start3A_199] : memref<32x2500x128xf32, #tpu.memory_space<hbm>> -> memref<32x1x128xf32, #tpu.memory_space<hbm>>
          %dma_start3A_201 = tpu.memref_squeeze %dma_start3A_200 : memref<32x1x128xf32, #tpu.memory_space<hbm>> -> memref<32x128xf32, #tpu.memory_space<hbm>>
          tpu.enqueue_dma source(%dma_start3A_201 : memref<32x128xf32, #tpu.memory_space<hbm>>) target(%arg19 : memref<32x128xf32, #tpu.memory_space<vmem>>) target_semaphore(%arg28 : memref<!tpu.dma_semaphore, #tpu.memory_space<semaphore_mem>>)
        } else {
        }
      } else {
      }
    }
    %scan3A_49 = arith.constant 40 : i32
    %dma_wait3A = arith.constant 78 : i32
    %dma_wait3A_50 = arith.constant 0 : i32
    %dma_wait3A_51 = tpu.memref_slice %arg11[%dma_wait3A, %dma_wait3A_50] : memref<80x128xi32, #tpu.memory_space<vmem>> -> memref<1x128xi32, #tpu.memory_space<vmem>>
    %dma_wait3A_52 = tpu.memref_squeeze %dma_wait3A_51 : memref<1x128xi32, #tpu.memory_space<vmem>> -> memref<128xi32, #tpu.memory_space<vmem>>
    %dma_wait3A_53 = arith.constant 0 : i32
    %dma_wait3A_54 = arith.constant 0 : i32
    %dma_wait3A_55 = tpu.memref_slice %arg21[%dma_wait3A_53, %dma_wait3A_54] : memref<10112x48xbf16, #tpu.memory_space<vmem_shared>> -> memref<10112x48xbf16, #tpu.memory_space<vmem_shared>>
    tpu.wait_indirect_dma semaphore(%arg25 : memref<!tpu.dma_semaphore, #tpu.memory_space<semaphore_mem>>) src(%arg16 : memref<128x48xbf16, #tpu.memory_space<vmem>>) dst(%dma_wait3A_55 : memref<10112x48xbf16, #tpu.memory_space<vmem_shared>>)
    %dma_wait3A_56 = arith.constant 79 : i32
    %dma_wait3A_57 = arith.constant 0 : i32
    %dma_wait3A_58 = tpu.memref_slice %arg11[%dma_wait3A_56, %dma_wait3A_57] : memref<80x128xi32, #tpu.memory_space<vmem>> -> memref<1x128xi32, #tpu.memory_space<vmem>>
    %dma_wait3A_59 = tpu.memref_squeeze %dma_wait3A_58 : memref<1x128xi32, #tpu.memory_space<vmem>> -> memref<128xi32, #tpu.memory_space<vmem>>
    %dma_wait3A_60 = arith.constant 0 : i32
    %dma_wait3A_61 = arith.constant 0 : i32
    %dma_wait3A_62 = tpu.memref_slice %arg21[%dma_wait3A_60, %dma_wait3A_61] : memref<10112x48xbf16, #tpu.memory_space<vmem_shared>> -> memref<10112x48xbf16, #tpu.memory_space<vmem_shared>>
    tpu.wait_indirect_dma semaphore(%arg29 : memref<!tpu.dma_semaphore, #tpu.memory_space<semaphore_mem>>) src(%arg20 : memref<128x48xbf16, #tpu.memory_space<vmem>>) dst(%dma_wait3A_62 : memref<10112x48xbf16, #tpu.memory_space<vmem_shared>>)
    %barrier3A_63 = arith.constant 0 : index
    tpu.barrier barrier_id(%barrier3A_63)
    "tpu.region"() ({
      %run_scoped3A = tpu.sem_alloc : memref<!tpu.dma_semaphore, #tpu.memory_space<semaphore_mem>>
      %dma_start3A_64 = arith.constant 0 : i32
      %dma_start3A_65 = tpu.memref_slice %arg9[%arg0, %mul3A_2, %dma_start3A_64] : memref<2x10112x48xbf16, #tpu.memory_space<hbm>> -> memref<1x632x48xbf16, #tpu.memory_space<hbm>>
      %dma_start3A_66 = tpu.memref_squeeze %dma_start3A_65 : memref<1x632x48xbf16, #tpu.memory_space<hbm>> -> memref<632x48xbf16, #tpu.memory_space<hbm>>
      %dma_start3A_67 = arith.constant 0 : i32
      %dma_start3A_68 = tpu.memref_slice %arg21[%mul3A_2, %dma_start3A_67] : memref<10112x48xbf16, #tpu.memory_space<vmem_shared>> -> memref<632x48xbf16, #tpu.memory_space<vmem_shared>>
      tpu.enqueue_dma source(%dma_start3A_68 : memref<632x48xbf16, #tpu.memory_space<vmem_shared>>) target(%dma_start3A_66 : memref<632x48xbf16, #tpu.memory_space<hbm>>) target_semaphore(%run_scoped3A : memref<!tpu.dma_semaphore, #tpu.memory_space<semaphore_mem>>)
      %dma_wait3A_69 = arith.constant 0 : i32
      %dma_wait3A_70 = tpu.memref_slice %arg9[%arg0, %mul3A_2, %dma_wait3A_69] : memref<2x10112x48xbf16, #tpu.memory_space<hbm>> -> memref<1x632x48xbf16, #tpu.memory_space<hbm>>
      %dma_wait3A_71 = tpu.memref_squeeze %dma_wait3A_70 : memref<1x632x48xbf16, #tpu.memory_space<hbm>> -> memref<632x48xbf16, #tpu.memory_space<hbm>>
      %dma_wait3A_72 = arith.constant 0 : i32
      %dma_wait3A_73 = tpu.memref_slice %arg21[%mul3A_2, %dma_wait3A_72] : memref<10112x48xbf16, #tpu.memory_space<vmem_shared>> -> memref<632x48xbf16, #tpu.memory_space<vmem_shared>>
      tpu.wait_dma2 semaphore(%run_scoped3A : memref<!tpu.dma_semaphore, #tpu.memory_space<semaphore_mem>>) src(%dma_wait3A_73 : memref<632x48xbf16, #tpu.memory_space<vmem_shared>>) dst(%dma_wait3A_71 : memref<632x48xbf16, #tpu.memory_space<hbm>>)
      tpu.yield
    }) : () -> ()
    return
  }
}

module attributes {stable_mosaic.version = 14 : i64} {
  func.func @_nodeproj_body(%arg0: i32, %arg1: memref<2528x128xf32, #tpu.memory_space<vmem>>, %arg2: memref<128x32xf32, #tpu.memory_space<vmem>>, %arg3: memref<128x32xf32, #tpu.memory_space<vmem>>, %arg4: memref<32xf32, #tpu.memory_space<vmem>>, %arg5: memref<2528x32xf32, #tpu.memory_space<vmem>>, %arg6: memref<2528x32xf32, #tpu.memory_space<vmem>>) attributes {dimension_semantics = [#tpu.dimension_semantics<arbitrary>], iteration_bounds = array<i64: 4>, scalar_prefetch = 0 : i64, scratch_operands = 0 : i64, tpu.core_type = #tpu.core_type<tc>, window_params = [{transform_indices = @transform_0, window_bounds = array<i64: 2528, 128>}, {pipeline_mode = #tpu.pipeline_mode<synchronous>, transform_indices = @transform_1, window_bounds = array<i64: 128, 32>}, {pipeline_mode = #tpu.pipeline_mode<synchronous>, transform_indices = @transform_2, window_bounds = array<i64: 128, 32>}, {pipeline_mode = #tpu.pipeline_mode<synchronous>, transform_indices = @transform_3, window_bounds = array<i64: 32>}, {transform_indices = @transform_4, window_bounds = array<i64: 2528, 32>}, {transform_indices = @transform_5, window_bounds = array<i64: 2528, 32>}]} {
    %get3A = arith.constant 0 : index
    %get3A_0 = arith.constant 0 : index
    %get3A_1 = vector.load %arg1[%get3A, %get3A_0] : memref<2528x128xf32, #tpu.memory_space<vmem>>, vector<2528x128xf32>
    %get3A_2 = arith.constant 0 : index
    %get3A_3 = arith.constant 0 : index
    %get3A_4 = vector.load %arg2[%get3A_2, %get3A_3] : memref<128x32xf32, #tpu.memory_space<vmem>>, vector<128x32xf32>
    %dot_general3A = arith.constant dense<0.000000e+00> : vector<2528x32xf32>
    %dot_general3A_5 = tpu.matmul %get3A_1, %get3A_4, %dot_general3A {dimension_numbers = #tpu.dot_dimension_numbers<[1], [0], [0], [1], [0, 0, 1, 1], [], []>, transpose_lhs_hint = false} : vector<2528x128xf32>, vector<128x32xf32>, vector<2528x32xf32> -> vector<2528x32xf32>
    %swap3A = arith.constant 0 : index
    %swap3A_6 = arith.constant 0 : index
    %swap3A_7 = vector.load %arg5[%swap3A, %swap3A_6] : memref<2528x32xf32, #tpu.memory_space<vmem>>, vector<2528x32xf32>
    tpu.vector_store %arg5[%swap3A, %swap3A_6], %dot_general3A_5 {strides = array<i32>} : memref<2528x32xf32, #tpu.memory_space<vmem>>, vector<2528x32xf32>,
    %get3A_8 = arith.constant 0 : index
    %get3A_9 = arith.constant 0 : index
    %get3A_10 = vector.load %arg3[%get3A_8, %get3A_9] : memref<128x32xf32, #tpu.memory_space<vmem>>, vector<128x32xf32>
    %dot_general3A_11 = arith.constant dense<0.000000e+00> : vector<2528x32xf32>
    %dot_general3A_12 = tpu.matmul %get3A_1, %get3A_10, %dot_general3A_11 {dimension_numbers = #tpu.dot_dimension_numbers<[1], [0], [0], [1], [0, 0, 1, 1], [], []>, transpose_lhs_hint = false} : vector<2528x128xf32>, vector<128x32xf32>, vector<2528x32xf32> -> vector<2528x32xf32>
    %get3A_13 = arith.constant 0 : index
    %get3A_14 = vector.load %arg4[%get3A_13] : memref<32xf32, #tpu.memory_space<vmem>>, vector<32xf32>
    %broadcast_in_dim3A = vector.shape_cast %get3A_14 : vector<32xf32> to vector<1x32xf32>
    %add3A = vector.broadcast %broadcast_in_dim3A : vector<1x32xf32> to vector<2528x32xf32>
    %add3A_15 = arith.addf %dot_general3A_12, %add3A : vector<2528x32xf32>
    %swap3A_16 = arith.constant 0 : index
    %swap3A_17 = arith.constant 0 : index
    %swap3A_18 = vector.load %arg6[%swap3A_16, %swap3A_17] : memref<2528x32xf32, #tpu.memory_space<vmem>>, vector<2528x32xf32>
    tpu.vector_store %arg6[%swap3A_16, %swap3A_17], %add3A_15 {strides = array<i32>} : memref<2528x32xf32, #tpu.memory_space<vmem>>, vector<2528x32xf32>,
    return
  }
  func.func @transform_0(%arg0: i32) -> (i32, i32) {
    %c0_i32 = arith.constant 0 : i32
    %c0_i32_0 = arith.constant 0 : i32
    return %arg0, %c0_i32 : i32, i32
  }
  func.func @transform_1(%arg0: i32) -> (i32, i32) {
    %c0_i32 = arith.constant 0 : i32
    %c0_i32_0 = arith.constant 0 : i32
    %c0_i32_1 = arith.constant 0 : i32
    return %c0_i32, %c0_i32_0 : i32, i32
  }
  func.func @transform_2(%arg0: i32) -> (i32, i32) {
    %c0_i32 = arith.constant 0 : i32
    %c0_i32_0 = arith.constant 0 : i32
    %c0_i32_1 = arith.constant 0 : i32
    return %c0_i32, %c0_i32_0 : i32, i32
  }
  func.func @transform_3(%arg0: i32) -> i32 {
    %c0_i32 = arith.constant 0 : i32
    %c0_i32_0 = arith.constant 0 : i32
    return %c0_i32 : i32
  }
  func.func @transform_4(%arg0: i32) -> (i32, i32) {
    %c0_i32 = arith.constant 0 : i32
    %c0_i32_0 = arith.constant 0 : i32
    return %arg0, %c0_i32 : i32, i32
  }
  func.func @transform_5(%arg0: i32) -> (i32, i32) {
    %c0_i32 = arith.constant 0 : i32
    %c0_i32_0 = arith.constant 0 : i32
    return %arg0, %c0_i32 : i32, i32
  }
}

module attributes {stable_mosaic.version = 14 : i64} {
  func.func @_attrproj_body(%arg0: i32, %arg1: memref<16x32000xf32, #tpu.memory_space<vmem>>, %arg2: memref<32x16xf32, #tpu.memory_space<vmem>>, %arg3: memref<32x32000xf32, #tpu.memory_space<vmem>>) attributes {dimension_semantics = [#tpu.dimension_semantics<arbitrary>], iteration_bounds = array<i64: 10>, scalar_prefetch = 0 : i64, scratch_operands = 0 : i64, tpu.core_type = #tpu.core_type<tc>, window_params = [{transform_indices = @transform_0, window_bounds = array<i64: 16, 32000>}, {pipeline_mode = #tpu.pipeline_mode<synchronous>, transform_indices = @transform_1, window_bounds = array<i64: 32, 16>}, {transform_indices = @transform_2, window_bounds = array<i64: 32, 32000>}]} {
    %get3A = arith.constant 0 : index
    %get3A_0 = arith.constant 0 : index
    %get3A_1 = vector.load %arg2[%get3A, %get3A_0] : memref<32x16xf32, #tpu.memory_space<vmem>>, vector<32x16xf32>
    %get3A_2 = arith.constant 0 : index
    %get3A_3 = arith.constant 0 : index
    %get3A_4 = vector.load %arg1[%get3A_2, %get3A_3] : memref<16x32000xf32, #tpu.memory_space<vmem>>, vector<16x32000xf32>
    %dot_general3A = arith.constant dense<0.000000e+00> : vector<32x32000xf32>
    %dot_general3A_5 = tpu.matmul %get3A_1, %get3A_4, %dot_general3A {dimension_numbers = #tpu.dot_dimension_numbers<[1], [0], [0], [1], [0, 0, 1, 1], [], []>, transpose_lhs_hint = false} : vector<32x16xf32>, vector<16x32000xf32>, vector<32x32000xf32> -> vector<32x32000xf32>
    %swap3A = arith.constant 0 : index
    %swap3A_6 = arith.constant 0 : index
    %swap3A_7 = vector.load %arg3[%swap3A, %swap3A_6] : memref<32x32000xf32, #tpu.memory_space<vmem>>, vector<32x32000xf32>
    tpu.vector_store %arg3[%swap3A, %swap3A_6], %dot_general3A_5 {strides = array<i32>} : memref<32x32000xf32, #tpu.memory_space<vmem>>, vector<32x32000xf32>,
    return
  }
  func.func @transform_0(%arg0: i32) -> (i32, i32) {
    %c0_i32 = arith.constant 0 : i32
    %c0_i32_0 = arith.constant 0 : i32
    return %c0_i32, %arg0 : i32, i32
  }
  func.func @transform_1(%arg0: i32) -> (i32, i32) {
    %c0_i32 = arith.constant 0 : i32
    %c0_i32_0 = arith.constant 0 : i32
    %c0_i32_1 = arith.constant 0 : i32
    return %c0_i32, %c0_i32_0 : i32, i32
  }
  func.func @transform_2(%arg0: i32) -> (i32, i32) {
    %c0_i32 = arith.constant 0 : i32
    %c0_i32_0 = arith.constant 0 : i32
    return %c0_i32, %arg0 : i32, i32
  }
}

module attributes {stable_mosaic.version = 14 : i64} {
  func.func @_post_body(%arg0: i32, %arg1: memref<1000x128xf32, #tpu.memory_space<vmem>>, %arg2: memref<1x1000x48xbf16, #tpu.memory_space<vmem>>, %arg3: memref<1x1000x48xbf16, #tpu.memory_space<vmem>>, %arg4: memref<32x32xf32, #tpu.memory_space<vmem>>, %arg5: memref<32xf32, #tpu.memory_space<vmem>>, %arg6: memref<128x128xf32, #tpu.memory_space<vmem>>, %arg7: memref<32x128xf32, #tpu.memory_space<vmem>>, %arg8: memref<128xf32, #tpu.memory_space<vmem>>, %arg9: memref<1000x128xf32, #tpu.memory_space<vmem>>) attributes {dimension_semantics = [#tpu.dimension_semantics<arbitrary>], iteration_bounds = array<i64: 10>, scalar_prefetch = 0 : i64, scratch_operands = 0 : i64, tpu.core_type = #tpu.core_type<tc>, window_params = [{transform_indices = @transform_0, window_bounds = array<i64: 1000, 128>}, {transform_indices = @transform_1, window_bounds = array<i64: 1, 1000, 48>}, {transform_indices = @transform_2, window_bounds = array<i64: 1, 1000, 48>}, {pipeline_mode = #tpu.pipeline_mode<synchronous>, transform_indices = @transform_3, window_bounds = array<i64: 32, 32>}, {pipeline_mode = #tpu.pipeline_mode<synchronous>, transform_indices = @transform_4, window_bounds = array<i64: 32>}, {pipeline_mode = #tpu.pipeline_mode<synchronous>, transform_indices = @transform_5, window_bounds = array<i64: 128, 128>}, {pipeline_mode = #tpu.pipeline_mode<synchronous>, transform_indices = @transform_6, window_bounds = array<i64: 32, 128>}, {pipeline_mode = #tpu.pipeline_mode<synchronous>, transform_indices = @transform_7, window_bounds = array<i64: 128>}, {transform_indices = @transform_8, window_bounds = array<i64: 1000, 128>}]} {
    %get3A = arith.constant 0 : index
    %get3A_0 = arith.constant 0 : index
    %get3A_1 = vector.load %arg1[%get3A, %get3A_0] : memref<1000x128xf32, #tpu.memory_space<vmem>>, vector<1000x128xf32>
    %get3A_2 = arith.constant 0 : index
    %get3A_3 = arith.constant 0 : index
    %get3A_4 = arith.constant 0 : index
    %get3A_5 = vector.load %arg2[%get3A_2, %get3A_3, %get3A_4] : memref<1x1000x48xbf16, #tpu.memory_space<vmem>>, vector<1x1000x48xbf16>
    %get3A_6 = vector.shape_cast %get3A_5 : vector<1x1000x48xbf16> to vector<1000x48xbf16>
    %convert_element_type3A = arith.extf %get3A_6 : vector<1000x48xbf16> to vector<1000x48xf32>
    %get3A_7 = arith.constant 0 : index
    %get3A_8 = arith.constant 0 : index
    %get3A_9 = arith.constant 0 : index
    %get3A_10 = vector.load %arg3[%get3A_7, %get3A_8, %get3A_9] : memref<1x1000x48xbf16, #tpu.memory_space<vmem>>, vector<1x1000x48xbf16>
    %get3A_11 = vector.shape_cast %get3A_10 : vector<1x1000x48xbf16> to vector<1000x48xbf16>
    %convert_element_type3A_12 = arith.extf %get3A_11 : vector<1000x48xbf16> to vector<1000x48xf32>
    %add3A = arith.addf %convert_element_type3A, %convert_element_type3A_12 : vector<1000x48xf32>
    %slice3A = vector.extract_strided_slice %add3A {offsets = [0, 0], sizes = [1000, 32], strides = [1, 1]} : vector<1000x48xf32> to vector<1000x32xf32>
    %slice3A_13 = vector.extract_strided_slice %add3A {offsets = [0, 32], sizes = [1000, 1], strides = [1, 1]} : vector<1000x48xf32> to vector<1000x1xf32>
    %get3A_14 = arith.constant 0 : index
    %get3A_15 = arith.constant 0 : index
    %get3A_16 = vector.load %arg4[%get3A_14, %get3A_15] : memref<32x32xf32, #tpu.memory_space<vmem>>, vector<32x32xf32>
    %dot_general3A = arith.constant dense<0.000000e+00> : vector<1000x32xf32>
    %dot_general3A_17 = tpu.matmul %slice3A, %get3A_16, %dot_general3A {dimension_numbers = #tpu.dot_dimension_numbers<[1], [0], [0], [1], [0, 0, 1, 1], [], []>, transpose_lhs_hint = false} : vector<1000x32xf32>, vector<32x32xf32>, vector<1000x32xf32> -> vector<1000x32xf32>
    %get3A_18 = arith.constant 0 : index
    %get3A_19 = vector.load %arg5[%get3A_18] : memref<32xf32, #tpu.memory_space<vmem>>, vector<32xf32>
    %broadcast_in_dim3A = vector.shape_cast %get3A_19 : vector<32xf32> to vector<1x32xf32>
    %mul3A = vector.broadcast %slice3A_13 : vector<1000x1xf32> to vector<1000x32xf32>
    %mul3A_20 = vector.broadcast %broadcast_in_dim3A : vector<1x32xf32> to vector<1000x32xf32>
    %mul3A_21 = arith.mulf %mul3A, %mul3A_20 : vector<1000x32xf32>
    %add3A_22 = arith.addf %dot_general3A_17, %mul3A_21 : vector<1000x32xf32>
    %add3A_23 = arith.constant 9.99999997E-7 : f32
    %add3A_24 = vector.broadcast %add3A_23 : f32 to vector<1000x1xf32>
    %add3A_25 = arith.addf %slice3A_13, %add3A_24 : vector<1000x1xf32>
    %div3A = vector.broadcast %add3A_25 : vector<1000x1xf32> to vector<1000x32xf32>
    %div3A_26 = arith.divf %add3A_22, %div3A : vector<1000x32xf32>
    %get3A_27 = arith.constant 0 : index
    %get3A_28 = arith.constant 0 : index
    %get3A_29 = vector.load %arg6[%get3A_27, %get3A_28] : memref<128x128xf32, #tpu.memory_space<vmem>>, vector<128x128xf32>
    %dot_general3A_30 = arith.constant dense<0.000000e+00> : vector<1000x128xf32>
    %dot_general3A_31 = tpu.matmul %get3A_1, %get3A_29, %dot_general3A_30 {dimension_numbers = #tpu.dot_dimension_numbers<[1], [0], [0], [1], [0, 0, 1, 1], [], []>, transpose_lhs_hint = false} : vector<1000x128xf32>, vector<128x128xf32>, vector<1000x128xf32> -> vector<1000x128xf32>
    %get3A_32 = arith.constant 0 : index
    %get3A_33 = arith.constant 0 : index
    %get3A_34 = vector.load %arg7[%get3A_32, %get3A_33] : memref<32x128xf32, #tpu.memory_space<vmem>>, vector<32x128xf32>
    %dot_general3A_35 = arith.constant dense<0.000000e+00> : vector<1000x128xf32>
    %dot_general3A_36 = tpu.matmul %div3A_26, %get3A_34, %dot_general3A_35 {dimension_numbers = #tpu.dot_dimension_numbers<[1], [0], [0], [1], [0, 0, 1, 1], [], []>, transpose_lhs_hint = false} : vector<1000x32xf32>, vector<32x128xf32>, vector<1000x128xf32> -> vector<1000x128xf32>
    %add3A_37 = arith.addf %dot_general3A_31, %dot_general3A_36 : vector<1000x128xf32>
    %get3A_38 = arith.constant 0 : index
    %get3A_39 = vector.load %arg8[%get3A_38] : memref<128xf32, #tpu.memory_space<vmem>>, vector<128xf32>
    %broadcast_in_dim3A_40 = vector.shape_cast %get3A_39 : vector<128xf32> to vector<1x128xf32>
    %add3A_41 = vector.broadcast %broadcast_in_dim3A_40 : vector<1x128xf32> to vector<1000x128xf32>
    %add3A_42 = arith.addf %add3A_37, %add3A_41 : vector<1000x128xf32>
    %max3A = arith.constant 0.000000e+00 : f32
    %max3A_43 = vector.broadcast %max3A : f32 to vector<1000x128xf32>
    %max3A_44 = arith.maximumf %add3A_42, %max3A_43 : vector<1000x128xf32>
    %add3A_45 = arith.addf %get3A_1, %max3A_44 : vector<1000x128xf32>
    %swap3A = arith.constant 0 : index
    %swap3A_46 = arith.constant 0 : index
    %swap3A_47 = vector.load %arg9[%swap3A, %swap3A_46] : memref<1000x128xf32, #tpu.memory_space<vmem>>, vector<1000x128xf32>
    tpu.vector_store %arg9[%swap3A, %swap3A_46], %add3A_45 {strides = array<i32>} : memref<1000x128xf32, #tpu.memory_space<vmem>>, vector<1000x128xf32>,
    return
  }
  func.func @transform_0(%arg0: i32) -> (i32, i32) {
    %c0_i32 = arith.constant 0 : i32
    %c0_i32_0 = arith.constant 0 : i32
    return %arg0, %c0_i32 : i32, i32
  }
  func.func @transform_1(%arg0: i32) -> (i32, i32, i32) {
    %c0_i32 = arith.constant 0 : i32
    %c0_i32_0 = arith.constant 0 : i32
    %c0_i32_1 = arith.constant 0 : i32
    return %c0_i32, %arg0, %c0_i32_0 : i32, i32, i32
  }
  func.func @transform_2(%arg0: i32) -> (i32, i32, i32) {
    %c1_i32 = arith.constant 1 : i32
    %c0_i32 = arith.constant 0 : i32
    %c0_i32_0 = arith.constant 0 : i32
    return %c1_i32, %arg0, %c0_i32 : i32, i32, i32
  }
  func.func @transform_3(%arg0: i32) -> (i32, i32) {
    %c0_i32 = arith.constant 0 : i32
    %c0_i32_0 = arith.constant 0 : i32
    %c0_i32_1 = arith.constant 0 : i32
    return %c0_i32, %c0_i32_0 : i32, i32
  }
  func.func @transform_4(%arg0: i32) -> i32 {
    %c0_i32 = arith.constant 0 : i32
    %c0_i32_0 = arith.constant 0 : i32
    return %c0_i32 : i32
  }
  func.func @transform_5(%arg0: i32) -> (i32, i32) {
    %c0_i32 = arith.constant 0 : i32
    %c0_i32_0 = arith.constant 0 : i32
    %c0_i32_1 = arith.constant 0 : i32
    return %c0_i32, %c0_i32_0 : i32, i32
  }
  func.func @transform_6(%arg0: i32) -> (i32, i32) {
    %c0_i32 = arith.constant 0 : i32
    %c0_i32_0 = arith.constant 0 : i32
    %c0_i32_1 = arith.constant 0 : i32
    return %c0_i32, %c0_i32_0 : i32, i32
  }
  func.func @transform_7(%arg0: i32) -> i32 {
    %c0_i32 = arith.constant 0 : i32
    %c0_i32_0 = arith.constant 0 : i32
    return %c0_i32 : i32
  }
  func.func @transform_8(%arg0: i32) -> (i32, i32) {
    %c0_i32 = arith.constant 0 : i32
    %c0_i32_0 = arith.constant 0 : i32
    return %arg0, %c0_i32 : i32, i32
  }
}

</mosaic_0001>

<sc_bundles>
// kernel: kernel.6.cloned.1.call-start
scs
__scs_entry_jumppad:
0x0: {  	(pc) =	sbr.rel $0x88, $3  }
0x1: {  	(tag) =	ssettag $0x0;
	lr =	simm.s32 $0x1  }
0x2: {  	[smem:$0x3F98] =	sst lr;
	_ =	strace $0xD0000000  }
0x3: {  	_ = 	snop  }
0x4: {  	_ = 	snop  }
0x5: {  	_ = 	snop  }
0x6: {  	_ = 	snop  }
0x7: {  	_ = 	snop  }
__scs_overlays_trampoline_lowered:
0x8: {  	[smem:$0x3FA7] =	sst s0  }
0x9: {  	[smem:$0x3FA8] =	sst s1  }
0xa: {  	[smem:$0x3FA9] =	sst s2  }
0xb: {  	[smem:$0x3FAA] =	sst s3  }
0xc: {  	[smem:$0x3FAB] =	sst s4  }
0xd: {  	[smem:$0x3FAC] =	sst s5  }
0xe: {  	[smem:$0x3FAD] =	sst s6  }
0xf: {  	[smem:$0x3FAE] =	sst s7  }
0x10: {  	[smem:$0x3FAF] =	sst s8  }
0x11: {  	[smem:$0x3FB0] =	sst s9;
	s0 =	simm.s32 @!p0 $0x0  }
0x12: {  	s1 =	sld [smem:$0x3F96];
	s0 =	simm.s32 @p0 $0x1  }
0x13: {  	[smem:$0x3FB1] =	sst s0;
	s0 =	simm.s32 @!p1 $0x0  }
0x14: {  	s2 =	sld [smem:$0x3F95];
	s0 =	simm.s32 @p1 $0x1  }
0x15: {  	[smem:$0x3FB2] =	sst s0;
	s0 =	simm.s32 @!p2 $0x0  }
0x16: {  	s3 =	sld [smem:$0x3FDB];
	s0 =	simm.s32 @p2 $0x1  }
0x17: {  	s4 =	simm.s32 $0x1BF5;
	[smem:$0x3FB4] =	sst s0  }
0x18: {  	s0 =	sld [smem:$0x3F97];
	_ =	swait.ge [sflag:s4], $0x0  }
0x19: {  	s7 =	sld [smem:$0x3F98]  }
0x1a: {  	s8 =	sadd.s32 $0xFFFFE003, lr  }
0x1b: {  	s9 =	sadd.s32 $0xFFFFFEF7, lr;
	s5 =	simm.s32 $0xFFFFFFFF;
	p2 =	slt.u32 s8, $0xFFFFF086  }
0x1c: {  	p1 =	slt.u32 s9, $0xF7A;
	s5 =	simm.s32 @!p2 $0x0  }
0x1d: {  	s5 =	simm.s32 @p1 $0x1;
	p0 =	seq.s32 s7, s2  }
0x1e: {  	s7 =	smul.u32 @!p0 $0xF7A, s2;
	p2 =	seq.s32 @!p0 s5, $0x0  }
0x1f: {  	s9 =	smul.u32 $0xF7A, s1;
	s8 =	simm.s32 @!p0 $0x1BF5;
	p2 =	por !p2, p0  }
0x20: {  	[sflag:s8] =	ssyncset.s32 @!p0 $0xFFFFF086;
	s6 =	sadd.s32 @!p0 s3, s7;
	s7 =	simm.s32 @!p0 $0x108  }
0x21: {  	s3 =	sadd.s32 s3, s9;
	s6 =	sadd.s32 @!p0 $0x88, s6;
	s7 =	simm.s32 @p2 $0x1082  }
0x22: {  	[simem:s7], [sflag:s8] =	dma.local @!p0 [hbm:s6], $0xF7A  }
0x23: {  	s9 =	sor.u32 $0xD0000000, s2;
	s6 =	simm.s32 $0x108;
	_ =	swait.ge @!p0 [sflag:s8], $0x0  }
0x24: {  	s3 =	sadd.s32 $0x88, s3;
	s6 =	simm.s32 @!p1 $0x1082;
	[sflag:s4] =	ssyncset.s32 $0xFFFFF086  }
0x25: {  	[simem:s6], [sflag:s4] =	dma.local [hbm:s3], $0xF7A  }
0x26: {  	[smem:$0x3F98] =	sst s1;
	(tag) =	ssettag s2;
	_ =	strace s9  }
0x27: {  	s1 =	sld [smem:$0x3FA8]  }
0x28: {  	s2 =	sld [smem:$0x3FA9]  }
0x29: {  	s4 =	sld [smem:$0x3FAB]  }
0x2a: {  	p0 =	seq.s32 s5, $0x0;
	s5 =	sld [smem:$0x3FAC]  }
0x2b: {  	s6 =	sld [smem:$0x3FAD]  }
0x2c: {  	s7 =	sld [smem:$0x3FAE]  }
0x2d: {  	s3 =	simm.s32 $0x108;
	s8 =	sld [smem:$0x3FAF]  }
0x2e: {  	s3 =	simm.s32 @!p0 $0x1082;
	s9 =	sld [smem:$0x3FB0]  }
0x2f: {  	lr =	sadd.s32 s0, s3;
	s0 =	sld [smem:$0x3FA7]  }
0x30: {  	s3 =	sld [smem:$0x3FAA]  }
0x31: {  	[smem:$0x3FB3] =	sst s10  }
0x32: {  	s10 =	sld [smem:$0x3FB1];
	_ =	sdelay $0x3  }
0x33: {  	p0 =	seq.s32 s10, $0x1;
	s10 =	sld [smem:$0x3FB3];
	_ =	sdelay $0x3  }
0x34: {  	[smem:$0x3FB3] =	sst s10  }
0x35: {  	s10 =	sld [smem:$0x3FB2];
	_ =	sdelay $0x3  }
0x36: {  	p1 =	seq.s32 s10, $0x1;
	s10 =	sld [smem:$0x3FB3];
	_ =	sdelay $0x3  }
0x37: {  	[smem:$0x3FB3] =	sst s10  }
0x38: {  	s10 =	sld [smem:$0x3FB4]  }
0x39: {  	_ = 	snop;
	(pc) =	sbr.ind lr, $3  }
0x3a: {  	_ = 	snop  }
0x3b: {  	_ = 	snop  }
0x3c: {  	p2 =	seq.s32 s10, $0x1;
	s10 =	sld [smem:$0x3FB3]  }
0x3d: {  	_ =	shalt  }
0x3e: {  	_ =	shalt  }
0x3f: {  	_ =	shalt  }
0x40: {  	_ =	shalt  }
0x41: {  	_ =	shalt  }
0x42: {  	_ =	shalt  }
0x43: {  	_ =	shalt  }
0x44: {  	_ =	shalt  }
0x45: {  	_ =	shalt  }
0x46: {  	_ =	shalt  }
0x47: {  	_ =	shalt  }
0x48: {  	_ =	shalt  }
0x49: {  	_ =	shalt  }
0x4a: {  	_ =	shalt  }
0x4b: {  	_ =	shalt  }
0x4c: {  	_ =	shalt  }
0x4d: {  	_ =	shalt  }
0x4e: {  	_ =	shalt  }
0x4f: {  	_ =	shalt  }
0x50: {  	_ =	shalt  }
0x51: {  	_ =	shalt  }
0x52: {  	_ =	shalt  }
0x53: {  	_ =	shalt  }
0x54: {  	_ =	shalt  }
0x55: {  	_ =	shalt  }
0x56: {  	_ =	shalt  }
0x57: {  	_ =	shalt  }
0x58: {  	_ =	shalt  }
0x59: {  	_ =	shalt  }
0x5a: {  	_ =	shalt  }
0x5b: {  	_ =	shalt  }
0x5c: {  	_ =	shalt  }
0x5d: {  	_ =	shalt  }
0x5e: {  	_ =	shalt  }
0x5f: {  	_ =	shalt  }
0x60: {  	_ =	shalt  }
0x61: {  	_ =	shalt  }
0x62: {  	_ =	shalt  }
0x63: {  	_ =	shalt  }
0x64: {  	_ =	shalt  }
0x65: {  	_ =	shalt  }
0x66: {  	_ =	shalt  }
0x67: {  	_ =	shalt  }
0x68: {  	_ =	shalt  }
0x69: {  	_ =	shalt  }
0x6a: {  	_ =	shalt  }
0x6b: {  	_ =	shalt  }
0x6c: {  	_ =	shalt  }
0x6d: {  	_ =	shalt  }
0x6e: {  	_ =	shalt  }
0x6f: {  	_ =	shalt  }
0x70: {  	_ =	shalt  }
0x71: {  	_ =	shalt  }
0x72: {  	_ =	shalt  }
0x73: {  	_ =	shalt  }
0x74: {  	_ =	shalt  }
0x75: {  	_ =	shalt  }
0x76: {  	_ =	shalt  }
0x77: {  	_ =	shalt  }
0x78: {  	_ =	shalt  }
0x79: {  	_ =	shalt  }
0x7a: {  	_ =	shalt  }
0x7b: {  	_ =	shalt  }
0x7c: {  	_ =	shalt  }
0x7d: {  	_ =	shalt  }
0x7e: {  	_ =	shalt  }
0x7f: {  	_ =	shalt  }
0x80: {  	_ =	shalt  }
0x81: {  	_ =	shalt  }
0x82: {  	_ =	shalt  }
0x83: {  	_ =	shalt  }
0x84: {  	_ =	shalt  }
0x85: {  	_ =	shalt  }
0x86: {  	_ =	shalt  }
0x87: {  	_ =	shalt  }
.Lfunc_end0:
.L_simem_size_0:
called_computation_lowered:
.L_overlay_start_0:
0x88: {  	s2 =	sld [smem:$0x3FD9]  }
0x89: {  	s3 =	sld [smem:$0x3FFE];
	_ =	sdelay $0x1  }
0x8a: {  	s1 =	srdreg.scid  }
0x8b: {  	s0 =	sand.u32 $0x1, s1  }
0x8c: {  	s17 =	sshll.u32 s0, $0xA;
	s2 =	sadd.s32 s3, s2  }
0x8d: {  	s2 =	sadd.s32 s2, s17  }
0x8e: {  	[smem:$0x3FBF] =	sst s2  }
0x8f: {  	_ = 	snop  }
0x90: {  	s2 =	sld [smem:$0x3FD0];
	(tm) =	ssettm $0x1  }
0x91: {  	s18 =	sld [smem:$0x3FFB];
	_ =	sdelay $0x3  }
0x92: {  	_ =	strace s18  }
0x93: {  	s3 =	sld [smem:$0x3FFC];
	_ =	sdelay $0x3  }
0x94: {  	_ =	strace s3  }
0x95: {  	s3 =	sld [smem:$0x3FFD];
	_ =	sdelay $0x3  }
0x96: {  	_ =	strace s3  }
0x97: {  	_ =	strace $0x8FFFFFFF  }
0x98: {  	s19 =	sld [smem:$0x3FDB];
	_ =	sdelay $0x1  }
0x99: {  	s4 =	simm.s32 $_scs_section_size  }
0x9a: {  	s5 =	simm.s32 $_size__tile_overlayer_lowered;
	s6 =	simm.s32 $_tile_overlayer_lowered  }
0x9b: {  	s22 =	simm.s32 $0x1BFF;
	s21 =	sshll.u32 s6, $0x1;
	s3 =	sadd.s32 s4, s19  }
0x9c: {  	s7 =	simm.s32 $0x0;
	s20 =	sshll.u32 s5, $0x1;
	s5 =	sadd.s32 s21, s3  }
0x9d: {  	[timem:s7], [sflag:s22] =	dma.local [hbm:s5], s20  }
0x9e: {  	_ =	swait.ge [sflag:s22], s20  }
0x9f: {  	s4 =	ssub.s32 $0x0, s20;
	[sflag:s22] =	ssyncset.done $0x0  }
0xa0: {  	[sflag:s22] =	ssyncadd.s32 s4;
	_ =	sdelay $0x1  }
0xa1: {  	s23 =	simm.s32 $0x1B8B  }
0xa2: {  	_ =	swait.ge [sflag:s23], $0x1  }
0xa3: {  	[sflag:s23] =	ssyncset.done $0x0  }
0xa4: {  	s25 =	simm.s32 $0x1B8E;
	s24 =	sld [smem:$0x3FFE];
	[sflag:s23] =	ssyncadd.s32 $0xFFFFFFFF  }
0xa5: {  	s26 =	simm.s32 $execute0_lowered;
	[smem:$0x3FD2] =	sst s25  }
0xa6: {  	s5 =	sshll.u32 s26, $0x1;
	_ =	strace $0x80000046;
	[dreg:$0x1] =	wrdreg $0xFFFFFFFF  }
0xa7: {  	s28 =	simm.s32 $_size_execute0_lowered;
	s3 =	sadd.s32 s3, s5;
	[dreg:$0x0] =	wrdreg $0x0  }
0xa8: {  	s5 =	sshll.u32 s28, $0x1;
	[dreg:$0x2] =	wrdreg s3  }
0xa9: {  	[dreg:$0x3] =	wrdreg s5  }
0xaa: {  	[dreg:$0x4] =	wrdreg $0xC0  }
0xab: {  	_ =	task [dreg:s7], $0x5FFFF  }
0xac: {  	[dreg:$0x1] =	wrdreg $0xFFFFFFFF  }
0xad: {  	[dreg:$0x0] =	wrdreg $0x60  }
0xae: {  	[dreg:$0x2] =	wrdreg s24  }
0xaf: {  	[dreg:$0x3] =	wrdreg s2  }
0xb0: {  	[dreg:$0x4] =	wrdreg $0xD8800  }
0xb1: {  	[dreg:$0x5] =	wrdreg $0x9  }
0xb2: {  	_ =	task.clear_ibuf [dreg:s7], $0x6FFFF;
	_ =	strace $0x90000046  }
0xb3: {  	s29 =	simm.s32 $0x9;
	_ =	strace $0x80000048  }
0xb4: {  	_ =	swait.ge [sflag:s29], $0x1  }
0xb5: {  	[sflag:s29] =	ssyncadd.s32 $0xFFFFFFFF  }
0xb6: {  	_ =	strace $0x90000048  }
0xb7: {  	_ =	sfence  }
0xb8: {  	s30 =	sld [smem:$0x0];
	_ =	sdelay $0x2  }
0xb9: {  	s31 =	sshll.u32 s1, $0xD;
	s1 =	sshrl.u32 s1, $0x2  }
0xba: {  	s3 =	sand.u32 $0x4000, s31;
	s1 =	sadd.s32 s1, s30  }
0xbb: {  	s0 =	sor.u32 s3, s0;
	s1 =	sshll.u32 s1, $0x11  }
0xbc: {  	s0 =	sor.u32 s1, s0  }
0xbd: {  	s0 =	sadd.s32 $0x8F2B, s0  }
0xbe: {  	[sflag:s0] =	ssyncadd.remote.s32 $0x1  }
0xbf: {  	_ =	sfence.sel $0xFFFF  }
0xc0: {  	[dreg:$0x0] =	wrdreg $0xFFFFFFFF;
	(pc) =	sbr.abs _section_cstart, $3  }
0xc1: {  	[dreg:$0x1] =	wrdreg $0xFFFFFFFF  }
0xc2: {  	_ =	task.clear_ibuf [dreg:s7], $0x2FFFF;
	_ =	strace $0x9FFFFFFF  }
0xc3: {  	(tm) =	ssettm $0x7FFFFFFF  }
tec
execute0_lowered:
.L_overlay_start_1:
0x0: {  	(tag) =	ssettag $0x1  }
0x1: {  	s1 =	rddreg [dreg:$0x0]  }
0x2: {  	s0 =	rddreg [dreg:$0x1]  }
0x3: {  	s2 =	rddreg [dreg:$0x2];
	s4 =	srdreg.scid;
	v2 =	vimm.s32 $0x7654321;
	v3 =	vimm.s32 $0x10765432;
	v9 =	vimm.s32 $0x32107654  }
0x4: {  	s14 =	stileid.u32;
	v1 =	vlaneseq.u32;
	s3 =	simm.s32 $0x0;
	v10 =	vimm.s32 $0x43210765;
	v12 =	vimm.s32 $0x65432107;
	s18 =	simm.s32 $0x9  }
0x5: {  	s19 =	simm.s32 $0x9080;
	s20 =	simm.s32 $0xCC80;
	s28 =	simm.s32 $0x9C80;
	v0 =	vmul.u32 $0x21, v1  }
0x6: {  	s30 =	simm.s32 $0xAC80;
	s7 =	sand.u32 $0x1, s4;
	s21 =	sshll.u32 s14, $0x1;
	v4 =	vunpack.c.l.s4.s8 v2;
	v5 =	vunpack.c.l.s4.s8 v3;
	v3 =	vimm.s32 $0x21076543  }
0x7: {  	[smem:$0x7FF] =	sst s3;
	s4 =	sadd.s32 $0x1200, s1;
	v1 =	vand.u32 $0x7, v1;
	s5 =	sadd.s32 $0xB000, s1;
	v9 =	vunpack.c.l.s4.s8 v9;
	v11 =	vunpack.c.l.s4.s8 v10  }
0x8: {  	s6 =	sadd.s32 $0x14D600, s1;
	s13 =	smul.u32 $0x7680, s14;
	s15 =	sadd.s32 $0x14E00, s1;
	v10 =	vimm.s32 $0x54321076;
	v15 =	vunpack.c.l.s4.s8 v12;
	v7 =	vunpack.c.l.s4.s8 v3  }
0x9: {  	s24 =	sshll.u32 s14, $0x6;
	s8 =	sor.u32 s7, s21;
	_ =	strace $0x80000047;
	v13 =	vunpack.c.l.s4.s8 v10;
	v2 =	vadd.s32 $0x1, v0;
	v3 =	vunpack.c.0.s8.s32 v4  }
0xa: {  	s9 =	ssub.s32 $0x2, s7;
	[dreg:$0x4] =	wrdreg s15;
	s7 =	smul.u32 $0x76800, s7;
	v4 =	vadd.s32 $0x2, v0;
	v5 =	vunpack.c.0.s8.s32 v5;
	v6 =	vadd.s32 $0x3, v0  }
0xb: {  	s10 =	smul.u32 $0x500, s8;
	s12 =	sshrl.u32 s9, $0x1;
	v8 =	vadd.s32 $0x4, v0;
	s23 =	sshrl.u32 s13, $0x1;
	v9 =	vunpack.c.0.s8.s32 v9;
	v10 =	vadd.s32 $0x5, v0  }
0xc: {  	v11 =	vunpack.c.0.s8.s32 v11;
	v12 =	vadd.s32 $0x6, v0;
	v14 =	vadd.s32 $0x7, v0;
	s22 =	ssub.s32 s9, s12;
	s25 =	sadd.s32 s23, s2;
	s9 =	sor.u32 $0x1C09, s24  }
0xd: {  	v15 =	vunpack.c.0.s8.s32 v15;
	v16 =	vadd.s32 $0x8, v0;
	v17 =	vadd.s32 $0x9, v0;
	s7 =	sadd.s32 s13, s7;
	s13 =	smul.u32 $0x50, s8;
	s23 =	simm.s32 $0x5000  }
0xe: {  	v18 =	vadd.s32 $0xA, v0;
	v19 =	vadd.s32 $0xB, v0;
	v20 =	vadd.s32 $0xC, v0;
	s24 =	simm.s32 $0x5;
	s11 =	sadd.s32 s10, s1;
	s1 =	sadd.s32 $0x15600, s1  }
0xf: {  	v21 =	vadd.s32 $0xD, v0;
	v22 =	vadd.s32 $0xE, v0;
	v23 =	vadd.s32 $0xF, v0;
	s10 =	sadd.s32 s6, s10;
	s7 =	sshrl.u32 s7, $0x4;
	[dreg:$0x5] =	wrdreg s1  }
0x10: {  	v24 =	vadd.s32 $0x10, v0;
	v25 =	vadd.s32 $0x11, v0;
	v26 =	vadd.s32 $0x12, v0;
	s31 =	smax.u32 s22, $0x1;
	s17 =	sshrl.u32 s25, $0x3;
	[dreg:$0x8] =	wrdreg s10  }
.Ltmp0:
0x11: {  	v27 =	vadd.s32 $0x13, v0;
	v28 =	vadd.s32 $0x14, v0;
	v29 =	vadd.s32 $0x15, v0;
	s26 =	sadd.s32 $0x15800, s11;
	[dreg:$0xb] =	wrdreg s31;
	(pc) =	sbr.rel .LBB2_1-.Ltmp0, $4  }
0x12: {  	v30 =	vadd.s32 $0x16, v0;
	v31 =	vadd.s32 $0x17, v0;
	v32 =	vadd.s32 $0x18, v0;
	s22 =	simm.s32 $0x80;
	s11 =	sadd.s32 $0x1F800, s11;
	[dreg:$0x6] =	wrdreg s26  }
0x13: {  	v33 =	vadd.s32 $0x19, v0;
	v34 =	vadd.s32 $0x1A, v0;
	v35 =	vadd.s32 $0x1B, v0;
	s29 =	sadd.s32 $0x10, s10;
	s0 =	sadd.s32 s0, s7;
	[dreg:$0x7] =	wrdreg s11  }
0x14: {  	v36 =	vadd.s32 $0x1C, v0;
	v37 =	vadd.s32 $0x1D, v0;
	v38 =	vadd.s32 $0x1E, v0;
	s1 =	simm.s32 $0x2;
	s7 =	simm.s32 $0x0;
	[dreg:$0x9] =	wrdreg s29  }
0x15: {  	v39 =	vadd.s32 $0x1F, v0;
	v7 =	vunpack.c.0.s8.s32 v7;
	v13 =	vunpack.c.0.s8.s32 v13;
	[dreg:$0xa] =	wrdreg s0;
	s0 =	simm.s32 $0x1;
	s26 =	simm.s32 $0x6  }
.LBB2_12:
0x16: {  	s8 =	simm.s32 $0x4  }
0x17: {  	_ =	swait.ge [sflag:s8], $0xC00  }
0x18: {  	[sflag:s8] =	ssyncset.done $0x0  }
0x19: {  	s25 =	simm.s32 $0x8;
	[sflag:s8] =	ssyncadd.s32 $0xFFFFF400  }
0x1a: {  	_ =	swait.ge [sflag:s25], $0xC00  }
0x1b: {  	[sflag:s25] =	ssyncset.done $0x0  }
0x1c: {  	[sflag:s25] =	ssyncadd.s32 $0xFFFFF400  }
0x1d: {  	[bflag:$0x0] =	sbarrier.arrive $0xFFFF  }
0x1e: {  	s29 =	rddreg [dreg:$0xa]  }
0x1f: {  	[hbm:s29], [sflag:s9] =	dma.local [spmem:s17], $0x768  }
0x20: {  	_ =	swait.ge [sflag:s18], $0x768  }
0x21: {  	s7 =	sadd.s32 $0x1, s7;
	s31 =	rddreg [dreg:$0xb]  }
0x22: {  	p0 =	sne.s32 s7, s31  }
.Ltmp1:
0x23: {  	_ = 	snop;
	(pc) =	sbr.rel @!p0 .LBB2_13-.Ltmp1, $3  }
0x24: {  	_ =	sdelay $0x1  }
0x25: {  	[sflag:s18] =	ssyncset.done $0x0  }
0x26: {  	[sflag:s18] =	ssyncadd.s32 $0xFFFFF898  }
.LBB2_1:
0x27: {  	s8 =	rddreg [dreg:$0x4]  }
0x28: {  	[spmem:s17], [sflag:s9] =	dma.local [hbm:s8], $0x768  }
0x29: {  	_ =	swait.ge [sflag:s18], $0x768  }
0x2a: {  	[sflag:s18] =	ssyncset.done $0x0  }
0x2b: {  	s10 =	rddreg [dreg:$0x5];
	[sflag:s18] =	ssyncadd.s32 $0xFFFFF898  }
0x2c: {  	[tilespmem:s19], [sflag:$0x9] =	stream.linear.gather [hbm4b:s10+s3], $0xC00, $0x38;
	[tilespmem:$0x113C0] =	vst v63  }
0x2d: {  	_ =	swait.ge [sflag:s18], $0xC00  }
0x2e: {  	[sflag:s18] =	ssyncset.done $0x0  }
0x2f: {  	[sflag:s18] =	ssyncadd.s32 $0xFFFFF400  }
0x30: {  	[tilespmem:s20], [sflag:$0x9] =	stream.linear.gather [hbm4b:s10+s3], $0xC00, $0x38;
	[tilespmem:$0x113C0] =	vst v63  }
0x31: {  	_ =	swait.ge [sflag:s18], $0xC00  }
0x32: {  	[sflag:s18] =	ssyncset.done $0x0  }
0x33: {  	s11 =	rddreg [dreg:$0x6];
	[sflag:s18] =	ssyncadd.s32 $0xFFFFF400  }
0x34: {  	[tilespmem:s3], [sflag:$0x9] =	stream.linear.gather [hbm4b:s11+s3], $0x2800, $0x38;
	[tilespmem:$0x113C0] =	vst v63  }
0x35: {  	_ =	swait.ge [sflag:s18], $0x2800  }
0x36: {  	[sflag:s18] =	ssyncset.done $0x0  }
0x37: {  	s10 =	simm.s32 $0x2800;
	s12 =	rddreg [dreg:$0x7];
	[sflag:s18] =	ssyncadd.s32 $0xFFFFD800  }
0x38: {  	[tilespmem:s10], [sflag:$0x9] =	stream.linear.gather [hbm4b:s12+s3], $0x2800, $0x38;
	[tilespmem:$0x113C0] =	vst v63  }
0x39: {  	_ =	swait.ge [sflag:s18], $0x2800  }
0x3a: {  	[sflag:s18] =	ssyncset.done $0x0  }
0x3b: {  	[sflag:s18] =	ssyncadd.s32 $0xFFFFD800  }
0x3c: {  	s14 =	simm.s32 $0x6080;
	[bflag:$0x0] =	sbarrier.arrive $0xFFFF  }
0x3d: {  	[tilespmem:s14], [sflag:$0x1] =	stream.indirect.gather [hbm4b:s4+s22], $0x20, s3, s22, $0xb8;
	[tilespmem:$0x113C0] =	vst v63  }
0x3e: {  	s15 =	simm.s32 $0x7080  }
0x3f: {  	[tilespmem:s15], [sflag:$0x2] =	stream.indirect.gather [hbm4b:s5+s22], $0x20, s10, s22, $0xb8;
	[tilespmem:$0x113C0] =	vst v63  }
0x40: {  	s21 =	simm.s32 $0x4E200;
	s11 =	simm.s32 $0x8080;
	s16 =	rddreg [dreg:$0x8]  }
0x41: {  	[tilespmem:s11], [sflag:$0x3] =	stream.strided.gather [hbm4b:s16+s22], $0x1000, s21, s22, $0x38;
	[tilespmem:$0x113C0] =	vst v63  }
0x42: {  	_ = 	snop  }
0x43: {  	[tilespmem:s28], [sflag:$0x5] =	stream.indirect.gather [hbm4b:s4+s22], $0x20, s22, s22, $0xb8;
	[tilespmem:$0x113C0] =	vst v63  }
0x44: {  	s25 =	simm.s32 $0x2880  }
0x45: {  	[tilespmem:s30], [sflag:$0x6] =	stream.indirect.gather [hbm4b:s5+s22], $0x20, s25, s22, $0xb8;
	[tilespmem:$0x113C0] =	vst v63  }
0x46: {  	s31 =	simm.s32 $0xBC80;
	s29 =	rddreg [dreg:$0x9]  }
0x47: {  	[tilespmem:s31], [sflag:$0x7] =	stream.strided.gather [hbm4b:s29+s22], $0x1000, s21, s22, $0x38;
	[tilespmem:$0x113C0] =	vst v63  }
0x48: {  	s21 =	simm.s32 $0x0  }
.LBB2_2:
0x49: {  	_ =	swait.ge [sflag:s0], $0x1000  }
0x4a: {  	[sflag:s0] =	ssyncset.done $0x0  }
0x4b: {  	s25 =	sshll.u32 s21, $0x1;
	[sflag:s0] =	ssyncadd.s32 $0xFFFFF000  }
0x4c: {  	s8 =	sadd.s32 s13, s25;
	_ =	swait.ge [sflag:s1], $0x1000  }
0x4d: {  	s10 =	simm.s32 $0x0;
	p0 =	sgt.u32 s8, $0x9C3;
	[sflag:s1] =	ssyncset.done $0x0  }
0x4e: {  	v40 =	vmov s10;
	s8 =	simm.s32 @!p0 $0x3;
	[sflag:s1] =	ssyncadd.s32 $0xFFFFF000  }
0x4f: {  	v40 =	vmul.u32 $0x21, v40;
	_ =	swait.ge @!p0 [sflag:s8], $0x1000  }
0x50: {  	p1 =	seq.s32 s21, $0x0;
	[sflag:s8] =	ssyncset.done @!p0 $0x0  }
0x51: {  	v40 =	vbroadcast v40, $0x0;
	[sflag:s8] =	ssyncadd.s32 @!p0 $0xFFFFF000;
	s8 =	simm.s32 @!p1 $0x4  }
0x52: {  	_ =	swait.ge @!p1 [sflag:s8], $0xC00  }
0x53: {  	v41 =	vadd.s32 v0, v40;
	[sflag:s8] =	ssyncset.done @!p1 $0x0  }
0x54: {  	s11 =	simm.s32 $0x8880;
	v41 =	vand.u32 $0xFFFFFFF8, v41;
	[sflag:s8] =	ssyncadd.s32 @!p1 $0xFFFFF400  }
0x55: {  	v41 =	vor.u32 v1, v41;
	v42 =	vld [tilespmem:s11+$0xFFFFF800];
	_ =	sdelay $0x3  }
0x56: {  	v43 =	vadd.s32 v2, v40  }
0x57: {  	v49 =	vand.u32 $0xFFFFFFF8, v43;
	[tilespmem:v41+s23+$0x0] =	vst.idx.msk $0xffff, v42  }
0x58: {  	v41 =	vor.u32 v3, v49;
	v42 =	vld [tilespmem:s11+$0xFFFFF880];
	_ =	sdelay $0x3  }
0x59: {  	v50 =	vadd.s32 v4, v40  }
0x5a: {  	v51 =	vand.u32 $0xFFFFFFF8, v50;
	[tilespmem:v41+s23+$0x0] =	vst.idx.msk $0xffff, v42  }
0x5b: {  	v41 =	vor.u32 v5, v51;
	v42 =	vld [tilespmem:s11+$0xFFFFF900];
	_ =	sdelay $0x3  }
0x5c: {  	v52 =	vadd.s32 v6, v40  }
0x5d: {  	v53 =	vand.u32 $0xFFFFFFF8, v52;
	[tilespmem:v41+s23+$0x0] =	vst.idx.msk $0xffff, v42  }
0x5e: {  	v41 =	vor.u32 v7, v53;
	v42 =	vld [tilespmem:s11+$0xFFFFF980];
	_ =	sdelay $0x3  }
0x5f: {  	v54 =	vadd.s32 v8, v40  }
0x60: {  	v55 =	vand.u32 $0xFFFFFFF8, v54;
	[tilespmem:v41+s23+$0x0] =	vst.idx.msk $0xffff, v42  }
0x61: {  	v41 =	vor.u32 v9, v55;
	v42 =	vld [tilespmem:s11+$0xFFFFFA00];
	_ =	sdelay $0x3  }
0x62: {  	v56 =	vadd.s32 v10, v40  }
0x63: {  	v57 =	vand.u32 $0xFFFFFFF8, v56;
	[tilespmem:v41+s23+$0x0] =	vst.idx.msk $0xffff, v42  }
0x64: {  	v41 =	vor.u32 v11, v57;
	v42 =	vld [tilespmem:s11+$0xFFFFFA80];
	_ =	sdelay $0x3  }
0x65: {  	v58 =	vadd.s32 v12, v40  }
0x66: {  	v59 =	vand.u32 $0xFFFFFFF8, v58;
	[tilespmem:v41+s23+$0x0] =	vst.idx.msk $0xffff, v42  }
0x67: {  	v41 =	vor.u32 v13, v59;
	v42 =	vld [tilespmem:s11+$0xFFFFFB00];
	_ =	sdelay $0x3  }
0x68: {  	v60 =	vadd.s32 v14, v40  }
0x69: {  	v61 =	vand.u32 $0xFFFFFFF8, v60;
	[tilespmem:v41+s23+$0x0] =	vst.idx.msk $0xffff, v42  }
0x6a: {  	v41 =	vor.u32 v15, v61;
	v42 =	vld [tilespmem:s11+$0xFFFFFB80];
	_ =	sdelay $0x3  }
0x6b: {  	v62 =	vadd.s32 v16, v40  }
0x6c: {  	v63 =	vand.u32 $0xFFFFFFF8, v62;
	[tilespmem:v41+s23+$0x0] =	vst.idx.msk $0xffff, v42  }
0x6d: {  	v41 =	vor.u32 v1, v63;
	v42 =	vld [tilespmem:s11+$0xFFFFFC00];
	_ =	sdelay $0x3  }
0x6e: {  	v45 =	vadd.s32 v17, v40  }
0x6f: {  	v46 =	vand.u32 $0xFFFFFFF8, v45;
	[tilespmem:v41+s23+$0x0] =	vst.idx.msk $0xffff, v42  }
0x70: {  	v41 =	vor.u32 v3, v46;
	v42 =	vld [tilespmem:s11+$0xFFFFFC80];
	_ =	sdelay $0x3  }
0x71: {  	v47 =	vadd.s32 v18, v40  }
0x72: {  	v48 =	vand.u32 $0xFFFFFFF8, v47;
	[tilespmem:v41+s23+$0x0] =	vst.idx.msk $0xffff, v42  }
0x73: {  	v41 =	vor.u32 v5, v48;
	v42 =	vld [tilespmem:s11+$0xFFFFFD00];
	_ =	sdelay $0x3  }
0x74: {  	v49 =	vadd.s32 v19, v40  }
0x75: {  	v50 =	vand.u32 $0xFFFFFFF8, v49;
	[tilespmem:v41+s23+$0x0] =	vst.idx.msk $0xffff, v42  }
0x76: {  	v41 =	vor.u32 v7, v50;
	v42 =	vld [tilespmem:s11+$0xFFFFFD80];
	_ =	sdelay $0x3  }
0x77: {  	v51 =	vadd.s32 v20, v40  }
0x78: {  	v52 =	vand.u32 $0xFFFFFFF8, v51;
	[tilespmem:v41+s23+$0x0] =	vst.idx.msk $0xffff, v42  }
0x79: {  	v41 =	vor.u32 v9, v52;
	v42 =	vld [tilespmem:s11+$0xFFFFFE00];
	_ =	sdelay $0x3  }
0x7a: {  	v53 =	vadd.s32 v21, v40  }
0x7b: {  	v54 =	vand.u32 $0xFFFFFFF8, v53;
	[tilespmem:v41+s23+$0x0] =	vst.idx.msk $0xffff, v42  }
0x7c: {  	v41 =	vor.u32 v11, v54;
	v42 =	vld [tilespmem:s11+$0xFFFFFE80];
	_ =	sdelay $0x3  }
0x7d: {  	v55 =	vadd.s32 v22, v40  }
0x7e: {  	v56 =	vand.u32 $0xFFFFFFF8, v55;
	[tilespmem:v41+s23+$0x0] =	vst.idx.msk $0xffff, v42  }
0x7f: {  	v41 =	vor.u32 v13, v56;
	v42 =	vld [tilespmem:s11+$0xFFFFFF00];
	_ =	sdelay $0x3  }
0x80: {  	v57 =	vadd.s32 v23, v40  }
0x81: {  	v58 =	vand.u32 $0xFFFFFFF8, v57;
	[tilespmem:v41+s23+$0x0] =	vst.idx.msk $0xffff, v42  }
0x82: {  	v41 =	vor.u32 v15, v58;
	v42 =	vld [tilespmem:s11+$0xFFFFFF80];
	_ =	sdelay $0x3  }
0x83: {  	v59 =	vadd.s32 v24, v40  }
0x84: {  	v60 =	vand.u32 $0xFFFFFFF8, v59;
	[tilespmem:v41+s23+$0x0] =	vst.idx.msk $0xffff, v42  }
0x85: {  	v41 =	vor.u32 v1, v60;
	v42 =	vld [tilespmem:s11+$0x0];
	_ =	sdelay $0x3  }
0x86: {  	v61 =	vadd.s32 v25, v40  }
0x87: {  	v62 =	vand.u32 $0xFFFFFFF8, v61;
	[tilespmem:v41+s23+$0x0] =	vst.idx.msk $0xffff, v42  }
0x88: {  	v41 =	vor.u32 v3, v62;
	v42 =	vld [tilespmem:s11+$0x80];
	_ =	sdelay $0x3  }
0x89: {  	v63 =	vadd.s32 v26, v40  }
0x8a: {  	v45 =	vand.u32 $0xFFFFFFF8, v63;
	[tilespmem:v41+s23+$0x0] =	vst.idx.msk $0xffff, v42  }
0x8b: {  	v41 =	vor.u32 v5, v45;
	v42 =	vld [tilespmem:s11+$0x100];
	_ =	sdelay $0x3  }
0x8c: {  	v46 =	vadd.s32 v27, v40  }
0x8d: {  	v47 =	vand.u32 $0xFFFFFFF8, v46;
	[tilespmem:v41+s23+$0x0] =	vst.idx.msk $0xffff, v42  }
0x8e: {  	v41 =	vor.u32 v7, v47;
	v42 =	vld [tilespmem:s11+$0x180];
	_ =	sdelay $0x3  }
0x8f: {  	v48 =	vadd.s32 v28, v40  }
0x90: {  	v49 =	vand.u32 $0xFFFFFFF8, v48;
	[tilespmem:v41+s23+$0x0] =	vst.idx.msk $0xffff, v42  }
0x91: {  	v41 =	vor.u32 v9, v49;
	v42 =	vld [tilespmem:s11+$0x200];
	_ =	sdelay $0x3  }
0x92: {  	v50 =	vadd.s32 v29, v40  }
0x93: {  	v51 =	vand.u32 $0xFFFFFFF8, v50;
	[tilespmem:v41+s23+$0x0] =	vst.idx.msk $0xffff, v42  }
0x94: {  	v41 =	vor.u32 v11, v51;
	v42 =	vld [tilespmem:s11+$0x280];
	_ =	sdelay $0x3  }
0x95: {  	v52 =	vadd.s32 v30, v40  }
0x96: {  	v53 =	vand.u32 $0xFFFFFFF8, v52;
	[tilespmem:v41+s23+$0x0] =	vst.idx.msk $0xffff, v42  }
0x97: {  	v41 =	vor.u32 v13, v53;
	v42 =	vld [tilespmem:s11+$0x300];
	_ =	sdelay $0x3  }
0x98: {  	v54 =	vadd.s32 v31, v40  }
0x99: {  	v55 =	vand.u32 $0xFFFFFFF8, v54;
	[tilespmem:v41+s23+$0x0] =	vst.idx.msk $0xffff, v42  }
0x9a: {  	v41 =	vor.u32 v15, v55;
	v42 =	vld [tilespmem:s11+$0x380];
	_ =	sdelay $0x3  }
0x9b: {  	v56 =	vadd.s32 v32, v40  }
0x9c: {  	v57 =	vand.u32 $0xFFFFFFF8, v56;
	[tilespmem:v41+s23+$0x0] =	vst.idx.msk $0xffff, v42  }
0x9d: {  	v41 =	vor.u32 v1, v57;
	v42 =	vld [tilespmem:s11+$0x400];
	_ =	sdelay $0x3  }
0x9e: {  	v58 =	vadd.s32 v33, v40  }
0x9f: {  	v59 =	vand.u32 $0xFFFFFFF8, v58;
	[tilespmem:v41+s23+$0x0] =	vst.idx.msk $0xffff, v42  }
0xa0: {  	v41 =	vor.u32 v3, v59;
	v42 =	vld [tilespmem:s11+$0x480];
	_ =	sdelay $0x3  }
0xa1: {  	v60 =	vadd.s32 v34, v40  }
0xa2: {  	v61 =	vand.u32 $0xFFFFFFF8, v60;
	[tilespmem:v41+s23+$0x0] =	vst.idx.msk $0xffff, v42  }
0xa3: {  	v41 =	vor.u32 v5, v61;
	v42 =	vld [tilespmem:s11+$0x500];
	_ =	sdelay $0x3  }
0xa4: {  	v62 =	vadd.s32 v35, v40  }
0xa5: {  	v63 =	vand.u32 $0xFFFFFFF8, v62;
	[tilespmem:v41+s23+$0x0] =	vst.idx.msk $0xffff, v42  }
0xa6: {  	v41 =	vor.u32 v7, v63;
	v42 =	vld [tilespmem:s11+$0x580];
	_ =	sdelay $0x3  }
0xa7: {  	v45 =	vadd.s32 v36, v40  }
0xa8: {  	v46 =	vand.u32 $0xFFFFFFF8, v45;
	[tilespmem:v41+s23+$0x0] =	vst.idx.msk $0xffff, v42  }
0xa9: {  	v41 =	vor.u32 v9, v46;
	v42 =	vld [tilespmem:s11+$0x600];
	_ =	sdelay $0x3  }
0xaa: {  	v47 =	vadd.s32 v37, v40  }
0xab: {  	v48 =	vand.u32 $0xFFFFFFF8, v47;
	[tilespmem:v41+s23+$0x0] =	vst.idx.msk $0xffff, v42  }
0xac: {  	v41 =	vor.u32 v11, v48;
	v42 =	vld [tilespmem:s11+$0x680];
	_ =	sdelay $0x3  }
0xad: {  	v49 =	vadd.s32 v38, v40  }
0xae: {  	v50 =	vand.u32 $0xFFFFFFF8, v49;
	[tilespmem:v41+s23+$0x0] =	vst.idx.msk $0xffff, v42  }
0xaf: {  	v41 =	vor.u32 v13, v50;
	v42 =	vld [tilespmem:s11+$0x700];
	_ =	sdelay $0x3  }
0xb0: {  	v40 =	vadd.s32 v39, v40  }
0xb1: {  	v40 =	vand.u32 $0xFFFFFFF8, v40;
	[tilespmem:v41+s23+$0x0] =	vst.idx.msk $0xffff, v42  }
0xb2: {  	s16 =	simm.s32 $0x10;
	v51 =	vor.u32 v15, v40;
	v41 =	vld [tilespmem:s11+$0x780]  }
0xb3: {  	v52 =	vmov s16  }
0xb4: {  	v40 =	vmul.u32 $0x21, v52;
	_ =	sdelay $0x1  }
0xb5: {  	v40 =	vbroadcast v40, $0x0  }
0xb6: {  	[tilespmem:v51+s23+$0x0] =	vst.idx.msk $0xffff, v41  }
0xb7: {  	v53 =	vadd.s32 v0, v40;
	v42 =	vld [tilespmem:s11+$0xFFFFF810];
	_ =	sdelay $0x4  }
0xb8: {  	[tilespmem:v53+s23+$0x0] =	vst.idx.msk $0xffff, v42  }
0xb9: {  	v54 =	vadd.s32 v2, v40;
	v41 =	vld [tilespmem:s11+$0xFFFFF890];
	_ =	sdelay $0x4  }
0xba: {  	[tilespmem:v54+s23+$0x0] =	vst.idx.msk $0xffff, v41  }
0xbb: {  	v55 =	vadd.s32 v4, v40;
	v41 =	vld [tilespmem:s11+$0xFFFFF910];
	_ =	sdelay $0x4  }
0xbc: {  	[tilespmem:v55+s23+$0x0] =	vst.idx.msk $0xffff, v41  }
0xbd: {  	v56 =	vadd.s32 v6, v40;
	v41 =	vld [tilespmem:s11+$0xFFFFF990];
	_ =	sdelay $0x4  }
0xbe: {  	[tilespmem:v56+s23+$0x0] =	vst.idx.msk $0xffff, v41  }
0xbf: {  	v57 =	vadd.s32 v8, v40;
	v41 =	vld [tilespmem:s11+$0xFFFFFA10];
	_ =	sdelay $0x4  }
0xc0: {  	[tilespmem:v57+s23+$0x0] =	vst.idx.msk $0xffff, v41  }
0xc1: {  	v58 =	vadd.s32 v10, v40;
	v41 =	vld [tilespmem:s11+$0xFFFFFA90];
	_ =	sdelay $0x4  }
0xc2: {  	[tilespmem:v58+s23+$0x0] =	vst.idx.msk $0xffff, v41  }
0xc3: {  	v59 =	vadd.s32 v12, v40;
	v41 =	vld [tilespmem:s11+$0xFFFFFB10];
	_ =	sdelay $0x4  }
0xc4: {  	[tilespmem:v59+s23+$0x0] =	vst.idx.msk $0xffff, v41  }
0xc5: {  	v60 =	vadd.s32 v14, v40;
	v41 =	vld [tilespmem:s11+$0xFFFFFB90];
	_ =	sdelay $0x4  }
0xc6: {  	[tilespmem:v60+s23+$0x0] =	vst.idx.msk $0xffff, v41  }
0xc7: {  	v61 =	vadd.s32 v16, v40;
	v41 =	vld [tilespmem:s11+$0xFFFFFC10];
	_ =	sdelay $0x4  }
0xc8: {  	[tilespmem:v61+s23+$0x0] =	vst.idx.msk $0xffff, v41  }
0xc9: {  	v62 =	vadd.s32 v17, v40;
	v41 =	vld [tilespmem:s11+$0xFFFFFC90];
	_ =	sdelay $0x4  }
0xca: {  	[tilespmem:v62+s23+$0x0] =	vst.idx.msk $0xffff, v41  }
0xcb: {  	v63 =	vadd.s32 v18, v40;
	v41 =	vld [tilespmem:s11+$0xFFFFFD10];
	_ =	sdelay $0x4  }
0xcc: {  	[tilespmem:v63+s23+$0x0] =	vst.idx.msk $0xffff, v41  }
0xcd: {  	v45 =	vadd.s32 v19, v40;
	v41 =	vld [tilespmem:s11+$0xFFFFFD90];
	_ =	sdelay $0x4  }
0xce: {  	[tilespmem:v45+s23+$0x0] =	vst.idx.msk $0xffff, v41  }
0xcf: {  	v46 =	vadd.s32 v20, v40;
	v41 =	vld [tilespmem:s11+$0xFFFFFE10];
	_ =	sdelay $0x4  }
0xd0: {  	[tilespmem:v46+s23+$0x0] =	vst.idx.msk $0xffff, v41  }
0xd1: {  	v47 =	vadd.s32 v21, v40;
	v41 =	vld [tilespmem:s11+$0xFFFFFE90];
	_ =	sdelay $0x4  }
0xd2: {  	[tilespmem:v47+s23+$0x0] =	vst.idx.msk $0xffff, v41  }
0xd3: {  	v48 =	vadd.s32 v22, v40;
	v41 =	vld [tilespmem:s11+$0xFFFFFF10];
	_ =	sdelay $0x4  }
0xd4: {  	[tilespmem:v48+s23+$0x0] =	vst.idx.msk $0xffff, v41  }
0xd5: {  	v49 =	vadd.s32 v23, v40;
	v41 =	vld [tilespmem:s11+$0xFFFFFF90];
	_ =	sdelay $0x4  }
0xd6: {  	[tilespmem:v49+s23+$0x0] =	vst.idx.msk $0xffff, v41  }
0xd7: {  	v50 =	vadd.s32 v24, v40;
	v41 =	vld [tilespmem:s11+$0x10];
	_ =	sdelay $0x4  }
0xd8: {  	[tilespmem:v50+s23+$0x0] =	vst.idx.msk $0xffff, v41  }
0xd9: {  	v51 =	vadd.s32 v25, v40;
	v41 =	vld [tilespmem:s11+$0x90];
	_ =	sdelay $0x4  }
0xda: {  	[tilespmem:v51+s23+$0x0] =	vst.idx.msk $0xffff, v41  }
0xdb: {  	v52 =	vadd.s32 v26, v40;
	v41 =	vld [tilespmem:s11+$0x110];
	_ =	sdelay $0x4  }
0xdc: {  	[tilespmem:v52+s23+$0x0] =	vst.idx.msk $0xffff, v41  }
0xdd: {  	v53 =	vadd.s32 v27, v40;
	v41 =	vld [tilespmem:s11+$0x190];
	_ =	sdelay $0x4  }
0xde: {  	[tilespmem:v53+s23+$0x0] =	vst.idx.msk $0xffff, v41  }
0xdf: {  	v54 =	vadd.s32 v28, v40;
	v41 =	vld [tilespmem:s11+$0x210];
	_ =	sdelay $0x4  }
0xe0: {  	[tilespmem:v54+s23+$0x0] =	vst.idx.msk $0xffff, v41  }
0xe1: {  	v55 =	vadd.s32 v29, v40;
	v41 =	vld [tilespmem:s11+$0x290];
	_ =	sdelay $0x4  }
0xe2: {  	[tilespmem:v55+s23+$0x0] =	vst.idx.msk $0xffff, v41  }
0xe3: {  	v56 =	vadd.s32 v30, v40;
	v41 =	vld [tilespmem:s11+$0x310];
	_ =	sdelay $0x4  }
0xe4: {  	[tilespmem:v56+s23+$0x0] =	vst.idx.msk $0xffff, v41  }
0xe5: {  	v57 =	vadd.s32 v31, v40;
	v41 =	vld [tilespmem:s11+$0x390];
	_ =	sdelay $0x4  }
0xe6: {  	[tilespmem:v57+s23+$0x0] =	vst.idx.msk $0xffff, v41  }
0xe7: {  	v58 =	vadd.s32 v32, v40;
	v41 =	vld [tilespmem:s11+$0x410];
	_ =	sdelay $0x4  }
0xe8: {  	[tilespmem:v58+s23+$0x0] =	vst.idx.msk $0xffff, v41  }
0xe9: {  	v59 =	vadd.s32 v33, v40;
	v41 =	vld [tilespmem:s11+$0x490];
	_ =	sdelay $0x4  }
0xea: {  	[tilespmem:v59+s23+$0x0] =	vst.idx.msk $0xffff, v41  }
0xeb: {  	v60 =	vadd.s32 v34, v40;
	v41 =	vld [tilespmem:s11+$0x510];
	_ =	sdelay $0x4  }
0xec: {  	[tilespmem:v60+s23+$0x0] =	vst.idx.msk $0xffff, v41  }
0xed: {  	v61 =	vadd.s32 v35, v40;
	v41 =	vld [tilespmem:s11+$0x590];
	_ =	sdelay $0x4  }
0xee: {  	[tilespmem:v61+s23+$0x0] =	vst.idx.msk $0xffff, v41  }
0xef: {  	v62 =	vadd.s32 v36, v40;
	v41 =	vld [tilespmem:s11+$0x610];
	_ =	sdelay $0x4  }
0xf0: {  	[tilespmem:v62+s23+$0x0] =	vst.idx.msk $0xffff, v41  }
0xf1: {  	v63 =	vadd.s32 v37, v40;
	v41 =	vld [tilespmem:s11+$0x690];
	_ =	sdelay $0x4  }
0xf2: {  	[tilespmem:v63+s23+$0x0] =	vst.idx.msk $0xffff, v41  }
0xf3: {  	v42 =	vadd.s32 v38, v40;
	v41 =	vld [tilespmem:s11+$0x710];
	_ =	sdelay $0x3  }
0xf4: {  	s29 =	simm.s32 $0x0;
	s31 =	simm.s32 $0x20  }
.LBB2_3:
0xf5: {  	v43 =	vmov s31;
	s29 =	sadd.s32 $0x2, s29;
	[tilespmem:v42+s23+$0x0] =	vst.idx.msk $0xffff, v41  }
0xf6: {  	v41 =	vmul.u32 $0x21, v43;
	p2 =	slt.u32 s29, $0x6;
	v42 =	vld [tilespmem:s11+$0x790];
	v43 =	vadd.s32 v39, v40;
	_ =	sdelay $0x1  }
0xf7: {  	v40 =	vbroadcast v41, $0x0;
	_ =	sdelay $0x1  }
0xf8: {  	s12 =	simm.s32 $0x60C0;
	s16 =	simm.s32 $0x5042;
	s14 =	simm.s32 $0x90B0;
	v41 =	vadd.s32 v0, v40  }
0xf9: {  	s15 =	simm.s32 $0x70C0;
	s11 =	sadd.s32 $0x20, s11;
	v41 =	vand.u32 $0xFFFFFFF8, v41;
	[tilespmem:v43+s23+$0x0] =	vst.idx.msk $0xffff, v42  }
0xfa: {  	v42 =	vld [tilespmem:s11+$0xFFFFF800];
	v41 =	vor.u32 v1, v41;
	_ =	sdelay $0x3  }
0xfb: {  	v43 =	vadd.s32 v2, v40  }
0xfc: {  	[tilespmem:v41+s23+$0x0] =	vst.idx.msk $0xffff, v42;
	v41 =	vand.u32 $0xFFFFFFF8, v43  }
0xfd: {  	v42 =	vld [tilespmem:s11+$0xFFFFF880];
	v41 =	vor.u32 v3, v41;
	_ =	sdelay $0x3  }
0xfe: {  	v43 =	vadd.s32 v4, v40  }
0xff: {  	[tilespmem:v41+s23+$0x0] =	vst.idx.msk $0xffff, v42;
	v41 =	vand.u32 $0xFFFFFFF8, v43  }
0x100: {  	v42 =	vld [tilespmem:s11+$0xFFFFF900];
	v41 =	vor.u32 v5, v41;
	_ =	sdelay $0x3  }
0x101: {  	v43 =	vadd.s32 v6, v40  }
0x102: {  	[tilespmem:v41+s23+$0x0] =	vst.idx.msk $0xffff, v42;
	v41 =	vand.u32 $0xFFFFFFF8, v43  }
0x103: {  	v42 =	vld [tilespmem:s11+$0xFFFFF980];
	v41 =	vor.u32 v7, v41;
	_ =	sdelay $0x3  }
0x104: {  	v43 =	vadd.s32 v8, v40  }
0x105: {  	[tilespmem:v41+s23+$0x0] =	vst.idx.msk $0xffff, v42;
	v41 =	vand.u32 $0xFFFFFFF8, v43  }
0x106: {  	v42 =	vld [tilespmem:s11+$0xFFFFFA00];
	v41 =	vor.u32 v9, v41;
	_ =	sdelay $0x3  }
0x107: {  	v43 =	vadd.s32 v10, v40  }
0x108: {  	[tilespmem:v41+s23+$0x0] =	vst.idx.msk $0xffff, v42;
	v41 =	vand.u32 $0xFFFFFFF8, v43  }
0x109: {  	v42 =	vld [tilespmem:s11+$0xFFFFFA80];
	v41 =	vor.u32 v11, v41;
	_ =	sdelay $0x3  }
0x10a: {  	v43 =	vadd.s32 v12, v40  }
0x10b: {  	[tilespmem:v41+s23+$0x0] =	vst.idx.msk $0xffff, v42;
	v41 =	vand.u32 $0xFFFFFFF8, v43  }
0x10c: {  	v42 =	vld [tilespmem:s11+$0xFFFFFB00];
	v41 =	vor.u32 v13, v41;
	_ =	sdelay $0x3  }
0x10d: {  	v43 =	vadd.s32 v14, v40  }
0x10e: {  	[tilespmem:v41+s23+$0x0] =	vst.idx.msk $0xffff, v42;
	v41 =	vand.u32 $0xFFFFFFF8, v43  }
0x10f: {  	v42 =	vld [tilespmem:s11+$0xFFFFFB80];
	v41 =	vor.u32 v15, v41;
	_ =	sdelay $0x3  }
0x110: {  	v43 =	vadd.s32 v16, v40  }
0x111: {  	[tilespmem:v41+s23+$0x0] =	vst.idx.msk $0xffff, v42;
	v41 =	vand.u32 $0xFFFFFFF8, v43  }
0x112: {  	v42 =	vld [tilespmem:s11+$0xFFFFFC00];
	v41 =	vor.u32 v1, v41;
	_ =	sdelay $0x3  }
0x113: {  	v43 =	vadd.s32 v17, v40  }
0x114: {  	[tilespmem:v41+s23+$0x0] =	vst.idx.msk $0xffff, v42;
	v41 =	vand.u32 $0xFFFFFFF8, v43  }
0x115: {  	v42 =	vld [tilespmem:s11+$0xFFFFFC80];
	v41 =	vor.u32 v3, v41;
	_ =	sdelay $0x3  }
0x116: {  	v43 =	vadd.s32 v18, v40  }
0x117: {  	[tilespmem:v41+s23+$0x0] =	vst.idx.msk $0xffff, v42;
	v41 =	vand.u32 $0xFFFFFFF8, v43  }
0x118: {  	v42 =	vld [tilespmem:s11+$0xFFFFFD00];
	v41 =	vor.u32 v5, v41;
	_ =	sdelay $0x3  }
0x119: {  	v43 =	vadd.s32 v19, v40  }
0x11a: {  	[tilespmem:v41+s23+$0x0] =	vst.idx.msk $0xffff, v42;
	v41 =	vand.u32 $0xFFFFFFF8, v43  }
0x11b: {  	v42 =	vld [tilespmem:s11+$0xFFFFFD80];
	v41 =	vor.u32 v7, v41;
	_ =	sdelay $0x3  }
0x11c: {  	v43 =	vadd.s32 v20, v40  }
0x11d: {  	[tilespmem:v41+s23+$0x0] =	vst.idx.msk $0xffff, v42;
	v41 =	vand.u32 $0xFFFFFFF8, v43  }
0x11e: {  	v42 =	vld [tilespmem:s11+$0xFFFFFE00];
	v41 =	vor.u32 v9, v41;
	_ =	sdelay $0x3  }
0x11f: {  	v43 =	vadd.s32 v21, v40  }
0x120: {  	[tilespmem:v41+s23+$0x0] =	vst.idx.msk $0xffff, v42;
	v41 =	vand.u32 $0xFFFFFFF8, v43  }
0x121: {  	v42 =	vld [tilespmem:s11+$0xFFFFFE80];
	v41 =	vor.u32 v11, v41;
	_ =	sdelay $0x3  }
0x122: {  	v43 =	vadd.s32 v22, v40  }
0x123: {  	[tilespmem:v41+s23+$0x0] =	vst.idx.msk $0xffff, v42;
	v41 =	vand.u32 $0xFFFFFFF8, v43  }
0x124: {  	v42 =	vld [tilespmem:s11+$0xFFFFFF00];
	v41 =	vor.u32 v13, v41;
	_ =	sdelay $0x3  }
0x125: {  	v43 =	vadd.s32 v23, v40  }
0x126: {  	[tilespmem:v41+s23+$0x0] =	vst.idx.msk $0xffff, v42;
	v41 =	vand.u32 $0xFFFFFFF8, v43  }
0x127: {  	v42 =	vld [tilespmem:s11+$0xFFFFFF80];
	v41 =	vor.u32 v15, v41;
	_ =	sdelay $0x3  }
0x128: {  	v43 =	vadd.s32 v24, v40  }
0x129: {  	[tilespmem:v41+s23+$0x0] =	vst.idx.msk $0xffff, v42;
	v41 =	vand.u32 $0xFFFFFFF8, v43  }
0x12a: {  	v42 =	vld [tilespmem:s11+$0x0];
	v41 =	vor.u32 v1, v41;
	_ =	sdelay $0x3  }
0x12b: {  	v43 =	vadd.s32 v25, v40  }
0x12c: {  	[tilespmem:v41+s23+$0x0] =	vst.idx.msk $0xffff, v42;
	v41 =	vand.u32 $0xFFFFFFF8, v43  }
0x12d: {  	v42 =	vld [tilespmem:s11+$0x80];
	v41 =	vor.u32 v3, v41;
	_ =	sdelay $0x3  }
0x12e: {  	v43 =	vadd.s32 v26, v40  }
0x12f: {  	[tilespmem:v41+s23+$0x0] =	vst.idx.msk $0xffff, v42;
	v41 =	vand.u32 $0xFFFFFFF8, v43  }
0x130: {  	v42 =	vld [tilespmem:s11+$0x100];
	v41 =	vor.u32 v5, v41;
	_ =	sdelay $0x3  }
0x131: {  	v43 =	vadd.s32 v27, v40  }
0x132: {  	[tilespmem:v41+s23+$0x0] =	vst.idx.msk $0xffff, v42;
	v41 =	vand.u32 $0xFFFFFFF8, v43  }
0x133: {  	v42 =	vld [tilespmem:s11+$0x180];
	v41 =	vor.u32 v7, v41;
	_ =	sdelay $0x3  }
0x134: {  	v43 =	vadd.s32 v28, v40  }
0x135: {  	[tilespmem:v41+s23+$0x0] =	vst.idx.msk $0xffff, v42;
	v41 =	vand.u32 $0xFFFFFFF8, v43  }
0x136: {  	v42 =	vld [tilespmem:s11+$0x200];
	v41 =	vor.u32 v9, v41;
	_ =	sdelay $0x3  }
0x137: {  	v43 =	vadd.s32 v29, v40  }
0x138: {  	[tilespmem:v41+s23+$0x0] =	vst.idx.msk $0xffff, v42;
	v41 =	vand.u32 $0xFFFFFFF8, v43  }
0x139: {  	v42 =	vld [tilespmem:s11+$0x280];
	v41 =	vor.u32 v11, v41;
	_ =	sdelay $0x3  }
0x13a: {  	v43 =	vadd.s32 v30, v40  }
0x13b: {  	[tilespmem:v41+s23+$0x0] =	vst.idx.msk $0xffff, v42;
	v41 =	vand.u32 $0xFFFFFFF8, v43  }
0x13c: {  	v42 =	vld [tilespmem:s11+$0x300];
	v41 =	vor.u32 v13, v41;
	_ =	sdelay $0x3  }
0x13d: {  	v43 =	vadd.s32 v31, v40  }
0x13e: {  	[tilespmem:v41+s23+$0x0] =	vst.idx.msk $0xffff, v42;
	v41 =	vand.u32 $0xFFFFFFF8, v43  }
0x13f: {  	v42 =	vld [tilespmem:s11+$0x380];
	v41 =	vor.u32 v15, v41;
	_ =	sdelay $0x3  }
0x140: {  	v43 =	vadd.s32 v32, v40  }
0x141: {  	[tilespmem:v41+s23+$0x0] =	vst.idx.msk $0xffff, v42;
	v41 =	vand.u32 $0xFFFFFFF8, v43  }
0x142: {  	v42 =	vld [tilespmem:s11+$0x400];
	v41 =	vor.u32 v1, v41;
	_ =	sdelay $0x3  }
0x143: {  	v43 =	vadd.s32 v33, v40  }
0x144: {  	[tilespmem:v41+s23+$0x0] =	vst.idx.msk $0xffff, v42;
	v41 =	vand.u32 $0xFFFFFFF8, v43  }
0x145: {  	v42 =	vld [tilespmem:s11+$0x480];
	v41 =	vor.u32 v3, v41;
	_ =	sdelay $0x3  }
0x146: {  	v43 =	vadd.s32 v34, v40  }
0x147: {  	[tilespmem:v41+s23+$0x0] =	vst.idx.msk $0xffff, v42;
	v41 =	vand.u32 $0xFFFFFFF8, v43  }
0x148: {  	v42 =	vld [tilespmem:s11+$0x500];
	v41 =	vor.u32 v5, v41;
	_ =	sdelay $0x3  }
0x149: {  	v43 =	vadd.s32 v35, v40  }
0x14a: {  	[tilespmem:v41+s23+$0x0] =	vst.idx.msk $0xffff, v42;
	v41 =	vand.u32 $0xFFFFFFF8, v43  }
0x14b: {  	v42 =	vld [tilespmem:s11+$0x580];
	v41 =	vor.u32 v7, v41;
	_ =	sdelay $0x3  }
0x14c: {  	v43 =	vadd.s32 v36, v40  }
0x14d: {  	[tilespmem:v41+s23+$0x0] =	vst.idx.msk $0xffff, v42;
	v41 =	vand.u32 $0xFFFFFFF8, v43  }
0x14e: {  	v42 =	vld [tilespmem:s11+$0x600];
	v41 =	vor.u32 v9, v41;
	_ =	sdelay $0x3  }
0x14f: {  	v43 =	vadd.s32 v37, v40  }
0x150: {  	[tilespmem:v41+s23+$0x0] =	vst.idx.msk $0xffff, v42;
	v41 =	vand.u32 $0xFFFFFFF8, v43  }
0x151: {  	v42 =	vld [tilespmem:s11+$0x680];
	v41 =	vor.u32 v11, v41;
	_ =	sdelay $0x3  }
0x152: {  	v43 =	vadd.s32 v38, v40  }
0x153: {  	[tilespmem:v41+s23+$0x0] =	vst.idx.msk $0xffff, v42;
	v41 =	vand.u32 $0xFFFFFFF8, v43  }
0x154: {  	v42 =	vld [tilespmem:s11+$0x700];
	v41 =	vor.u32 v13, v41;
	_ =	sdelay $0x3  }
0x155: {  	v40 =	vadd.s32 v39, v40  }
0x156: {  	v40 =	vand.u32 $0xFFFFFFF8, v40;
	[tilespmem:v41+s23+$0x0] =	vst.idx.msk $0xffff, v42  }
0x157: {  	s8 =	sadd.s32 $0x10, s31;
	v42 =	vor.u32 v15, v40;
	v41 =	vld [tilespmem:s11+$0x780]  }
0x158: {  	v40 =	vmov s8  }
0x159: {  	v40 =	vmul.u32 $0x21, v40;
	_ =	sdelay $0x1  }
0x15a: {  	v40 =	vbroadcast v40, $0x0  }
0x15b: {  	[tilespmem:v42+s23+$0x0] =	vst.idx.msk $0xffff, v41  }
0x15c: {  	v41 =	vadd.s32 v0, v40;
	v42 =	vld [tilespmem:s11+$0xFFFFF810];
	_ =	sdelay $0x4  }
0x15d: {  	[tilespmem:v41+s23+$0x0] =	vst.idx.msk $0xffff, v42  }
0x15e: {  	v42 =	vadd.s32 v2, v40;
	v41 =	vld [tilespmem:s11+$0xFFFFF890];
	_ =	sdelay $0x4  }
0x15f: {  	[tilespmem:v42+s23+$0x0] =	vst.idx.msk $0xffff, v41  }
0x160: {  	v42 =	vadd.s32 v4, v40;
	v41 =	vld [tilespmem:s11+$0xFFFFF910];
	_ =	sdelay $0x4  }
0x161: {  	[tilespmem:v42+s23+$0x0] =	vst.idx.msk $0xffff, v41  }
0x162: {  	v42 =	vadd.s32 v6, v40;
	v41 =	vld [tilespmem:s11+$0xFFFFF990];
	_ =	sdelay $0x4  }
0x163: {  	[tilespmem:v42+s23+$0x0] =	vst.idx.msk $0xffff, v41  }
0x164: {  	v42 =	vadd.s32 v8, v40;
	v41 =	vld [tilespmem:s11+$0xFFFFFA10];
	_ =	sdelay $0x4  }
0x165: {  	[tilespmem:v42+s23+$0x0] =	vst.idx.msk $0xffff, v41  }
0x166: {  	v42 =	vadd.s32 v10, v40;
	v41 =	vld [tilespmem:s11+$0xFFFFFA90];
	_ =	sdelay $0x4  }
0x167: {  	[tilespmem:v42+s23+$0x0] =	vst.idx.msk $0xffff, v41  }
0x168: {  	v42 =	vadd.s32 v12, v40;
	v41 =	vld [tilespmem:s11+$0xFFFFFB10];
	_ =	sdelay $0x4  }
0x169: {  	[tilespmem:v42+s23+$0x0] =	vst.idx.msk $0xffff, v41  }
0x16a: {  	v42 =	vadd.s32 v14, v40;
	v41 =	vld [tilespmem:s11+$0xFFFFFB90];
	_ =	sdelay $0x4  }
0x16b: {  	[tilespmem:v42+s23+$0x0] =	vst.idx.msk $0xffff, v41  }
0x16c: {  	v42 =	vadd.s32 v16, v40;
	v41 =	vld [tilespmem:s11+$0xFFFFFC10];
	_ =	sdelay $0x4  }
0x16d: {  	[tilespmem:v42+s23+$0x0] =	vst.idx.msk $0xffff, v41  }
0x16e: {  	v42 =	vadd.s32 v17, v40;
	v41 =	vld [tilespmem:s11+$0xFFFFFC90];
	_ =	sdelay $0x4  }
0x16f: {  	[tilespmem:v42+s23+$0x0] =	vst.idx.msk $0xffff, v41  }
0x170: {  	v42 =	vadd.s32 v18, v40;
	v41 =	vld [tilespmem:s11+$0xFFFFFD10];
	_ =	sdelay $0x4  }
0x171: {  	[tilespmem:v42+s23+$0x0] =	vst.idx.msk $0xffff, v41  }
0x172: {  	v42 =	vadd.s32 v19, v40;
	v41 =	vld [tilespmem:s11+$0xFFFFFD90];
	_ =	sdelay $0x4  }
0x173: {  	[tilespmem:v42+s23+$0x0] =	vst.idx.msk $0xffff, v41  }
0x174: {  	v42 =	vadd.s32 v20, v40;
	v41 =	vld [tilespmem:s11+$0xFFFFFE10];
	_ =	sdelay $0x4  }
0x175: {  	[tilespmem:v42+s23+$0x0] =	vst.idx.msk $0xffff, v41  }
0x176: {  	v42 =	vadd.s32 v21, v40;
	v41 =	vld [tilespmem:s11+$0xFFFFFE90];
	_ =	sdelay $0x4  }
0x177: {  	[tilespmem:v42+s23+$0x0] =	vst.idx.msk $0xffff, v41  }
0x178: {  	v42 =	vadd.s32 v22, v40;
	v41 =	vld [tilespmem:s11+$0xFFFFFF10];
	_ =	sdelay $0x4  }
0x179: {  	[tilespmem:v42+s23+$0x0] =	vst.idx.msk $0xffff, v41  }
0x17a: {  	v42 =	vadd.s32 v23, v40;
	v41 =	vld [tilespmem:s11+$0xFFFFFF90];
	_ =	sdelay $0x4  }
0x17b: {  	[tilespmem:v42+s23+$0x0] =	vst.idx.msk $0xffff, v41  }
0x17c: {  	v42 =	vadd.s32 v24, v40;
	v41 =	vld [tilespmem:s11+$0x10];
	_ =	sdelay $0x4  }
0x17d: {  	[tilespmem:v42+s23+$0x0] =	vst.idx.msk $0xffff, v41  }
0x17e: {  	v42 =	vadd.s32 v25, v40;
	v41 =	vld [tilespmem:s11+$0x90];
	_ =	sdelay $0x4  }
0x17f: {  	[tilespmem:v42+s23+$0x0] =	vst.idx.msk $0xffff, v41  }
0x180: {  	v42 =	vadd.s32 v26, v40;
	v41 =	vld [tilespmem:s11+$0x110];
	_ =	sdelay $0x4  }
0x181: {  	[tilespmem:v42+s23+$0x0] =	vst.idx.msk $0xffff, v41  }
0x182: {  	v42 =	vadd.s32 v27, v40;
	v41 =	vld [tilespmem:s11+$0x190];
	_ =	sdelay $0x4  }
0x183: {  	[tilespmem:v42+s23+$0x0] =	vst.idx.msk $0xffff, v41  }
0x184: {  	v42 =	vadd.s32 v28, v40;
	v41 =	vld [tilespmem:s11+$0x210];
	_ =	sdelay $0x4  }
0x185: {  	[tilespmem:v42+s23+$0x0] =	vst.idx.msk $0xffff, v41  }
0x186: {  	v42 =	vadd.s32 v29, v40;
	v41 =	vld [tilespmem:s11+$0x290];
	_ =	sdelay $0x4  }
0x187: {  	[tilespmem:v42+s23+$0x0] =	vst.idx.msk $0xffff, v41  }
0x188: {  	v42 =	vadd.s32 v30, v40;
	v41 =	vld [tilespmem:s11+$0x310];
	_ =	sdelay $0x4  }
0x189: {  	[tilespmem:v42+s23+$0x0] =	vst.idx.msk $0xffff, v41  }
0x18a: {  	v42 =	vadd.s32 v31, v40;
	v41 =	vld [tilespmem:s11+$0x390];
	_ =	sdelay $0x4  }
0x18b: {  	[tilespmem:v42+s23+$0x0] =	vst.idx.msk $0xffff, v41  }
0x18c: {  	v42 =	vadd.s32 v32, v40;
	v41 =	vld [tilespmem:s11+$0x410];
	_ =	sdelay $0x4  }
0x18d: {  	[tilespmem:v42+s23+$0x0] =	vst.idx.msk $0xffff, v41  }
0x18e: {  	v42 =	vadd.s32 v33, v40;
	v41 =	vld [tilespmem:s11+$0x490];
	_ =	sdelay $0x4  }
0x18f: {  	[tilespmem:v42+s23+$0x0] =	vst.idx.msk $0xffff, v41  }
0x190: {  	v42 =	vadd.s32 v34, v40;
	v41 =	vld [tilespmem:s11+$0x510];
	_ =	sdelay $0x4  }
0x191: {  	[tilespmem:v42+s23+$0x0] =	vst.idx.msk $0xffff, v41  }
0x192: {  	v42 =	vadd.s32 v35, v40;
	v41 =	vld [tilespmem:s11+$0x590];
	_ =	sdelay $0x4  }
0x193: {  	[tilespmem:v42+s23+$0x0] =	vst.idx.msk $0xffff, v41  }
0x194: {  	v42 =	vadd.s32 v36, v40;
	v41 =	vld [tilespmem:s11+$0x610];
	_ =	sdelay $0x4  }
0x195: {  	[tilespmem:v42+s23+$0x0] =	vst.idx.msk $0xffff, v41  }
0x196: {  	v42 =	vadd.s32 v37, v40;
	v41 =	vld [tilespmem:s11+$0x690];
	_ =	sdelay $0x4  }
0x197: {  	[tilespmem:v42+s23+$0x0] =	vst.idx.msk $0xffff, v41  }
.Ltmp2:
0x198: {  	v42 =	vadd.s32 v38, v40;
	v41 =	vld [tilespmem:s11+$0x710];
	(pc) =	sbr.rel @p2 .LBB2_3-.Ltmp2, $2  }
0x199: {  	_ =	sdelay $0x2  }
0x19a: {  	s31 =	sadd.s32 $0x20, s31  }
0x19b: {  	_ =	sdelay $0x3  }
0x19c: {  	[tilespmem:v42+s23+$0x0] =	vst.idx.msk $0xffff, v41  }
0x19d: {  	v40 =	vadd.s32 v39, v40;
	v41 =	vld [tilespmem:s11+$0x790];
	_ =	sdelay $0x4  }
0x19e: {  	[tilespmem:v40+s23+$0x0] =	vst.idx.msk $0xffff, v41  }
0x19f: {  	v40 =	vld [tilespmem:s15+$0xFFFFFFD0]  }
0x1a0: {  	v41 =	vld [tilespmem:s12+$0xFFFFFFD0]  }
0x1a1: {  	v42 =	vld [tilespmem:s15+$0xFFFFFFC0]  }
0x1a2: {  	s8 =	sand.u32 $0xFFC, s10;
	v43 =	vld [tilespmem:s12+$0xFFFFFFC0]  }
0x1a3: {  	v44 =	vld [tilespmem:s8+$0x5010]  }
0x1a4: {  	v45 =	vld [tilespmem:s16+$0xFFFFFFBE];
	_ =	sdelay $0x2  }
0x1a5: {  	v40 =	vadd.f32 v40, v41;
	v53 =	vadd.f32 v42, v43;
	_ =	sdelay $0x1  }
0x1a6: {  	v40 =	vadd.f32 v40, v44;
	v41 =	vadd.f32 v53, v45;
	_ =	sdelay $0x1  }
0x1a7: {  	v41 =	vmax.f32 v41, $0.0e+00;
	v40 =	vmax.f32 v40, $0.0e+00  }
0x1a8: {  	v40 =	vpack.i.f32.bf16 v40, v41  }
0x1a9: {  	[tilespmem:s14+$0xFFFFFFD0] =	vst v40  }
0x1aa: {  	v40 =	vld [tilespmem:s15+$0xFFFFFFF0]  }
0x1ab: {  	v54 =	vld [tilespmem:s12+$0xFFFFFFE0]  }
0x1ac: {  	s11 =	simm.s32 $0x21;
	v55 =	vld [tilespmem:s12+$0xFFFFFFF0]  }
0x1ad: {  	s8 =	sand.u32 $0x1FFD, s11;
	v56 =	vld [tilespmem:s15+$0xFFFFFFE0]  }
0x1ae: {  	v57 =	vld [tilespmem:s8+$0x5010]  }
0x1af: {  	v58 =	vld [tilespmem:s16+$0xFFFFFFDF];
	_ =	sdelay $0x2  }
0x1b0: {  	v40 =	vadd.f32 v40, v55;
	v41 =	vadd.f32 v56, v54;
	_ =	sdelay $0x1  }
0x1b1: {  	v40 =	vadd.f32 v40, v57;
	v41 =	vadd.f32 v41, v58;
	_ =	sdelay $0x1  }
0x1b2: {  	v40 =	vmax.f32 v40, $0.0e+00;
	v41 =	vmax.f32 v41, $0.0e+00  }
0x1b3: {  	v40 =	vpack.i.f32.bf16 v40, v41  }
0x1b4: {  	[tilespmem:s14+$0xFFFFFFE8] =	vst v40  }
0x1b5: {  	v40 =	vld [tilespmem:s15+$0x10]  }
0x1b6: {  	v59 =	vld [tilespmem:s12+$0x0]  }
0x1b7: {  	v60 =	vld [tilespmem:s15+$0x0]  }
0x1b8: {  	s11 =	simm.s32 $0x42;
	v61 =	vld [tilespmem:s12+$0x10]  }
0x1b9: {  	s8 =	sand.u32 $0x1FFE, s11;
	v62 =	vld [tilespmem:s16+$0x0]  }
0x1ba: {  	v63 =	vld [tilespmem:s8+$0x5010];
	_ =	sdelay $0x2  }
0x1bb: {  	v41 =	vadd.f32 v60, v59;
	v40 =	vadd.f32 v40, v61;
	_ =	sdelay $0x1  }
0x1bc: {  	v41 =	vadd.f32 v41, v62;
	v40 =	vadd.f32 v40, v63;
	_ =	sdelay $0x1  }
0x1bd: {  	v41 =	vmax.f32 v41, $0.0e+00;
	v40 =	vmax.f32 v40, $0.0e+00  }
0x1be: {  	v40 =	vpack.i.f32.bf16 v40, v41  }
0x1bf: {  	[tilespmem:s14+$0x0] =	vst v40  }
0x1c0: {  	v40 =	vld [tilespmem:s12+$0x20]  }
0x1c1: {  	v41 =	vld [tilespmem:s15+$0x30]  }
0x1c2: {  	v42 =	vld [tilespmem:s15+$0x20]  }
0x1c3: {  	s29 =	simm.s32 $0x50C6;
	s11 =	simm.s32 $0x0;
	s8 =	simm.s32 $0x63;
	v43 =	vld [tilespmem:s12+$0x30]  }
0x1c4: {  	s31 =	sand.u32 $0x1FFF, s8;
	s12 =	simm.s32 $0x9110;
	v44 =	vld [tilespmem:s16+$0x21];
	s16 =	simm.s32 $0x6140  }
.LBB2_5:
0x1c5: {  	s11 =	sadd.s32 $0x4, s11;
	v45 =	vld [tilespmem:s31+$0x5010];
	s10 =	sadd.s32 $0x84, s10;
	s15 =	sadd.s32 $0x80, s15  }
0x1c6: {  	p2 =	slt.u32 s11, $0x7C  }
0x1c7: {  	v40 =	vadd.f32 v42, v40  }
0x1c8: {  	v41 =	vadd.f32 v41, v43  }
0x1c9: {  	v40 =	vadd.f32 v40, v44  }
0x1ca: {  	v41 =	vadd.f32 v41, v45  }
0x1cb: {  	v40 =	vmax.f32 v40, $0.0e+00  }
0x1cc: {  	v41 =	vmax.f32 v41, $0.0e+00  }
0x1cd: {  	v40 =	vpack.i.f32.bf16 v41, v40  }
0x1ce: {  	s8 =	sand.u32 $0xFFC, s10;
	[tilespmem:s14+$0x18] =	vst v40;
	s14 =	smov.u32 s12  }
0x1cf: {  	v40 =	vld [tilespmem:s8+$0x5010]  }
0x1d0: {  	v41 =	vld [tilespmem:s15+$0xFFFFFFD0]  }
0x1d1: {  	v42 =	vld [tilespmem:s16+$0xFFFFFFD0]  }
0x1d2: {  	v43 =	vld [tilespmem:s15+$0xFFFFFFC0]  }
0x1d3: {  	v44 =	vld [tilespmem:s16+$0xFFFFFFC0];
	_ =	sdelay $0x1  }
0x1d4: {  	v45 =	vld [tilespmem:s29+$0xFFFFFFBE]  }
0x1d5: {  	v41 =	vadd.f32 v41, v42;
	_ =	sdelay $0x1  }
0x1d6: {  	v42 =	vadd.f32 v43, v44;
	v40 =	vadd.f32 v41, v40;
	_ =	sdelay $0x1  }
0x1d7: {  	v41 =	vadd.f32 v42, v45;
	_ =	sdelay $0x1  }
0x1d8: {  	v40 =	vmax.f32 v40, $0.0e+00;
	v41 =	vmax.f32 v41, $0.0e+00  }
0x1d9: {  	v40 =	vpack.i.f32.bf16 v40, v41  }
0x1da: {  	[tilespmem:s12+$0xFFFFFFD0] =	vst v40  }
0x1db: {  	v40 =	vld [tilespmem:s15+$0xFFFFFFF0]  }
0x1dc: {  	v41 =	vld [tilespmem:s16+$0xFFFFFFE0]  }
0x1dd: {  	s8 =	sadd.s32 $0x21, s10;
	v42 =	vld [tilespmem:s16+$0xFFFFFFF0]  }
0x1de: {  	s8 =	sand.u32 $0x1FFD, s8;
	v43 =	vld [tilespmem:s15+$0xFFFFFFE0]  }
0x1df: {  	v44 =	vld [tilespmem:s8+$0x5010]  }
0x1e0: {  	v45 =	vld [tilespmem:s29+$0xFFFFFFDF];
	_ =	sdelay $0x1  }
0x1e1: {  	v40 =	vadd.f32 v40, v42  }
0x1e2: {  	v41 =	vadd.f32 v43, v41  }
0x1e3: {  	v40 =	vadd.f32 v40, v44  }
0x1e4: {  	v41 =	vadd.f32 v41, v45  }
0x1e5: {  	v40 =	vmax.f32 v40, $0.0e+00  }
0x1e6: {  	v41 =	vmax.f32 v41, $0.0e+00  }
0x1e7: {  	v40 =	vpack.i.f32.bf16 v40, v41  }
0x1e8: {  	[tilespmem:s12+$0xFFFFFFE8] =	vst v40  }
0x1e9: {  	v40 =	vld [tilespmem:s15+$0x10]  }
0x1ea: {  	v41 =	vld [tilespmem:s16+$0x0]  }
0x1eb: {  	v42 =	vld [tilespmem:s15+$0x0]  }
0x1ec: {  	s8 =	sadd.s32 $0x42, s10;
	v43 =	vld [tilespmem:s16+$0x10]  }
0x1ed: {  	s8 =	sand.u32 $0x1FFE, s8;
	v44 =	vld [tilespmem:s29+$0x0]  }
0x1ee: {  	v45 =	vld [tilespmem:s8+$0x5010];
	_ =	sdelay $0x1  }
0x1ef: {  	v41 =	vadd.f32 v42, v41  }
0x1f0: {  	v40 =	vadd.f32 v40, v43  }
0x1f1: {  	v41 =	vadd.f32 v41, v44  }
0x1f2: {  	v40 =	vadd.f32 v40, v45;
	_ =	sdelay $0x1  }
0x1f3: {  	v41 =	vmax.f32 v41, $0.0e+00;
	v40 =	vmax.f32 v40, $0.0e+00  }
0x1f4: {  	v40 =	vpack.i.f32.bf16 v40, v41  }
0x1f5: {  	[tilespmem:s12+$0x0] =	vst v40  }
.Ltmp3:
0x1f6: {  	v40 =	vld [tilespmem:s16+$0x20];
	(pc) =	sbr.rel @p2 .LBB2_5-.Ltmp3, $4  }
0x1f7: {  	v41 =	vld [tilespmem:s15+$0x30]  }
0x1f8: {  	v42 =	vld [tilespmem:s15+$0x20]  }
0x1f9: {  	s8 =	sadd.s32 $0x63, s10;
	s12 =	sadd.s32 $0x60, s12;
	v43 =	vld [tilespmem:s16+$0x30]  }
0x1fa: {  	s31 =	sand.u32 $0x1FFF, s8;
	s16 =	sadd.s32 $0x80, s16;
	v44 =	vld [tilespmem:s29+$0x21];
	s29 =	sadd.s32 $0x84, s29  }
0x1fb: {  	v45 =	vld [tilespmem:s31+$0x5010];
	_ =	sdelay $0x2  }
0x1fc: {  	v40 =	vadd.f32 v42, v40;
	v41 =	vadd.f32 v41, v43;
	_ =	sdelay $0x1  }
0x1fd: {  	v40 =	vadd.f32 v40, v44;
	v41 =	vadd.f32 v41, v45;
	_ =	sdelay $0x1  }
0x1fe: {  	s8 =	sshll.u32 s21, $0xA;
	v40 =	vmax.f32 v40, $0.0e+00;
	v41 =	vmax.f32 v41, $0.0e+00  }
0x1ff: {  	s10 =	sshra.s32 s8, $0x2;
	v40 =	vpack.i.f32.bf16 v41, v40  }
0x200: {  	p2 =	seq.s32 s21, $0x27;
	s8 =	sadd.s32 $0x2800, s10;
	[tilespmem:s14+$0x18] =	vst v40  }
0x201: {  	[spmem:s2] =	stream.indirect.scatter.add.bf16 [tilespmem:s19], [sflag:$0x4], $0x18, s8, s22, $0xb8;
	[tilespmem:$0x113C0] =	vst v63  }
0x202: {  	s12 =	simm.s32 @!p2 $0x80;
	s8 =	sadd.s32 @!p2 $0x2, s25  }
0x203: {  	s14 =	simm.s32 @!p2 $0x6080;
	s11 =	sshll.u32 @!p2 s8, $0x7;
	s8 =	sadd.s32 @!p2 s13, s8  }
0x204: {  	[tilespmem:s14], [sflag:$0x1] =	stream.indirect.gather @!p2 [hbm4b:s4+s12], $0x20, s11, s12, $0xb8;
	[tilespmem:$0x113C0] =	vst v63  }
0x205: {  	p3 =	sgt.u32 @!p2 s8, $0x9C3  }
0x206: {  	s11 =	sadd.s32 @!p2 $0x2800, s11;
	s14 =	simm.s32 @!p2 $0x7080;
	p3 =	por p3, p2  }
0x207: {  	[tilespmem:s14], [sflag:$0x2] =	stream.indirect.gather @!p2 [hbm4b:s5+s12], $0x20, s11, s12, $0xb8;
	[tilespmem:$0x113C0] =	vst v63  }
0x208: {  	s8 =	sshll.u32 @!p3 s8, $0x4;
	s11 =	simm.s32 @!p3 $0x80  }
0x209: {  	s12 =	simm.s32 @!p3 $0x4E200;
	s14 =	simm.s32 @!p3 $0x8080;
	s8 =	sadd.s32 @!p3 s6, s8  }
0x20a: {  	[tilespmem:s14], [sflag:$0x3] =	stream.strided.gather @!p3 [hbm4b:s8+s11], $0x1000, s12, s11, $0x38;
	[tilespmem:$0x113C0] =	vst v63  }
0x20b: {  	_ =	swait.ge [sflag:s24], $0x1000  }
0x20c: {  	[sflag:s24] =	ssyncset.done $0x0  }
0x20d: {  	[sflag:s24] =	ssyncadd.s32 $0xFFFFF000  }
0x20e: {  	_ =	swait.ge [sflag:s26], $0x1000  }
0x20f: {  	s11 =	simm.s32 $0x0;
	[sflag:s26] =	ssyncset.done $0x0  }
0x210: {  	s8 =	simm.s32 @!p0 $0x7;
	v45 =	vmov s11;
	[sflag:s26] =	ssyncadd.s32 $0xFFFFF000  }
0x211: {  	v40 =	vmul.u32 $0x21, v45;
	_ =	swait.ge @!p0 [sflag:s8], $0x1000  }
0x212: {  	[sflag:s8] =	ssyncset.done @!p0 $0x0  }
0x213: {  	v40 =	vbroadcast v40, $0x0;
	[sflag:s8] =	ssyncadd.s32 @!p0 $0xFFFFF000;
	s8 =	simm.s32 @!p1 $0x8  }
0x214: {  	_ =	swait.ge @!p1 [sflag:s8], $0xC00  }
0x215: {  	v46 =	vadd.s32 v0, v40;
	[sflag:s8] =	ssyncset.done @!p1 $0x0  }
0x216: {  	s14 =	simm.s32 $0xC480;
	v41 =	vand.u32 $0xFFFFFFF8, v46;
	[sflag:s8] =	ssyncadd.s32 @!p1 $0xFFFFF400  }
0x217: {  	v41 =	vor.u32 v1, v41;
	v47 =	vld [tilespmem:s14+$0xFFFFF800];
	_ =	sdelay $0x3  }
0x218: {  	v48 =	vadd.s32 v2, v40  }
0x219: {  	v49 =	vand.u32 $0xFFFFFFF8, v48;
	[tilespmem:v41+s23+$0x0] =	vst.idx.msk $0xffff, v47  }
0x21a: {  	v41 =	vor.u32 v3, v49;
	v42 =	vld [tilespmem:s14+$0xFFFFF880];
	_ =	sdelay $0x3  }
0x21b: {  	v50 =	vadd.s32 v4, v40  }
0x21c: {  	v51 =	vand.u32 $0xFFFFFFF8, v50;
	[tilespmem:v41+s23+$0x0] =	vst.idx.msk $0xffff, v42  }
0x21d: {  	v41 =	vor.u32 v5, v51;
	v42 =	vld [tilespmem:s14+$0xFFFFF900];
	_ =	sdelay $0x3  }
0x21e: {  	v52 =	vadd.s32 v6, v40  }
0x21f: {  	v53 =	vand.u32 $0xFFFFFFF8, v52;
	[tilespmem:v41+s23+$0x0] =	vst.idx.msk $0xffff, v42  }
0x220: {  	v41 =	vor.u32 v7, v53;
	v42 =	vld [tilespmem:s14+$0xFFFFF980];
	_ =	sdelay $0x3  }
0x221: {  	v54 =	vadd.s32 v8, v40  }
0x222: {  	v55 =	vand.u32 $0xFFFFFFF8, v54;
	[tilespmem:v41+s23+$0x0] =	vst.idx.msk $0xffff, v42  }
0x223: {  	v41 =	vor.u32 v9, v55;
	v42 =	vld [tilespmem:s14+$0xFFFFFA00];
	_ =	sdelay $0x3  }
0x224: {  	v56 =	vadd.s32 v10, v40  }
0x225: {  	v57 =	vand.u32 $0xFFFFFFF8, v56;
	[tilespmem:v41+s23+$0x0] =	vst.idx.msk $0xffff, v42  }
0x226: {  	v41 =	vor.u32 v11, v57;
	v42 =	vld [tilespmem:s14+$0xFFFFFA80];
	_ =	sdelay $0x3  }
0x227: {  	v58 =	vadd.s32 v12, v40  }
0x228: {  	v59 =	vand.u32 $0xFFFFFFF8, v58;
	[tilespmem:v41+s23+$0x0] =	vst.idx.msk $0xffff, v42  }
0x229: {  	v41 =	vor.u32 v13, v59;
	v42 =	vld [tilespmem:s14+$0xFFFFFB00];
	_ =	sdelay $0x3  }
0x22a: {  	v60 =	vadd.s32 v14, v40  }
0x22b: {  	v61 =	vand.u32 $0xFFFFFFF8, v60;
	[tilespmem:v41+s23+$0x0] =	vst.idx.msk $0xffff, v42  }
0x22c: {  	v41 =	vor.u32 v15, v61;
	v42 =	vld [tilespmem:s14+$0xFFFFFB80];
	_ =	sdelay $0x3  }
0x22d: {  	v62 =	vadd.s32 v16, v40  }
0x22e: {  	v63 =	vand.u32 $0xFFFFFFF8, v62;
	[tilespmem:v41+s23+$0x0] =	vst.idx.msk $0xffff, v42  }
0x22f: {  	v41 =	vor.u32 v1, v63;
	v42 =	vld [tilespmem:s14+$0xFFFFFC00];
	_ =	sdelay $0x3  }
0x230: {  	v45 =	vadd.s32 v17, v40  }
0x231: {  	v46 =	vand.u32 $0xFFFFFFF8, v45;
	[tilespmem:v41+s23+$0x0] =	vst.idx.msk $0xffff, v42  }
0x232: {  	v41 =	vor.u32 v3, v46;
	v42 =	vld [tilespmem:s14+$0xFFFFFC80];
	_ =	sdelay $0x3  }
0x233: {  	v47 =	vadd.s32 v18, v40  }
0x234: {  	v48 =	vand.u32 $0xFFFFFFF8, v47;
	[tilespmem:v41+s23+$0x0] =	vst.idx.msk $0xffff, v42  }
0x235: {  	v41 =	vor.u32 v5, v48;
	v42 =	vld [tilespmem:s14+$0xFFFFFD00];
	_ =	sdelay $0x3  }
0x236: {  	v49 =	vadd.s32 v19, v40  }
0x237: {  	v50 =	vand.u32 $0xFFFFFFF8, v49;
	[tilespmem:v41+s23+$0x0] =	vst.idx.msk $0xffff, v42  }
0x238: {  	v41 =	vor.u32 v7, v50;
	v42 =	vld [tilespmem:s14+$0xFFFFFD80];
	_ =	sdelay $0x3  }
0x239: {  	v51 =	vadd.s32 v20, v40  }
0x23a: {  	v52 =	vand.u32 $0xFFFFFFF8, v51;
	[tilespmem:v41+s23+$0x0] =	vst.idx.msk $0xffff, v42  }
0x23b: {  	v41 =	vor.u32 v9, v52;
	v42 =	vld [tilespmem:s14+$0xFFFFFE00];
	_ =	sdelay $0x3  }
0x23c: {  	v53 =	vadd.s32 v21, v40  }
0x23d: {  	v54 =	vand.u32 $0xFFFFFFF8, v53;
	[tilespmem:v41+s23+$0x0] =	vst.idx.msk $0xffff, v42  }
0x23e: {  	v41 =	vor.u32 v11, v54;
	v42 =	vld [tilespmem:s14+$0xFFFFFE80];
	_ =	sdelay $0x3  }
0x23f: {  	v55 =	vadd.s32 v22, v40  }
0x240: {  	v56 =	vand.u32 $0xFFFFFFF8, v55;
	[tilespmem:v41+s23+$0x0] =	vst.idx.msk $0xffff, v42  }
0x241: {  	v41 =	vor.u32 v13, v56;
	v42 =	vld [tilespmem:s14+$0xFFFFFF00];
	_ =	sdelay $0x3  }
0x242: {  	v57 =	vadd.s32 v23, v40  }
0x243: {  	v58 =	vand.u32 $0xFFFFFFF8, v57;
	[tilespmem:v41+s23+$0x0] =	vst.idx.msk $0xffff, v42  }
0x244: {  	v41 =	vor.u32 v15, v58;
	v42 =	vld [tilespmem:s14+$0xFFFFFF80];
	_ =	sdelay $0x3  }
0x245: {  	v59 =	vadd.s32 v24, v40  }
0x246: {  	v60 =	vand.u32 $0xFFFFFFF8, v59;
	[tilespmem:v41+s23+$0x0] =	vst.idx.msk $0xffff, v42  }
0x247: {  	v41 =	vor.u32 v1, v60;
	v42 =	vld [tilespmem:s14+$0x0];
	_ =	sdelay $0x3  }
0x248: {  	v61 =	vadd.s32 v25, v40  }
0x249: {  	v62 =	vand.u32 $0xFFFFFFF8, v61;
	[tilespmem:v41+s23+$0x0] =	vst.idx.msk $0xffff, v42  }
0x24a: {  	v41 =	vor.u32 v3, v62;
	v42 =	vld [tilespmem:s14+$0x80];
	_ =	sdelay $0x3  }
0x24b: {  	v63 =	vadd.s32 v26, v40  }
0x24c: {  	v45 =	vand.u32 $0xFFFFFFF8, v63;
	[tilespmem:v41+s23+$0x0] =	vst.idx.msk $0xffff, v42  }
0x24d: {  	v41 =	vor.u32 v5, v45;
	v42 =	vld [tilespmem:s14+$0x100];
	_ =	sdelay $0x3  }
0x24e: {  	v46 =	vadd.s32 v27, v40  }
0x24f: {  	v47 =	vand.u32 $0xFFFFFFF8, v46;
	[tilespmem:v41+s23+$0x0] =	vst.idx.msk $0xffff, v42  }
0x250: {  	v41 =	vor.u32 v7, v47;
	v42 =	vld [tilespmem:s14+$0x180];
	_ =	sdelay $0x3  }
0x251: {  	v48 =	vadd.s32 v28, v40  }
0x252: {  	v49 =	vand.u32 $0xFFFFFFF8, v48;
	[tilespmem:v41+s23+$0x0] =	vst.idx.msk $0xffff, v42  }
0x253: {  	v41 =	vor.u32 v9, v49;
	v42 =	vld [tilespmem:s14+$0x200];
	_ =	sdelay $0x3  }
0x254: {  	v50 =	vadd.s32 v29, v40  }
0x255: {  	v51 =	vand.u32 $0xFFFFFFF8, v50;
	[tilespmem:v41+s23+$0x0] =	vst.idx.msk $0xffff, v42  }
0x256: {  	v41 =	vor.u32 v11, v51;
	v42 =	vld [tilespmem:s14+$0x280];
	_ =	sdelay $0x3  }
0x257: {  	v52 =	vadd.s32 v30, v40  }
0x258: {  	v53 =	vand.u32 $0xFFFFFFF8, v52;
	[tilespmem:v41+s23+$0x0] =	vst.idx.msk $0xffff, v42  }
0x259: {  	v41 =	vor.u32 v13, v53;
	v42 =	vld [tilespmem:s14+$0x300];
	_ =	sdelay $0x3  }
0x25a: {  	v54 =	vadd.s32 v31, v40  }
0x25b: {  	v55 =	vand.u32 $0xFFFFFFF8, v54;
	[tilespmem:v41+s23+$0x0] =	vst.idx.msk $0xffff, v42  }
0x25c: {  	v41 =	vor.u32 v15, v55;
	v42 =	vld [tilespmem:s14+$0x380];
	_ =	sdelay $0x3  }
0x25d: {  	v56 =	vadd.s32 v32, v40  }
0x25e: {  	v57 =	vand.u32 $0xFFFFFFF8, v56;
	[tilespmem:v41+s23+$0x0] =	vst.idx.msk $0xffff, v42  }
0x25f: {  	v41 =	vor.u32 v1, v57;
	v42 =	vld [tilespmem:s14+$0x400];
	_ =	sdelay $0x3  }
0x260: {  	v58 =	vadd.s32 v33, v40  }
0x261: {  	v59 =	vand.u32 $0xFFFFFFF8, v58;
	[tilespmem:v41+s23+$0x0] =	vst.idx.msk $0xffff, v42  }
0x262: {  	v41 =	vor.u32 v3, v59;
	v42 =	vld [tilespmem:s14+$0x480];
	_ =	sdelay $0x3  }
0x263: {  	v60 =	vadd.s32 v34, v40  }
0x264: {  	v61 =	vand.u32 $0xFFFFFFF8, v60;
	[tilespmem:v41+s23+$0x0] =	vst.idx.msk $0xffff, v42  }
0x265: {  	v41 =	vor.u32 v5, v61;
	v42 =	vld [tilespmem:s14+$0x500];
	_ =	sdelay $0x3  }
0x266: {  	v62 =	vadd.s32 v35, v40  }
0x267: {  	v63 =	vand.u32 $0xFFFFFFF8, v62;
	[tilespmem:v41+s23+$0x0] =	vst.idx.msk $0xffff, v42  }
0x268: {  	v41 =	vor.u32 v7, v63;
	v42 =	vld [tilespmem:s14+$0x580];
	_ =	sdelay $0x3  }
0x269: {  	v45 =	vadd.s32 v36, v40  }
0x26a: {  	v46 =	vand.u32 $0xFFFFFFF8, v45;
	[tilespmem:v41+s23+$0x0] =	vst.idx.msk $0xffff, v42  }
0x26b: {  	v41 =	vor.u32 v9, v46;
	v42 =	vld [tilespmem:s14+$0x600];
	_ =	sdelay $0x3  }
0x26c: {  	v47 =	vadd.s32 v37, v40  }
0x26d: {  	v48 =	vand.u32 $0xFFFFFFF8, v47;
	[tilespmem:v41+s23+$0x0] =	vst.idx.msk $0xffff, v42  }
0x26e: {  	v41 =	vor.u32 v11, v48;
	v42 =	vld [tilespmem:s14+$0x680];
	_ =	sdelay $0x3  }
0x26f: {  	v49 =	vadd.s32 v38, v40  }
0x270: {  	v50 =	vand.u32 $0xFFFFFFF8, v49;
	[tilespmem:v41+s23+$0x0] =	vst.idx.msk $0xffff, v42  }
0x271: {  	v41 =	vor.u32 v13, v50;
	v42 =	vld [tilespmem:s14+$0x700];
	_ =	sdelay $0x3  }
0x272: {  	v40 =	vadd.s32 v39, v40  }
0x273: {  	v40 =	vand.u32 $0xFFFFFFF8, v40;
	[tilespmem:v41+s23+$0x0] =	vst.idx.msk $0xffff, v42  }
0x274: {  	s16 =	simm.s32 $0x10;
	v51 =	vor.u32 v15, v40;
	v41 =	vld [tilespmem:s14+$0x780]  }
0x275: {  	v52 =	vmov s16  }
0x276: {  	v40 =	vmul.u32 $0x21, v52;
	_ =	sdelay $0x1  }
0x277: {  	v40 =	vbroadcast v40, $0x0  }
0x278: {  	[tilespmem:v51+s23+$0x0] =	vst.idx.msk $0xffff, v41  }
0x279: {  	v53 =	vadd.s32 v0, v40;
	v42 =	vld [tilespmem:s14+$0xFFFFF810];
	_ =	sdelay $0x4  }
0x27a: {  	[tilespmem:v53+s23+$0x0] =	vst.idx.msk $0xffff, v42  }
0x27b: {  	v54 =	vadd.s32 v2, v40;
	v41 =	vld [tilespmem:s14+$0xFFFFF890];
	_ =	sdelay $0x4  }
0x27c: {  	[tilespmem:v54+s23+$0x0] =	vst.idx.msk $0xffff, v41  }
0x27d: {  	v55 =	vadd.s32 v4, v40;
	v41 =	vld [tilespmem:s14+$0xFFFFF910];
	_ =	sdelay $0x4  }
0x27e: {  	[tilespmem:v55+s23+$0x0] =	vst.idx.msk $0xffff, v41  }
0x27f: {  	v56 =	vadd.s32 v6, v40;
	v41 =	vld [tilespmem:s14+$0xFFFFF990];
	_ =	sdelay $0x4  }
0x280: {  	[tilespmem:v56+s23+$0x0] =	vst.idx.msk $0xffff, v41  }
0x281: {  	v57 =	vadd.s32 v8, v40;
	v41 =	vld [tilespmem:s14+$0xFFFFFA10];
	_ =	sdelay $0x4  }
0x282: {  	[tilespmem:v57+s23+$0x0] =	vst.idx.msk $0xffff, v41  }
0x283: {  	v58 =	vadd.s32 v10, v40;
	v41 =	vld [tilespmem:s14+$0xFFFFFA90];
	_ =	sdelay $0x4  }
0x284: {  	[tilespmem:v58+s23+$0x0] =	vst.idx.msk $0xffff, v41  }
0x285: {  	v59 =	vadd.s32 v12, v40;
	v41 =	vld [tilespmem:s14+$0xFFFFFB10];
	_ =	sdelay $0x4  }
0x286: {  	[tilespmem:v59+s23+$0x0] =	vst.idx.msk $0xffff, v41  }
0x287: {  	v60 =	vadd.s32 v14, v40;
	v41 =	vld [tilespmem:s14+$0xFFFFFB90];
	_ =	sdelay $0x4  }
0x288: {  	[tilespmem:v60+s23+$0x0] =	vst.idx.msk $0xffff, v41  }
0x289: {  	v61 =	vadd.s32 v16, v40;
	v41 =	vld [tilespmem:s14+$0xFFFFFC10];
	_ =	sdelay $0x4  }
0x28a: {  	[tilespmem:v61+s23+$0x0] =	vst.idx.msk $0xffff, v41  }
0x28b: {  	v62 =	vadd.s32 v17, v40;
	v41 =	vld [tilespmem:s14+$0xFFFFFC90];
	_ =	sdelay $0x4  }
0x28c: {  	[tilespmem:v62+s23+$0x0] =	vst.idx.msk $0xffff, v41  }
0x28d: {  	v63 =	vadd.s32 v18, v40;
	v41 =	vld [tilespmem:s14+$0xFFFFFD10];
	_ =	sdelay $0x4  }
0x28e: {  	[tilespmem:v63+s23+$0x0] =	vst.idx.msk $0xffff, v41  }
0x28f: {  	v45 =	vadd.s32 v19, v40;
	v41 =	vld [tilespmem:s14+$0xFFFFFD90];
	_ =	sdelay $0x4  }
0x290: {  	[tilespmem:v45+s23+$0x0] =	vst.idx.msk $0xffff, v41  }
0x291: {  	v46 =	vadd.s32 v20, v40;
	v41 =	vld [tilespmem:s14+$0xFFFFFE10];
	_ =	sdelay $0x4  }
0x292: {  	[tilespmem:v46+s23+$0x0] =	vst.idx.msk $0xffff, v41  }
0x293: {  	v47 =	vadd.s32 v21, v40;
	v41 =	vld [tilespmem:s14+$0xFFFFFE90];
	_ =	sdelay $0x4  }
0x294: {  	[tilespmem:v47+s23+$0x0] =	vst.idx.msk $0xffff, v41  }
0x295: {  	v48 =	vadd.s32 v22, v40;
	v41 =	vld [tilespmem:s14+$0xFFFFFF10];
	_ =	sdelay $0x4  }
0x296: {  	[tilespmem:v48+s23+$0x0] =	vst.idx.msk $0xffff, v41  }
0x297: {  	v49 =	vadd.s32 v23, v40;
	v41 =	vld [tilespmem:s14+$0xFFFFFF90];
	_ =	sdelay $0x4  }
0x298: {  	[tilespmem:v49+s23+$0x0] =	vst.idx.msk $0xffff, v41  }
0x299: {  	v50 =	vadd.s32 v24, v40;
	v41 =	vld [tilespmem:s14+$0x10];
	_ =	sdelay $0x4  }
0x29a: {  	[tilespmem:v50+s23+$0x0] =	vst.idx.msk $0xffff, v41  }
0x29b: {  	v51 =	vadd.s32 v25, v40;
	v41 =	vld [tilespmem:s14+$0x90];
	_ =	sdelay $0x4  }
0x29c: {  	[tilespmem:v51+s23+$0x0] =	vst.idx.msk $0xffff, v41  }
0x29d: {  	v52 =	vadd.s32 v26, v40;
	v41 =	vld [tilespmem:s14+$0x110];
	_ =	sdelay $0x4  }
0x29e: {  	[tilespmem:v52+s23+$0x0] =	vst.idx.msk $0xffff, v41  }
0x29f: {  	v53 =	vadd.s32 v27, v40;
	v41 =	vld [tilespmem:s14+$0x190];
	_ =	sdelay $0x4  }
0x2a0: {  	[tilespmem:v53+s23+$0x0] =	vst.idx.msk $0xffff, v41  }
0x2a1: {  	v54 =	vadd.s32 v28, v40;
	v41 =	vld [tilespmem:s14+$0x210];
	_ =	sdelay $0x4  }
0x2a2: {  	[tilespmem:v54+s23+$0x0] =	vst.idx.msk $0xffff, v41  }
0x2a3: {  	v55 =	vadd.s32 v29, v40;
	v41 =	vld [tilespmem:s14+$0x290];
	_ =	sdelay $0x4  }
0x2a4: {  	[tilespmem:v55+s23+$0x0] =	vst.idx.msk $0xffff, v41  }
0x2a5: {  	v56 =	vadd.s32 v30, v40;
	v41 =	vld [tilespmem:s14+$0x310];
	_ =	sdelay $0x4  }
0x2a6: {  	[tilespmem:v56+s23+$0x0] =	vst.idx.msk $0xffff, v41  }
0x2a7: {  	v57 =	vadd.s32 v31, v40;
	v41 =	vld [tilespmem:s14+$0x390];
	_ =	sdelay $0x4  }
0x2a8: {  	[tilespmem:v57+s23+$0x0] =	vst.idx.msk $0xffff, v41  }
0x2a9: {  	v58 =	vadd.s32 v32, v40;
	v41 =	vld [tilespmem:s14+$0x410];
	_ =	sdelay $0x4  }
0x2aa: {  	[tilespmem:v58+s23+$0x0] =	vst.idx.msk $0xffff, v41  }
0x2ab: {  	v59 =	vadd.s32 v33, v40;
	v41 =	vld [tilespmem:s14+$0x490];
	_ =	sdelay $0x4  }
0x2ac: {  	[tilespmem:v59+s23+$0x0] =	vst.idx.msk $0xffff, v41  }
0x2ad: {  	v60 =	vadd.s32 v34, v40;
	v41 =	vld [tilespmem:s14+$0x510];
	_ =	sdelay $0x4  }
0x2ae: {  	[tilespmem:v60+s23+$0x0] =	vst.idx.msk $0xffff, v41  }
0x2af: {  	v61 =	vadd.s32 v35, v40;
	v41 =	vld [tilespmem:s14+$0x590];
	_ =	sdelay $0x4  }
0x2b0: {  	[tilespmem:v61+s23+$0x0] =	vst.idx.msk $0xffff, v41  }
0x2b1: {  	v62 =	vadd.s32 v36, v40;
	v41 =	vld [tilespmem:s14+$0x610];
	_ =	sdelay $0x4  }
0x2b2: {  	[tilespmem:v62+s23+$0x0] =	vst.idx.msk $0xffff, v41  }
0x2b3: {  	v63 =	vadd.s32 v37, v40;
	v41 =	vld [tilespmem:s14+$0x690];
	_ =	sdelay $0x4  }
0x2b4: {  	[tilespmem:v63+s23+$0x0] =	vst.idx.msk $0xffff, v41  }
0x2b5: {  	v42 =	vadd.s32 v38, v40;
	v41 =	vld [tilespmem:s14+$0x710];
	_ =	sdelay $0x3  }
0x2b6: {  	s29 =	simm.s32 $0x0;
	s31 =	simm.s32 $0x20  }
.LBB2_7:
0x2b7: {  	v43 =	vmov s31;
	s29 =	sadd.s32 $0x2, s29;
	[tilespmem:v42+s23+$0x0] =	vst.idx.msk $0xffff, v41  }
0x2b8: {  	v41 =	vmul.u32 $0x21, v43;
	p0 =	slt.u32 s29, $0x6;
	v42 =	vld [tilespmem:s14+$0x790];
	v43 =	vadd.s32 v39, v40;
	_ =	sdelay $0x1  }
0x2b9: {  	v40 =	vbroadcast v41, $0x0;
	_ =	sdelay $0x1  }
0x2ba: {  	s12 =	simm.s32 $0x9CC0;
	s15 =	simm.s32 $0xCCB0;
	v41 =	vadd.s32 v0, v40  }
0x2bb: {  	s16 =	simm.s32 $0xACC0;
	s14 =	sadd.s32 $0x20, s14;
	v41 =	vand.u32 $0xFFFFFFF8, v41;
	[tilespmem:v43+s23+$0x0] =	vst.idx.msk $0xffff, v42  }
0x2bc: {  	v42 =	vld [tilespmem:s14+$0xFFFFF800];
	v41 =	vor.u32 v1, v41;
	_ =	sdelay $0x3  }
0x2bd: {  	v43 =	vadd.s32 v2, v40  }
0x2be: {  	[tilespmem:v41+s23+$0x0] =	vst.idx.msk $0xffff, v42;
	v41 =	vand.u32 $0xFFFFFFF8, v43  }
0x2bf: {  	v42 =	vld [tilespmem:s14+$0xFFFFF880];
	v41 =	vor.u32 v3, v41;
	_ =	sdelay $0x3  }
0x2c0: {  	v43 =	vadd.s32 v4, v40  }
0x2c1: {  	[tilespmem:v41+s23+$0x0] =	vst.idx.msk $0xffff, v42;
	v41 =	vand.u32 $0xFFFFFFF8, v43  }
0x2c2: {  	v42 =	vld [tilespmem:s14+$0xFFFFF900];
	v41 =	vor.u32 v5, v41;
	_ =	sdelay $0x3  }
0x2c3: {  	v43 =	vadd.s32 v6, v40  }
0x2c4: {  	[tilespmem:v41+s23+$0x0] =	vst.idx.msk $0xffff, v42;
	v41 =	vand.u32 $0xFFFFFFF8, v43  }
0x2c5: {  	v42 =	vld [tilespmem:s14+$0xFFFFF980];
	v41 =	vor.u32 v7, v41;
	_ =	sdelay $0x3  }
0x2c6: {  	v43 =	vadd.s32 v8, v40  }
0x2c7: {  	[tilespmem:v41+s23+$0x0] =	vst.idx.msk $0xffff, v42;
	v41 =	vand.u32 $0xFFFFFFF8, v43  }
0x2c8: {  	v42 =	vld [tilespmem:s14+$0xFFFFFA00];
	v41 =	vor.u32 v9, v41;
	_ =	sdelay $0x3  }
0x2c9: {  	v43 =	vadd.s32 v10, v40  }
0x2ca: {  	[tilespmem:v41+s23+$0x0] =	vst.idx.msk $0xffff, v42;
	v41 =	vand.u32 $0xFFFFFFF8, v43  }
0x2cb: {  	v42 =	vld [tilespmem:s14+$0xFFFFFA80];
	v41 =	vor.u32 v11, v41;
	_ =	sdelay $0x3  }
0x2cc: {  	v43 =	vadd.s32 v12, v40  }
0x2cd: {  	[tilespmem:v41+s23+$0x0] =	vst.idx.msk $0xffff, v42;
	v41 =	vand.u32 $0xFFFFFFF8, v43  }
0x2ce: {  	v42 =	vld [tilespmem:s14+$0xFFFFFB00];
	v41 =	vor.u32 v13, v41;
	_ =	sdelay $0x3  }
0x2cf: {  	v43 =	vadd.s32 v14, v40  }
0x2d0: {  	[tilespmem:v41+s23+$0x0] =	vst.idx.msk $0xffff, v42;
	v41 =	vand.u32 $0xFFFFFFF8, v43  }
0x2d1: {  	v42 =	vld [tilespmem:s14+$0xFFFFFB80];
	v41 =	vor.u32 v15, v41;
	_ =	sdelay $0x3  }
0x2d2: {  	v43 =	vadd.s32 v16, v40  }
0x2d3: {  	[tilespmem:v41+s23+$0x0] =	vst.idx.msk $0xffff, v42;
	v41 =	vand.u32 $0xFFFFFFF8, v43  }
0x2d4: {  	v42 =	vld [tilespmem:s14+$0xFFFFFC00];
	v41 =	vor.u32 v1, v41;
	_ =	sdelay $0x3  }
0x2d5: {  	v43 =	vadd.s32 v17, v40  }
0x2d6: {  	[tilespmem:v41+s23+$0x0] =	vst.idx.msk $0xffff, v42;
	v41 =	vand.u32 $0xFFFFFFF8, v43  }
0x2d7: {  	v42 =	vld [tilespmem:s14+$0xFFFFFC80];
	v41 =	vor.u32 v3, v41;
	_ =	sdelay $0x3  }
0x2d8: {  	v43 =	vadd.s32 v18, v40  }
0x2d9: {  	[tilespmem:v41+s23+$0x0] =	vst.idx.msk $0xffff, v42;
	v41 =	vand.u32 $0xFFFFFFF8, v43  }
0x2da: {  	v42 =	vld [tilespmem:s14+$0xFFFFFD00];
	v41 =	vor.u32 v5, v41;
	_ =	sdelay $0x3  }
0x2db: {  	v43 =	vadd.s32 v19, v40  }
0x2dc: {  	[tilespmem:v41+s23+$0x0] =	vst.idx.msk $0xffff, v42;
	v41 =	vand.u32 $0xFFFFFFF8, v43  }
0x2dd: {  	v42 =	vld [tilespmem:s14+$0xFFFFFD80];
	v41 =	vor.u32 v7, v41;
	_ =	sdelay $0x3  }
0x2de: {  	v43 =	vadd.s32 v20, v40  }
0x2df: {  	[tilespmem:v41+s23+$0x0] =	vst.idx.msk $0xffff, v42;
	v41 =	vand.u32 $0xFFFFFFF8, v43  }
0x2e0: {  	v42 =	vld [tilespmem:s14+$0xFFFFFE00];
	v41 =	vor.u32 v9, v41;
	_ =	sdelay $0x3  }
0x2e1: {  	v43 =	vadd.s32 v21, v40  }
0x2e2: {  	[tilespmem:v41+s23+$0x0] =	vst.idx.msk $0xffff, v42;
	v41 =	vand.u32 $0xFFFFFFF8, v43  }
0x2e3: {  	v42 =	vld [tilespmem:s14+$0xFFFFFE80];
	v41 =	vor.u32 v11, v41;
	_ =	sdelay $0x3  }
0x2e4: {  	v43 =	vadd.s32 v22, v40  }
0x2e5: {  	[tilespmem:v41+s23+$0x0] =	vst.idx.msk $0xffff, v42;
	v41 =	vand.u32 $0xFFFFFFF8, v43  }
0x2e6: {  	v42 =	vld [tilespmem:s14+$0xFFFFFF00];
	v41 =	vor.u32 v13, v41;
	_ =	sdelay $0x3  }
0x2e7: {  	v43 =	vadd.s32 v23, v40  }
0x2e8: {  	[tilespmem:v41+s23+$0x0] =	vst.idx.msk $0xffff, v42;
	v41 =	vand.u32 $0xFFFFFFF8, v43  }
0x2e9: {  	v42 =	vld [tilespmem:s14+$0xFFFFFF80];
	v41 =	vor.u32 v15, v41;
	_ =	sdelay $0x3  }
0x2ea: {  	v43 =	vadd.s32 v24, v40  }
0x2eb: {  	[tilespmem:v41+s23+$0x0] =	vst.idx.msk $0xffff, v42;
	v41 =	vand.u32 $0xFFFFFFF8, v43  }
0x2ec: {  	v42 =	vld [tilespmem:s14+$0x0];
	v41 =	vor.u32 v1, v41;
	_ =	sdelay $0x3  }
0x2ed: {  	v43 =	vadd.s32 v25, v40  }
0x2ee: {  	[tilespmem:v41+s23+$0x0] =	vst.idx.msk $0xffff, v42;
	v41 =	vand.u32 $0xFFFFFFF8, v43  }
0x2ef: {  	v42 =	vld [tilespmem:s14+$0x80];
	v41 =	vor.u32 v3, v41;
	_ =	sdelay $0x3  }
0x2f0: {  	v43 =	vadd.s32 v26, v40  }
0x2f1: {  	[tilespmem:v41+s23+$0x0] =	vst.idx.msk $0xffff, v42;
	v41 =	vand.u32 $0xFFFFFFF8, v43  }
0x2f2: {  	v42 =	vld [tilespmem:s14+$0x100];
	v41 =	vor.u32 v5, v41;
	_ =	sdelay $0x3  }
0x2f3: {  	v43 =	vadd.s32 v27, v40  }
0x2f4: {  	[tilespmem:v41+s23+$0x0] =	vst.idx.msk $0xffff, v42;
	v41 =	vand.u32 $0xFFFFFFF8, v43  }
0x2f5: {  	v42 =	vld [tilespmem:s14+$0x180];
	v41 =	vor.u32 v7, v41;
	_ =	sdelay $0x3  }
0x2f6: {  	v43 =	vadd.s32 v28, v40  }
0x2f7: {  	[tilespmem:v41+s23+$0x0] =	vst.idx.msk $0xffff, v42;
	v41 =	vand.u32 $0xFFFFFFF8, v43  }
0x2f8: {  	v42 =	vld [tilespmem:s14+$0x200];
	v41 =	vor.u32 v9, v41;
	_ =	sdelay $0x3  }
0x2f9: {  	v43 =	vadd.s32 v29, v40  }
0x2fa: {  	[tilespmem:v41+s23+$0x0] =	vst.idx.msk $0xffff, v42;
	v41 =	vand.u32 $0xFFFFFFF8, v43  }
0x2fb: {  	v42 =	vld [tilespmem:s14+$0x280];
	v41 =	vor.u32 v11, v41;
	_ =	sdelay $0x3  }
0x2fc: {  	v43 =	vadd.s32 v30, v40  }
0x2fd: {  	[tilespmem:v41+s23+$0x0] =	vst.idx.msk $0xffff, v42;
	v41 =	vand.u32 $0xFFFFFFF8, v43  }
0x2fe: {  	v42 =	vld [tilespmem:s14+$0x300];
	v41 =	vor.u32 v13, v41;
	_ =	sdelay $0x3  }
0x2ff: {  	v43 =	vadd.s32 v31, v40  }
0x300: {  	[tilespmem:v41+s23+$0x0] =	vst.idx.msk $0xffff, v42;
	v41 =	vand.u32 $0xFFFFFFF8, v43  }
0x301: {  	v42 =	vld [tilespmem:s14+$0x380];
	v41 =	vor.u32 v15, v41;
	_ =	sdelay $0x3  }
0x302: {  	v43 =	vadd.s32 v32, v40  }
0x303: {  	[tilespmem:v41+s23+$0x0] =	vst.idx.msk $0xffff, v42;
	v41 =	vand.u32 $0xFFFFFFF8, v43  }
0x304: {  	v42 =	vld [tilespmem:s14+$0x400];
	v41 =	vor.u32 v1, v41;
	_ =	sdelay $0x3  }
0x305: {  	v43 =	vadd.s32 v33, v40  }
0x306: {  	[tilespmem:v41+s23+$0x0] =	vst.idx.msk $0xffff, v42;
	v41 =	vand.u32 $0xFFFFFFF8, v43  }
0x307: {  	v42 =	vld [tilespmem:s14+$0x480];
	v41 =	vor.u32 v3, v41;
	_ =	sdelay $0x3  }
0x308: {  	v43 =	vadd.s32 v34, v40  }
0x309: {  	[tilespmem:v41+s23+$0x0] =	vst.idx.msk $0xffff, v42;
	v41 =	vand.u32 $0xFFFFFFF8, v43  }
0x30a: {  	v42 =	vld [tilespmem:s14+$0x500];
	v41 =	vor.u32 v5, v41;
	_ =	sdelay $0x3  }
0x30b: {  	v43 =	vadd.s32 v35, v40  }
0x30c: {  	[tilespmem:v41+s23+$0x0] =	vst.idx.msk $0xffff, v42;
	v41 =	vand.u32 $0xFFFFFFF8, v43  }
0x30d: {  	v42 =	vld [tilespmem:s14+$0x580];
	v41 =	vor.u32 v7, v41;
	_ =	sdelay $0x3  }
0x30e: {  	v43 =	vadd.s32 v36, v40  }
0x30f: {  	[tilespmem:v41+s23+$0x0] =	vst.idx.msk $0xffff, v42;
	v41 =	vand.u32 $0xFFFFFFF8, v43  }
0x310: {  	v42 =	vld [tilespmem:s14+$0x600];
	v41 =	vor.u32 v9, v41;
	_ =	sdelay $0x3  }
0x311: {  	v43 =	vadd.s32 v37, v40  }
0x312: {  	[tilespmem:v41+s23+$0x0] =	vst.idx.msk $0xffff, v42;
	v41 =	vand.u32 $0xFFFFFFF8, v43  }
0x313: {  	v42 =	vld [tilespmem:s14+$0x680];
	v41 =	vor.u32 v11, v41;
	_ =	sdelay $0x3  }
0x314: {  	v43 =	vadd.s32 v38, v40  }
0x315: {  	[tilespmem:v41+s23+$0x0] =	vst.idx.msk $0xffff, v42;
	v41 =	vand.u32 $0xFFFFFFF8, v43  }
0x316: {  	v42 =	vld [tilespmem:s14+$0x700];
	v41 =	vor.u32 v13, v41;
	_ =	sdelay $0x3  }
0x317: {  	v40 =	vadd.s32 v39, v40  }
0x318: {  	v40 =	vand.u32 $0xFFFFFFF8, v40;
	[tilespmem:v41+s23+$0x0] =	vst.idx.msk $0xffff, v42  }
0x319: {  	s8 =	sadd.s32 $0x10, s31;
	v42 =	vor.u32 v15, v40;
	v41 =	vld [tilespmem:s14+$0x780]  }
0x31a: {  	v40 =	vmov s8  }
0x31b: {  	v40 =	vmul.u32 $0x21, v40;
	_ =	sdelay $0x1  }
0x31c: {  	v40 =	vbroadcast v40, $0x0  }
0x31d: {  	[tilespmem:v42+s23+$0x0] =	vst.idx.msk $0xffff, v41  }
0x31e: {  	v41 =	vadd.s32 v0, v40;
	v42 =	vld [tilespmem:s14+$0xFFFFF810];
	_ =	sdelay $0x4  }
0x31f: {  	[tilespmem:v41+s23+$0x0] =	vst.idx.msk $0xffff, v42  }
0x320: {  	v42 =	vadd.s32 v2, v40;
	v41 =	vld [tilespmem:s14+$0xFFFFF890];
	_ =	sdelay $0x4  }
0x321: {  	[tilespmem:v42+s23+$0x0] =	vst.idx.msk $0xffff, v41  }
0x322: {  	v42 =	vadd.s32 v4, v40;
	v41 =	vld [tilespmem:s14+$0xFFFFF910];
	_ =	sdelay $0x4  }
0x323: {  	[tilespmem:v42+s23+$0x0] =	vst.idx.msk $0xffff, v41  }
0x324: {  	v42 =	vadd.s32 v6, v40;
	v41 =	vld [tilespmem:s14+$0xFFFFF990];
	_ =	sdelay $0x4  }
0x325: {  	[tilespmem:v42+s23+$0x0] =	vst.idx.msk $0xffff, v41  }
0x326: {  	v42 =	vadd.s32 v8, v40;
	v41 =	vld [tilespmem:s14+$0xFFFFFA10];
	_ =	sdelay $0x4  }
0x327: {  	[tilespmem:v42+s23+$0x0] =	vst.idx.msk $0xffff, v41  }
0x328: {  	v42 =	vadd.s32 v10, v40;
	v41 =	vld [tilespmem:s14+$0xFFFFFA90];
	_ =	sdelay $0x4  }
0x329: {  	[tilespmem:v42+s23+$0x0] =	vst.idx.msk $0xffff, v41  }
0x32a: {  	v42 =	vadd.s32 v12, v40;
	v41 =	vld [tilespmem:s14+$0xFFFFFB10];
	_ =	sdelay $0x4  }
0x32b: {  	[tilespmem:v42+s23+$0x0] =	vst.idx.msk $0xffff, v41  }
0x32c: {  	v42 =	vadd.s32 v14, v40;
	v41 =	vld [tilespmem:s14+$0xFFFFFB90];
	_ =	sdelay $0x4  }
0x32d: {  	[tilespmem:v42+s23+$0x0] =	vst.idx.msk $0xffff, v41  }
0x32e: {  	v42 =	vadd.s32 v16, v40;
	v41 =	vld [tilespmem:s14+$0xFFFFFC10];
	_ =	sdelay $0x4  }
0x32f: {  	[tilespmem:v42+s23+$0x0] =	vst.idx.msk $0xffff, v41  }
0x330: {  	v42 =	vadd.s32 v17, v40;
	v41 =	vld [tilespmem:s14+$0xFFFFFC90];
	_ =	sdelay $0x4  }
0x331: {  	[tilespmem:v42+s23+$0x0] =	vst.idx.msk $0xffff, v41  }
0x332: {  	v42 =	vadd.s32 v18, v40;
	v41 =	vld [tilespmem:s14+$0xFFFFFD10];
	_ =	sdelay $0x4  }
0x333: {  	[tilespmem:v42+s23+$0x0] =	vst.idx.msk $0xffff, v41  }
0x334: {  	v42 =	vadd.s32 v19, v40;
	v41 =	vld [tilespmem:s14+$0xFFFFFD90];
	_ =	sdelay $0x4  }
0x335: {  	[tilespmem:v42+s23+$0x0] =	vst.idx.msk $0xffff, v41  }
0x336: {  	v42 =	vadd.s32 v20, v40;
	v41 =	vld [tilespmem:s14+$0xFFFFFE10];
	_ =	sdelay $0x4  }
0x337: {  	[tilespmem:v42+s23+$0x0] =	vst.idx.msk $0xffff, v41  }
0x338: {  	v42 =	vadd.s32 v21, v40;
	v41 =	vld [tilespmem:s14+$0xFFFFFE90];
	_ =	sdelay $0x4  }
0x339: {  	[tilespmem:v42+s23+$0x0] =	vst.idx.msk $0xffff, v41  }
0x33a: {  	v42 =	vadd.s32 v22, v40;
	v41 =	vld [tilespmem:s14+$0xFFFFFF10];
	_ =	sdelay $0x4  }
0x33b: {  	[tilespmem:v42+s23+$0x0] =	vst.idx.msk $0xffff, v41  }
0x33c: {  	v42 =	vadd.s32 v23, v40;
	v41 =	vld [tilespmem:s14+$0xFFFFFF90];
	_ =	sdelay $0x4  }
0x33d: {  	[tilespmem:v42+s23+$0x0] =	vst.idx.msk $0xffff, v41  }
0x33e: {  	v42 =	vadd.s32 v24, v40;
	v41 =	vld [tilespmem:s14+$0x10];
	_ =	sdelay $0x4  }
0x33f: {  	[tilespmem:v42+s23+$0x0] =	vst.idx.msk $0xffff, v41  }
0x340: {  	v42 =	vadd.s32 v25, v40;
	v41 =	vld [tilespmem:s14+$0x90];
	_ =	sdelay $0x4  }
0x341: {  	[tilespmem:v42+s23+$0x0] =	vst.idx.msk $0xffff, v41  }
0x342: {  	v42 =	vadd.s32 v26, v40;
	v41 =	vld [tilespmem:s14+$0x110];
	_ =	sdelay $0x4  }
0x343: {  	[tilespmem:v42+s23+$0x0] =	vst.idx.msk $0xffff, v41  }
0x344: {  	v42 =	vadd.s32 v27, v40;
	v41 =	vld [tilespmem:s14+$0x190];
	_ =	sdelay $0x4  }
0x345: {  	[tilespmem:v42+s23+$0x0] =	vst.idx.msk $0xffff, v41  }
0x346: {  	v42 =	vadd.s32 v28, v40;
	v41 =	vld [tilespmem:s14+$0x210];
	_ =	sdelay $0x4  }
0x347: {  	[tilespmem:v42+s23+$0x0] =	vst.idx.msk $0xffff, v41  }
0x348: {  	v42 =	vadd.s32 v29, v40;
	v41 =	vld [tilespmem:s14+$0x290];
	_ =	sdelay $0x4  }
0x349: {  	[tilespmem:v42+s23+$0x0] =	vst.idx.msk $0xffff, v41  }
0x34a: {  	v42 =	vadd.s32 v30, v40;
	v41 =	vld [tilespmem:s14+$0x310];
	_ =	sdelay $0x4  }
0x34b: {  	[tilespmem:v42+s23+$0x0] =	vst.idx.msk $0xffff, v41  }
0x34c: {  	v42 =	vadd.s32 v31, v40;
	v41 =	vld [tilespmem:s14+$0x390];
	_ =	sdelay $0x4  }
0x34d: {  	[tilespmem:v42+s23+$0x0] =	vst.idx.msk $0xffff, v41  }
0x34e: {  	v42 =	vadd.s32 v32, v40;
	v41 =	vld [tilespmem:s14+$0x410];
	_ =	sdelay $0x4  }
0x34f: {  	[tilespmem:v42+s23+$0x0] =	vst.idx.msk $0xffff, v41  }
0x350: {  	v42 =	vadd.s32 v33, v40;
	v41 =	vld [tilespmem:s14+$0x490];
	_ =	sdelay $0x4  }
0x351: {  	[tilespmem:v42+s23+$0x0] =	vst.idx.msk $0xffff, v41  }
0x352: {  	v42 =	vadd.s32 v34, v40;
	v41 =	vld [tilespmem:s14+$0x510];
	_ =	sdelay $0x4  }
0x353: {  	[tilespmem:v42+s23+$0x0] =	vst.idx.msk $0xffff, v41  }
0x354: {  	v42 =	vadd.s32 v35, v40;
	v41 =	vld [tilespmem:s14+$0x590];
	_ =	sdelay $0x4  }
0x355: {  	[tilespmem:v42+s23+$0x0] =	vst.idx.msk $0xffff, v41  }
0x356: {  	v42 =	vadd.s32 v36, v40;
	v41 =	vld [tilespmem:s14+$0x610];
	_ =	sdelay $0x4  }
0x357: {  	[tilespmem:v42+s23+$0x0] =	vst.idx.msk $0xffff, v41  }
0x358: {  	v42 =	vadd.s32 v37, v40;
	v41 =	vld [tilespmem:s14+$0x690];
	_ =	sdelay $0x4  }
0x359: {  	[tilespmem:v42+s23+$0x0] =	vst.idx.msk $0xffff, v41  }
.Ltmp4:
0x35a: {  	v42 =	vadd.s32 v38, v40;
	v41 =	vld [tilespmem:s14+$0x710];
	(pc) =	sbr.rel @p0 .LBB2_7-.Ltmp4, $2  }
0x35b: {  	_ =	sdelay $0x2  }
0x35c: {  	s31 =	sadd.s32 $0x20, s31  }
0x35d: {  	_ =	sdelay $0x3  }
0x35e: {  	[tilespmem:v42+s23+$0x0] =	vst.idx.msk $0xffff, v41  }
0x35f: {  	v40 =	vadd.s32 v39, v40;
	v41 =	vld [tilespmem:s14+$0x790];
	_ =	sdelay $0x4  }
0x360: {  	[tilespmem:v40+s23+$0x0] =	vst.idx.msk $0xffff, v41  }
0x361: {  	v40 =	vld [tilespmem:s16+$0xFFFFFFD0]  }
0x362: {  	v41 =	vld [tilespmem:s12+$0xFFFFFFD0]  }
0x363: {  	v42 =	vld [tilespmem:s16+$0xFFFFFFC0]  }
0x364: {  	s8 =	sand.u32 $0xFFC, s11;
	v43 =	vld [tilespmem:s12+$0xFFFFFFC0]  }
0x365: {  	s29 =	simm.s32 $0x5042;
	v44 =	vld [tilespmem:s8+$0x5010]  }
0x366: {  	v45 =	vld [tilespmem:s29+$0xFFFFFFBE];
	_ =	sdelay $0x2  }
0x367: {  	v40 =	vadd.f32 v40, v41;
	v53 =	vadd.f32 v42, v43;
	_ =	sdelay $0x1  }
0x368: {  	v40 =	vadd.f32 v40, v44;
	v41 =	vadd.f32 v53, v45;
	_ =	sdelay $0x1  }
0x369: {  	v41 =	vmax.f32 v41, $0.0e+00;
	v40 =	vmax.f32 v40, $0.0e+00  }
0x36a: {  	v40 =	vpack.i.f32.bf16 v40, v41  }
0x36b: {  	[tilespmem:s15+$0xFFFFFFD0] =	vst v40  }
0x36c: {  	v40 =	vld [tilespmem:s16+$0xFFFFFFF0]  }
0x36d: {  	v54 =	vld [tilespmem:s12+$0xFFFFFFE0]  }
0x36e: {  	s14 =	simm.s32 $0x21;
	v55 =	vld [tilespmem:s12+$0xFFFFFFF0]  }
0x36f: {  	s8 =	sand.u32 $0x1FFD, s14;
	v56 =	vld [tilespmem:s16+$0xFFFFFFE0]  }
0x370: {  	v57 =	vld [tilespmem:s8+$0x5010]  }
0x371: {  	v58 =	vld [tilespmem:s29+$0xFFFFFFDF];
	_ =	sdelay $0x2  }
0x372: {  	v40 =	vadd.f32 v40, v55;
	v41 =	vadd.f32 v56, v54;
	_ =	sdelay $0x1  }
0x373: {  	v40 =	vadd.f32 v40, v57;
	v41 =	vadd.f32 v41, v58;
	_ =	sdelay $0x1  }
0x374: {  	v40 =	vmax.f32 v40, $0.0e+00;
	v41 =	vmax.f32 v41, $0.0e+00  }
0x375: {  	v40 =	vpack.i.f32.bf16 v40, v41  }
0x376: {  	[tilespmem:s15+$0xFFFFFFE8] =	vst v40  }
0x377: {  	v40 =	vld [tilespmem:s16+$0x10]  }
0x378: {  	v59 =	vld [tilespmem:s12+$0x0]  }
0x379: {  	v60 =	vld [tilespmem:s16+$0x0]  }
0x37a: {  	s14 =	simm.s32 $0x42;
	v61 =	vld [tilespmem:s12+$0x10]  }
0x37b: {  	s8 =	sand.u32 $0x1FFE, s14;
	v62 =	vld [tilespmem:s29+$0x0]  }
0x37c: {  	v63 =	vld [tilespmem:s8+$0x5010];
	_ =	sdelay $0x2  }
0x37d: {  	v41 =	vadd.f32 v60, v59;
	v40 =	vadd.f32 v40, v61;
	_ =	sdelay $0x1  }
0x37e: {  	v41 =	vadd.f32 v41, v62;
	v40 =	vadd.f32 v40, v63;
	_ =	sdelay $0x1  }
0x37f: {  	v41 =	vmax.f32 v41, $0.0e+00;
	v40 =	vmax.f32 v40, $0.0e+00  }
0x380: {  	v40 =	vpack.i.f32.bf16 v40, v41  }
0x381: {  	[tilespmem:s15+$0x0] =	vst v40  }
0x382: {  	v40 =	vld [tilespmem:s12+$0x20]  }
0x383: {  	v41 =	vld [tilespmem:s16+$0x30]  }
0x384: {  	v42 =	vld [tilespmem:s16+$0x20]  }
0x385: {  	s31 =	simm.s32 $0x50C6;
	s14 =	simm.s32 $0x0;
	s8 =	simm.s32 $0x63;
	v43 =	vld [tilespmem:s12+$0x30]  }
0x386: {  	s8 =	sand.u32 $0x1FFF, s8;
	s12 =	simm.s32 $0xCD10;
	v44 =	vld [tilespmem:s29+$0x21];
	s29 =	simm.s32 $0x9D40  }
.LBB2_9:
0x387: {  	s14 =	sadd.s32 $0x4, s14;
	v45 =	vld [tilespmem:s8+$0x5010];
	s11 =	sadd.s32 $0x84, s11;
	s16 =	sadd.s32 $0x80, s16  }
0x388: {  	p0 =	slt.u32 s14, $0x7C  }
0x389: {  	v40 =	vadd.f32 v42, v40  }
0x38a: {  	v41 =	vadd.f32 v41, v43  }
0x38b: {  	v40 =	vadd.f32 v40, v44  }
0x38c: {  	v41 =	vadd.f32 v41, v45  }
0x38d: {  	v40 =	vmax.f32 v40, $0.0e+00  }
0x38e: {  	v41 =	vmax.f32 v41, $0.0e+00  }
0x38f: {  	v40 =	vpack.i.f32.bf16 v41, v40  }
0x390: {  	s8 =	sand.u32 $0xFFC, s11;
	[tilespmem:s15+$0x18] =	vst v40;
	s15 =	smov.u32 s12  }
0x391: {  	v40 =	vld [tilespmem:s8+$0x5010]  }
0x392: {  	v41 =	vld [tilespmem:s16+$0xFFFFFFD0]  }
0x393: {  	v42 =	vld [tilespmem:s29+$0xFFFFFFD0]  }
0x394: {  	v43 =	vld [tilespmem:s16+$0xFFFFFFC0]  }
0x395: {  	v44 =	vld [tilespmem:s29+$0xFFFFFFC0];
	_ =	sdelay $0x1  }
0x396: {  	v45 =	vld [tilespmem:s31+$0xFFFFFFBE]  }
0x397: {  	v41 =	vadd.f32 v41, v42;
	_ =	sdelay $0x1  }
0x398: {  	v42 =	vadd.f32 v43, v44;
	v40 =	vadd.f32 v41, v40;
	_ =	sdelay $0x1  }
0x399: {  	v41 =	vadd.f32 v42, v45;
	_ =	sdelay $0x1  }
0x39a: {  	v40 =	vmax.f32 v40, $0.0e+00;
	v41 =	vmax.f32 v41, $0.0e+00  }
0x39b: {  	v40 =	vpack.i.f32.bf16 v40, v41  }
0x39c: {  	[tilespmem:s12+$0xFFFFFFD0] =	vst v40  }
0x39d: {  	v40 =	vld [tilespmem:s16+$0xFFFFFFF0]  }
0x39e: {  	v41 =	vld [tilespmem:s29+$0xFFFFFFE0]  }
0x39f: {  	s8 =	sadd.s32 $0x21, s11;
	v42 =	vld [tilespmem:s29+$0xFFFFFFF0]  }
0x3a0: {  	s8 =	sand.u32 $0x1FFD, s8;
	v43 =	vld [tilespmem:s16+$0xFFFFFFE0]  }
0x3a1: {  	v44 =	vld [tilespmem:s8+$0x5010]  }
0x3a2: {  	v45 =	vld [tilespmem:s31+$0xFFFFFFDF];
	_ =	sdelay $0x1  }
0x3a3: {  	v40 =	vadd.f32 v40, v42  }
0x3a4: {  	v41 =	vadd.f32 v43, v41  }
0x3a5: {  	v40 =	vadd.f32 v40, v44  }
0x3a6: {  	v41 =	vadd.f32 v41, v45  }
0x3a7: {  	v40 =	vmax.f32 v40, $0.0e+00  }
0x3a8: {  	v41 =	vmax.f32 v41, $0.0e+00  }
0x3a9: {  	v40 =	vpack.i.f32.bf16 v40, v41  }
0x3aa: {  	[tilespmem:s12+$0xFFFFFFE8] =	vst v40  }
0x3ab: {  	v40 =	vld [tilespmem:s16+$0x10]  }
0x3ac: {  	v41 =	vld [tilespmem:s29+$0x0]  }
0x3ad: {  	v42 =	vld [tilespmem:s16+$0x0]  }
0x3ae: {  	s8 =	sadd.s32 $0x42, s11;
	v43 =	vld [tilespmem:s29+$0x10]  }
0x3af: {  	s8 =	sand.u32 $0x1FFE, s8;
	v44 =	vld [tilespmem:s31+$0x0]  }
0x3b0: {  	v45 =	vld [tilespmem:s8+$0x5010];
	_ =	sdelay $0x1  }
0x3b1: {  	v41 =	vadd.f32 v42, v41  }
0x3b2: {  	v40 =	vadd.f32 v40, v43  }
0x3b3: {  	v41 =	vadd.f32 v41, v44  }
0x3b4: {  	v40 =	vadd.f32 v40, v45;
	_ =	sdelay $0x1  }
0x3b5: {  	v41 =	vmax.f32 v41, $0.0e+00;
	v40 =	vmax.f32 v40, $0.0e+00  }
0x3b6: {  	v40 =	vpack.i.f32.bf16 v40, v41  }
0x3b7: {  	[tilespmem:s12+$0x0] =	vst v40  }
.Ltmp5:
0x3b8: {  	v40 =	vld [tilespmem:s29+$0x20];
	(pc) =	sbr.rel @p0 .LBB2_9-.Ltmp5, $4  }
0x3b9: {  	v41 =	vld [tilespmem:s16+$0x30]  }
0x3ba: {  	v42 =	vld [tilespmem:s16+$0x20]  }
0x3bb: {  	s8 =	sadd.s32 $0x63, s11;
	s12 =	sadd.s32 $0x60, s12;
	v43 =	vld [tilespmem:s29+$0x30]  }
0x3bc: {  	s8 =	sand.u32 $0x1FFF, s8;
	s29 =	sadd.s32 $0x80, s29;
	v44 =	vld [tilespmem:s31+$0x21];
	s31 =	sadd.s32 $0x84, s31  }
0x3bd: {  	v45 =	vld [tilespmem:s8+$0x5010];
	_ =	sdelay $0x2  }
0x3be: {  	v40 =	vadd.f32 v42, v40;
	v41 =	vadd.f32 v41, v43;
	_ =	sdelay $0x1  }
0x3bf: {  	v40 =	vadd.f32 v40, v44;
	v41 =	vadd.f32 v41, v45  }
.Ltmp6:
0x3c0: {  	_ = 	snop;
	(pc) =	sbr.rel @p2 .LBB2_12-.Ltmp6, $4  }
0x3c1: {  	v40 =	vmax.f32 v40, $0.0e+00;
	v41 =	vmax.f32 v41, $0.0e+00  }
0x3c2: {  	v40 =	vpack.i.f32.bf16 v41, v40  }
0x3c3: {  	s31 =	sadd.s32 $0x2880, s10;
	[tilespmem:s15+$0x18] =	vst v40  }
0x3c4: {  	[spmem:s2] =	stream.indirect.scatter.add.bf16 [tilespmem:s20], [sflag:$0x8], $0x18, s31, s22, $0xb8;
	[tilespmem:$0x113C0] =	vst v63  }
0x3c5: {  	s8 =	sadd.s32 $0x3, s25  }
0x3c6: {  	s10 =	sshll.u32 s8, $0x7;
	s8 =	sadd.s32 s13, s8  }
0x3c7: {  	[tilespmem:s28], [sflag:$0x5] =	stream.indirect.gather [hbm4b:s4+s22], $0x20, s10, s22, $0xb8;
	[tilespmem:$0x113C0] =	vst v63  }
.Ltmp7:
0x3c8: {  	s21 =	sadd.s32 $0x1, s21;
	p0 =	sgt.u32 s8, $0x9C3;
	(pc) =	sbr.rel .LBB2_2-.Ltmp7, $4  }
0x3c9: {  	s10 =	sadd.s32 $0x2800, s10;
	s8 =	sshll.u32 @!p0 s8, $0x4;
	s11 =	simm.s32 @!p0 $0x4E200  }
0x3ca: {  	[tilespmem:s30], [sflag:$0x6] =	stream.indirect.gather [hbm4b:s5+s22], $0x20, s10, s22, $0xb8;
	[tilespmem:$0x113C0] =	vst v63  }
0x3cb: {  	s12 =	simm.s32 @!p0 $0xBC80;
	s8 =	sadd.s32 @!p0 s6, s8;
	s10 =	simm.s32 @!p0 $0x80  }
0x3cc: {  	[tilespmem:s12], [sflag:$0x7] =	stream.strided.gather @!p0 [hbm4b:s8+s10], $0x1000, s11, s10, $0x38;
	[tilespmem:$0x113C0] =	vst v63  }
.LBB2_13:
0x3cd: {  	_ =	sfence.sel $0x180000  }
0x3ce: {  	[bflag:$0x0] =	sbarrier.arrive $0xFFFF  }
0x3cf: {  	_ =	strace $0x90000047  }
0x3d0: {  	s0 =	stileid.u32;
	[bflag:$0x2] =	sbarrier.arrive $0xFFFF  }
0x3d1: {  	p0 =	sne.s32 s0, $0x0;
	s0 =	rddreg [dreg:$0x3]  }
0x3d2: {  	s0 =	sadd.s32 @!p0 $0x100000, s0  }
0x3d3: {  	[sflag:s0] =	ssyncadd.tile.s32 @!p0 $0x1;
	_ =	shalt  }
.Lfunc_end2:
_tile_overlayer_lowered:
.L_overlay_start_2:
0x3d4: {  	(tag) =	ssettag $0x2  }
0x3d5: {  	s0 =	rddreg [dreg:$0x0];
	s2 =	stileid.u32  }
0x3d6: {  	s1 =	rddreg [dreg:$0x1];
	p0 =	sne.s32 s2, $0x0  }
0x3d7: {  	s3 =	rddreg [dreg:$0x2];
	[bflag:$0x3] =	sbarrier.arrive $0xFFFF;
	s2 =	simm.s32 @!p0 $0x1C09  }
0x3d8: {  	[timem:s3], [sflag:s2] =	dma.local @!p0 [hbm:s0], s1  }
0x3d9: {  	s0 =	simm.s32 @!p0 $0x9  }
0x3da: {  	_ =	swait.ge @!p0 [sflag:s0], s1  }
0x3db: {  	s1 =	ssub.s32 @!p0 $0x0, s1;
	[sflag:s0] =	ssyncset.done @!p0 $0x0  }
0x3dc: {  	[sflag:s0] =	ssyncadd.s32 @!p0 s1  }
0x3dd: {  	[bflag:$0x3] =	sbarrier.arrive $0xFFFF  }
0x3de: {  	_ =	shalt  }

</sc_bundles>
